<compile_context>
chip_gen: v7x
topology: tpu7x:2x2x1
jax: 0.10.2.dev20260603
libtpu: 0.0.44.dev20260713+nightly
codegen_flags: <defaults>
</compile_context>

<pallas_src>
import functools

import jax
import jax.numpy as jnp
from jax import lax
from jax.experimental import pallas as pl
from jax.experimental.pallas import tpu as pltpu
from jax.experimental.pallas import tpu_sc as plsc

N = 10000
E = 320000
NPAD = 10240
D = 40
DP = 48
NC, NS = 2, 16
NW = NC * NS
EW = E // NW
CH = 128
NCHUNK = EW // CH
TAIL = EW - NCHUNK * CH
RPT = NPAD // NS

_mesh = plsc.VectorSubcoreMesh(core_axis_name="c", subcore_axis_name="s")
_sc_params = pltpu.CompilerParams(
    use_tc_tiling_on_sc=False, needs_layout_passes=False
)


@functools.partial(
    pl.kernel,
    out_type=jax.ShapeDtypeStruct((NW, NPAD), jnp.float32),
    mesh=_mesh,
    scratch_types=[
        pltpu.VMEM((EW,), jnp.int32),
        pltpu.VMEM((NPAD,), jnp.float32),
    ],
    compiler_params=_sc_params,
)
def _deg_kernel(edge_hbm, out_hbm, dstbuf, hist):
    cid = lax.axis_index("c")
    sid = lax.axis_index("s")
    wid = sid * NC + cid
    zeros16 = jnp.zeros((16,), jnp.float32)
    ones16 = jnp.ones((16,), jnp.float32)

    def zbody(i, carry):
        hist[pl.ds(pl.multiple_of(i * 16, 16), 16)] = zeros16
        return carry

    lax.fori_loop(0, NPAD // 16, zbody, 0)
    pltpu.sync_copy(
        edge_hbm.at[1, pl.ds(pl.multiple_of(wid * EW, 16), EW)], dstbuf
    )

    def cbody(i, carry):
        d = dstbuf[pl.ds(pl.multiple_of(i * 16, 16), 16)]
        plsc.addupdate_scatter(hist, [d], ones16)
        return carry

    lax.fori_loop(0, EW // 16, cbody, 0)
    pltpu.sync_copy(hist, out_hbm.at[wid])


NBUF = 5
LG = 2
NSTEP = NCHUNK + (NBUF - LG)
NOUTER = -(-NSTEP // NBUF)


@functools.partial(
    pl.kernel,
    out_type=jax.ShapeDtypeStruct((NC, NPAD, DP), jnp.float32),
    mesh=_mesh,
    scratch_types=[
        pltpu.VMEM((EW,), jnp.int32),
        pltpu.VMEM((EW,), jnp.int32),
        pltpu.VMEM((NBUF, CH, DP), jnp.float32),
        pltpu.VMEM((TAIL, DP), jnp.float32),
        pltpu.VMEM((128, DP), jnp.float32),
        pltpu.VMEM_SHARED((NPAD, DP), jnp.float32),
        pltpu.SemaphoreType.DMA((NBUF,)),
        pltpu.SemaphoreType.DMA((NBUF,)),
    ],
    compiler_params=_sc_params,
)
def _prop_kernel(z_hbm, edge_hbm, out_hbm, srcb, dstb, rows, trows,
                 zblk, acc, gsem, ssem):
    cid = lax.axis_index("c")
    sid = lax.axis_index("s")
    wid = sid * NC + cid
    zeros16 = jnp.zeros((16,), jnp.float32)

    pltpu.sync_copy(
        edge_hbm.at[0, pl.ds(pl.multiple_of(wid * EW, 16), EW)], srcb
    )
    pltpu.sync_copy(
        edge_hbm.at[1, pl.ds(pl.multiple_of(wid * EW, 16), EW)], dstb
    )

    @pl.when(cid == 0)
    def _seed():
        pltpu.sync_copy(
            z_hbm.at[pl.ds(sid * RPT, RPT)], acc.at[pl.ds(sid * RPT, RPT)]
        )

    @pl.when(cid != 0)
    def _zero():
        def zb(i, carry):
            zblk[i // (DP // 16), pl.ds((i % (DP // 16)) * 16, 16)] = zeros16
            return carry

        lax.fori_loop(0, 128 * (DP // 16), zb, 0)

        def zc(k, carry):
            pltpu.sync_copy(zblk, acc.at[pl.ds(sid * RPT + k * 128, 128)])
            return carry

        lax.fori_loop(0, RPT // 128, zc, 0)

    def _idx(buf, i, n=CH):
        return buf.at[pl.ds(pl.multiple_of(i * CH, 16), n)]

    for b in range(LG):
        pltpu.async_copy(z_hbm.at[_idx(srcb, b)], rows.at[b], gsem.at[b])
    plsc.subcore_barrier()

    def outer(j, carry):
        for k in range(NBUF):
            i = j * NBUF + k
            bg = (k + LG) % NBUF

            @pl.when(
                jnp.logical_and(i >= NBUF - LG, i <= NCHUNK - 1 + (NBUF - LG))
            )
            def _retire_scatter():
                pltpu.make_async_copy(
                    rows.at[bg], acc.at[_idx(dstb, i - (NBUF - LG))], ssem.at[bg]
                ).wait()

            @pl.when(i <= NCHUNK - 1 - LG)
            def _launch_gather():
                pltpu.async_copy(
                    z_hbm.at[_idx(srcb, i + LG)], rows.at[bg], gsem.at[bg]
                )

            @pl.when(i <= NCHUNK - 1)
            def _gather_to_scatter():
                pltpu.make_async_copy(
                    z_hbm.at[_idx(srcb, i)], rows.at[k], gsem.at[k]
                ).wait()
                pltpu.async_copy(
                    rows.at[k], acc.at[_idx(dstb, i)], ssem.at[k], add=True
                )

        return carry

    lax.fori_loop(0, NOUTER, outer, 0)

    pltpu.async_copy(
        z_hbm.at[_idx(srcb, NCHUNK, TAIL)], trows, gsem.at[0]
    ).wait()
    pltpu.sync_copy(trows, acc.at[_idx(dstb, NCHUNK, TAIL)], add=True)

    plsc.subcore_barrier()
    pltpu.sync_copy(
        acc.at[pl.ds(sid * RPT, RPT)],
        out_hbm.at[cid, pl.ds(sid * RPT, RPT)],
    )


def _prep_body(x_ref, w1_ref, w2_ref, deg_ref, z_ref, dinv_ref):
    wt = jnp.dot(w1_ref[...], w2_ref[...], preferred_element_type=jnp.float32)
    y = jnp.dot(x_ref[...], wt, preferred_element_type=jnp.float32)
    deg = jnp.sum(deg_ref[...], axis=0) + 1.0
    dinv = lax.rsqrt(deg)
    z = y * dinv[:, None]
    z_ref[...] = jnp.concatenate([z, jnp.zeros((NPAD, DP - D), jnp.float32)], axis=1)
    dinv_ref[...] = dinv[:, None]


_prep = pl.pallas_call(
    _prep_body,
    out_shape=(
        jax.ShapeDtypeStruct((NPAD, DP), jnp.float32),
        jax.ShapeDtypeStruct((NPAD, 1), jnp.float32),
    ),
)


def _mid_body(accs_ref, dinv_ref, w2_ref, b1_ref, z2_ref):
    out1 = dinv_ref[...] * (accs_ref[0] + accs_ref[1])
    c = jnp.dot(b1_ref[...], w2_ref[...], preferred_element_type=jnp.float32)
    c48 = jnp.concatenate([c, jnp.zeros((1, DP - D), jnp.float32)], axis=1)
    z2_ref[...] = dinv_ref[...] * (out1 + c48)


_mid = pl.pallas_call(
    _mid_body,
    out_shape=jax.ShapeDtypeStruct((NPAD, DP), jnp.float32),
)


def _final_body(accs_ref, dinv_ref, b2_ref, out_ref):
    logits = dinv_ref[...] * (accs_ref[0] + accs_ref[1]) + b2_ref[...]
    col = lax.broadcasted_iota(jnp.int32, (NPAD, DP), 1)
    mask = col < D
    lm = jnp.where(mask, logits, jnp.float32(-1e30))
    m = jnp.max(lm, axis=1, keepdims=True)
    e = jnp.where(mask, jnp.exp(lm - m), 0.0)
    s = jnp.sum(e, axis=1, keepdims=True)
    out_ref[...] = lm - m - jnp.log(s)


_final = pl.pallas_call(
    _final_body,
    out_shape=jax.ShapeDtypeStruct((NPAD, DP), jnp.float32),
)


def kernel(x, edge_index, W1, b1, W2, b2):
    edges = edge_index.astype(jnp.int32)
    xp = jnp.pad(x.astype(jnp.float32), ((0, NPAD - N), (0, 0)))
    b1r = b1.astype(jnp.float32).reshape(1, -1)
    b2p = jnp.pad(b2.astype(jnp.float32), (0, DP - D)).reshape(1, DP)

    degs = _deg_kernel(edges)
    z1, dinv = _prep(xp, W1, W2, degs)
    accs1 = _prop_kernel(z1, edges)
    z2 = _mid(accs1, dinv, W2, b1r)
    accs2 = _prop_kernel(z2, edges)
    out48 = _final(accs2, dinv, b2p)
    return out48[:N, :D]

# --- scband reference (transcript-rebuilt; emitter-appended) ---
"""Pipeline reference for scband-gnnbase-6691559047350 (READ-ONLY COPY).

The authoritative reference and input builder live on the scoring server;
editing this copy changes nothing except your own understanding.
"""

import jax, jax.numpy as jnp
import numpy as np

N_NODES = 10000
N_EDGES = 320000
D_IN = 128
D_HID = 128
N_CLS = 40


def gcn_conv(x, edge_index, W, b):
    # Faithful PyG GCNConv: add self-loops, symmetric normalization, propagate.
    n = x.shape[0]
    xw = x @ W
    src = edge_index[0]
    dst = edge_index[1]
    loop = jnp.arange(n, dtype=src.dtype)
    src = jnp.concatenate([src, loop])
    dst = jnp.concatenate([dst, loop])
    ew = jnp.ones(src.shape[0], dtype=xw.dtype)
    deg = jax.ops.segment_sum(ew, dst, num_segments=n)
    dinv = jnp.where(deg > 0, 1.0 / jnp.sqrt(deg), 0.0)
    norm = dinv[src] * ew * dinv[dst]
    msg = xw[src] * norm[:, None]
    out = jax.ops.segment_sum(msg, dst, num_segments=n)
    return out + b


def setup_inputs(seed: int = 0) -> dict:
    key = jax.random.key(seed)
    ks = jax.random.split(key, 6)
    x = jax.random.normal(ks[0], (N_NODES, D_IN), dtype=jnp.float32)
    edge_index = jax.random.randint(ks[1], (2, N_EDGES), 0, N_NODES).astype(jnp.int64)
    W1 = jax.random.normal(ks[2], (D_IN, D_HID), dtype=jnp.float32) * (1.0 / np.sqrt(D_IN))
    b1 = jnp.zeros((D_HID,), dtype=jnp.float32)
    W2 = jax.random.normal(ks[3], (D_HID, N_CLS), dtype=jnp.float32) * (1.0 / np.sqrt(D_HID))
    b2 = jnp.zeros((N_CLS,), dtype=jnp.float32)
    return {"x": x, "edge_index": edge_index, "W1": W1, "b1": b1, "W2": W2, "b2": b2}


def reference(x, edge_index, W1, b1, W2, b2):
    # feat_bottleneck: num_layers=1 -> single GCNConv, no activation/dropout
    # (loop condition i < len(convs)-1 is False for the only layer).
    h = gcn_conv(x, edge_index, W1, b1)
    # feat_classifier (node mode): GCNConv to num_classes
    logits = gcn_conv(h, edge_index, W2, b2)
    # log-softmax over classes
    return jax.nn.log_softmax(logits, axis=1)

if __name__ == "__main__":
    import jax
    _d = setup_inputs()
    print(jax.jit(kernel)(*tuple(_d.values())))

</pallas_src>

<mosaic_0001>
#map = affine_map<(d0, d1) -> (0, 0)>
module attributes {stable_mosaic.version = 14 : i64} {
  func.func @_deg_kernel(%arg0: i32, %arg1: i32, %arg2: memref<2x320000xi32, #tpu.memory_space<hbm>>, %arg3: memref<32x10240xf32, #tpu.memory_space<hbm>>, %arg4: memref<10000xi32, #tpu.memory_space<vmem>>, %arg5: memref<10240xf32, #tpu.memory_space<vmem>>) attributes {dimension_semantics = [#tpu.dimension_semantics<core_parallel>, #tpu.dimension_semantics<subcore_parallel>], iteration_bounds = array<i64: 2, 16>, scalar_prefetch = 0 : i64, scratch_operands = 2 : i64, tpu.core_type = #tpu.core_type<sc_vector_subcore>, window_params = [{transform_indices = #map}, {transform_indices = #map}]} {
    %mul3A = arith.constant 2 : i32
    %mul3A_0 = arith.muli %arg1, %mul3A : i32
    %add3A = arith.addi %mul3A_0, %arg0 : i32
    %broadcast_in_dim3A = arith.constant 0.000000e+00 : f32
    %broadcast_in_dim3A_1 = vector.broadcast %broadcast_in_dim3A : f32 to vector<16xf32>
    %broadcast_in_dim3A_2 = arith.constant 1.000000e+00 : f32
    %broadcast_in_dim3A_3 = vector.broadcast %broadcast_in_dim3A_2 : f32 to vector<16xf32>
    %scan3A = arith.constant 0 : i32
    %scan3A_4 = arith.constant 0 : i32
    %scan3A_5 = arith.constant 640 : i32
    %scan3A_6 = arith.addi %scan3A_4, %scan3A_5 : i32
    %scan3A_7 = arith.constant 1 : i32
    scf.for %scan3A_17 = %scan3A_4 to %scan3A_6 step %scan3A_7  : i32 {
      %mul3A_18 = arith.constant 16 : i32
      %mul3A_19 = arith.muli %scan3A_17, %mul3A_18 : i32
      %multiple_of3A_20 = tpu.assume_multiple %mul3A_19, 16 : i32
      %swap3A = arith.index_cast %multiple_of3A_20 : i32 to index
      %swap3A_21 = tpu.vector_load %arg5[%swap3A] {strides = array<i32>} : memref<10240xf32, #tpu.memory_space<vmem>>, vector<16xf32>,
      tpu.vector_store %arg5[%swap3A], %broadcast_in_dim3A_1 {strides = array<i32>} : memref<10240xf32, #tpu.memory_space<vmem>>, vector<16xf32>,
    }
    %scan3A_8 = arith.constant 640 : i32
    %mul3A_9 = arith.constant 10000 : i32
    %mul3A_10 = arith.muli %add3A, %mul3A_9 : i32
    %multiple_of3A = tpu.assume_multiple %mul3A_10, 16 : i32
    %run_scoped3A = arith.constant 1 : i32
    "tpu.region"() ({
      %run_scoped3A_17 = tpu.sem_alloc : memref<!tpu.dma_semaphore, #tpu.memory_space<semaphore_mem>>
      %dma_start3A = tpu.memref_slice %arg2[%run_scoped3A, %multiple_of3A] : memref<2x320000xi32, #tpu.memory_space<hbm>> -> memref<1x10000xi32, #tpu.memory_space<hbm>>
      %dma_start3A_18 = tpu.memref_squeeze %dma_start3A : memref<1x10000xi32, #tpu.memory_space<hbm>> -> memref<10000xi32, #tpu.memory_space<hbm>>
      %dma_start3A_19 = tpu.memref_slice %arg2[%run_scoped3A, %multiple_of3A] : memref<2x320000xi32, #tpu.memory_space<hbm>> -> memref<1x10000xi32, #tpu.memory_space<hbm>>
      %dma_start3A_20 = tpu.memref_squeeze %dma_start3A_19 : memref<1x10000xi32, #tpu.memory_space<hbm>> -> memref<10000xi32, #tpu.memory_space<hbm>>
      tpu.enqueue_dma source(%dma_start3A_20 : memref<10000xi32, #tpu.memory_space<hbm>>) target(%arg4 : memref<10000xi32, #tpu.memory_space<vmem>>) target_semaphore(%run_scoped3A_17 : memref<!tpu.dma_semaphore, #tpu.memory_space<semaphore_mem>>)
      %dma_wait3A = tpu.memref_slice %arg2[%run_scoped3A, %multiple_of3A] : memref<2x320000xi32, #tpu.memory_space<hbm>> -> memref<1x10000xi32, #tpu.memory_space<hbm>>
      %dma_wait3A_21 = tpu.memref_squeeze %dma_wait3A : memref<1x10000xi32, #tpu.memory_space<hbm>> -> memref<10000xi32, #tpu.memory_space<hbm>>
      %dma_wait3A_22 = tpu.memref_slice %arg2[%run_scoped3A, %multiple_of3A] : memref<2x320000xi32, #tpu.memory_space<hbm>> -> memref<1x10000xi32, #tpu.memory_space<hbm>>
      %dma_wait3A_23 = tpu.memref_squeeze %dma_wait3A_22 : memref<1x10000xi32, #tpu.memory_space<hbm>> -> memref<10000xi32, #tpu.memory_space<hbm>>
      tpu.wait_dma2 semaphore(%run_scoped3A_17 : memref<!tpu.dma_semaphore, #tpu.memory_space<semaphore_mem>>) src(%dma_wait3A_23 : memref<10000xi32, #tpu.memory_space<hbm>>) dst(%arg4 : memref<10000xi32, #tpu.memory_space<vmem>>)
      tpu.yield
    }) : () -> ()
    %scan3A_11 = arith.constant 0 : i32
    %scan3A_12 = arith.constant 0 : i32
    %scan3A_13 = arith.constant 625 : i32
    %scan3A_14 = arith.addi %scan3A_12, %scan3A_13 : i32
    %scan3A_15 = arith.constant 1 : i32
    scf.for %scan3A_17 = %scan3A_12 to %scan3A_14 step %scan3A_15  : i32 {
      %mul3A_18 = arith.constant 16 : i32
      %mul3A_19 = arith.muli %scan3A_17, %mul3A_18 : i32
      %multiple_of3A_20 = tpu.assume_multiple %mul3A_19, 16 : i32
      %get3A = arith.index_cast %multiple_of3A_20 : i32 to index
      %get3A_21 = tpu.vector_load %arg4[%get3A] {strides = array<i32>} : memref<10000xi32, #tpu.memory_space<vmem>>, vector<16xi32>,
      tpu.vector_store_idx %arg5[%get3A_21], %broadcast_in_dim3A_3 {add = true} : memref<10240xf32, #tpu.memory_space<vmem>>[vector<16xi32>], vector<16xf32>,
    }
    %scan3A_16 = arith.constant 625 : i32
    "tpu.region"() ({
      %run_scoped3A_17 = tpu.sem_alloc : memref<!tpu.dma_semaphore, #tpu.memory_space<semaphore_mem>>
      %dma_start3A = arith.constant 0 : i32
      %dma_start3A_18 = tpu.memref_slice %arg3[%add3A, %dma_start3A] : memref<32x10240xf32, #tpu.memory_space<hbm>> -> memref<1x10240xf32, #tpu.memory_space<hbm>>
      %dma_start3A_19 = tpu.memref_squeeze %dma_start3A_18 : memref<1x10240xf32, #tpu.memory_space<hbm>> -> memref<10240xf32, #tpu.memory_space<hbm>>
      %dma_start3A_20 = arith.constant 0 : i32
      %dma_start3A_21 = tpu.memref_slice %arg3[%add3A, %dma_start3A_20] : memref<32x10240xf32, #tpu.memory_space<hbm>> -> memref<1x10240xf32, #tpu.memory_space<hbm>>
      %dma_start3A_22 = tpu.memref_squeeze %dma_start3A_21 : memref<1x10240xf32, #tpu.memory_space<hbm>> -> memref<10240xf32, #tpu.memory_space<hbm>>
      tpu.enqueue_dma source(%arg5 : memref<10240xf32, #tpu.memory_space<vmem>>) target(%dma_start3A_22 : memref<10240xf32, #tpu.memory_space<hbm>>) target_semaphore(%run_scoped3A_17 : memref<!tpu.dma_semaphore, #tpu.memory_space<semaphore_mem>>)
      %dma_wait3A = arith.constant 0 : i32
      %dma_wait3A_23 = tpu.memref_slice %arg3[%add3A, %dma_wait3A] : memref<32x10240xf32, #tpu.memory_space<hbm>> -> memref<1x10240xf32, #tpu.memory_space<hbm>>
      %dma_wait3A_24 = tpu.memref_squeeze %dma_wait3A_23 : memref<1x10240xf32, #tpu.memory_space<hbm>> -> memref<10240xf32, #tpu.memory_space<hbm>>
      %dma_wait3A_25 = arith.constant 0 : i32
      %dma_wait3A_26 = tpu.memref_slice %arg3[%add3A, %dma_wait3A_25] : memref<32x10240xf32, #tpu.memory_space<hbm>> -> memref<1x10240xf32, #tpu.memory_space<hbm>>
      %dma_wait3A_27 = tpu.memref_squeeze %dma_wait3A_26 : memref<1x10240xf32, #tpu.memory_space<hbm>> -> memref<10240xf32, #tpu.memory_space<hbm>>
      tpu.wait_dma2 semaphore(%run_scoped3A_17 : memref<!tpu.dma_semaphore, #tpu.memory_space<semaphore_mem>>) src(%arg5 : memref<10240xf32, #tpu.memory_space<vmem>>) dst(%dma_wait3A_27 : memref<10240xf32, #tpu.memory_space<hbm>>)
      tpu.yield
    }) : () -> ()
    return
  }
}

#map = affine_map<(d0, d1) -> (0, 0)>
#map1 = affine_map<(d0, d1) -> (0, 0, 0)>
module attributes {stable_mosaic.version = 14 : i64} {
  func.func @_prop_kernel(%arg0: i32, %arg1: i32, %arg2: memref<10240x48xf32, #tpu.memory_space<hbm>>, %arg3: memref<2x320000xi32, #tpu.memory_space<hbm>>, %arg4: memref<2x10240x48xf32, #tpu.memory_space<hbm>>, %arg5: memref<10000xi32, #tpu.memory_space<vmem>>, %arg6: memref<10000xi32, #tpu.memory_space<vmem>>, %arg7: memref<5x128x48xf32, #tpu.memory_space<vmem>>, %arg8: memref<16x48xf32, #tpu.memory_space<vmem>>, %arg9: memref<128x48xf32, #tpu.memory_space<vmem>>, %arg10: memref<10240x48xf32, #tpu.memory_space<vmem_shared>>, %arg11: memref<5x!tpu.dma_semaphore, #tpu.memory_space<semaphore_mem>>, %arg12: memref<5x!tpu.dma_semaphore, #tpu.memory_space<semaphore_mem>>) attributes {dimension_semantics = [#tpu.dimension_semantics<core_parallel>, #tpu.dimension_semantics<subcore_parallel>], iteration_bounds = array<i64: 2, 16>, scalar_prefetch = 0 : i64, scratch_operands = 8 : i64, tpu.core_type = #tpu.core_type<sc_vector_subcore>, window_params = [{transform_indices = #map}, {transform_indices = #map}, {transform_indices = #map1}]} {
    %mul3A = arith.constant 2 : i32
    %mul3A_0 = arith.muli %arg1, %mul3A : i32
    %add3A = arith.addi %mul3A_0, %arg0 : i32
    %broadcast_in_dim3A = arith.constant 0.000000e+00 : f32
    %broadcast_in_dim3A_1 = vector.broadcast %broadcast_in_dim3A : f32 to vector<16xf32>
    %mul3A_2 = arith.constant 10000 : i32
    %mul3A_3 = arith.muli %add3A, %mul3A_2 : i32
    %multiple_of3A = tpu.assume_multiple %mul3A_3, 16 : i32
    %run_scoped3A = arith.constant 0 : i32
    "tpu.region"() ({
      %run_scoped3A_68 = tpu.sem_alloc : memref<!tpu.dma_semaphore, #tpu.memory_space<semaphore_mem>>
      %dma_start3A_69 = tpu.memref_slice %arg3[%run_scoped3A, %multiple_of3A] : memref<2x320000xi32, #tpu.memory_space<hbm>> -> memref<1x10000xi32, #tpu.memory_space<hbm>>
      %dma_start3A_70 = tpu.memref_squeeze %dma_start3A_69 : memref<1x10000xi32, #tpu.memory_space<hbm>> -> memref<10000xi32, #tpu.memory_space<hbm>>
      %dma_start3A_71 = tpu.memref_slice %arg3[%run_scoped3A, %multiple_of3A] : memref<2x320000xi32, #tpu.memory_space<hbm>> -> memref<1x10000xi32, #tpu.memory_space<hbm>>
      %dma_start3A_72 = tpu.memref_squeeze %dma_start3A_71 : memref<1x10000xi32, #tpu.memory_space<hbm>> -> memref<10000xi32, #tpu.memory_space<hbm>>
      tpu.enqueue_dma source(%dma_start3A_72 : memref<10000xi32, #tpu.memory_space<hbm>>) target(%arg5 : memref<10000xi32, #tpu.memory_space<vmem>>) target_semaphore(%run_scoped3A_68 : memref<!tpu.dma_semaphore, #tpu.memory_space<semaphore_mem>>)
      %dma_wait3A_73 = tpu.memref_slice %arg3[%run_scoped3A, %multiple_of3A] : memref<2x320000xi32, #tpu.memory_space<hbm>> -> memref<1x10000xi32, #tpu.memory_space<hbm>>
      %dma_wait3A_74 = tpu.memref_squeeze %dma_wait3A_73 : memref<1x10000xi32, #tpu.memory_space<hbm>> -> memref<10000xi32, #tpu.memory_space<hbm>>
      %dma_wait3A_75 = tpu.memref_slice %arg3[%run_scoped3A, %multiple_of3A] : memref<2x320000xi32, #tpu.memory_space<hbm>> -> memref<1x10000xi32, #tpu.memory_space<hbm>>
      %dma_wait3A_76 = tpu.memref_squeeze %dma_wait3A_75 : memref<1x10000xi32, #tpu.memory_space<hbm>> -> memref<10000xi32, #tpu.memory_space<hbm>>
      tpu.wait_dma2 semaphore(%run_scoped3A_68 : memref<!tpu.dma_semaphore, #tpu.memory_space<semaphore_mem>>) src(%dma_wait3A_76 : memref<10000xi32, #tpu.memory_space<hbm>>) dst(%arg5 : memref<10000xi32, #tpu.memory_space<vmem>>)
      tpu.yield
    }) : () -> ()
    %mul3A_4 = arith.constant 10000 : i32
    %mul3A_5 = arith.muli %add3A, %mul3A_4 : i32
    %multiple_of3A_6 = tpu.assume_multiple %mul3A_5, 16 : i32
    %run_scoped3A_7 = arith.constant 1 : i32
    "tpu.region"() ({
      %run_scoped3A_68 = tpu.sem_alloc : memref<!tpu.dma_semaphore, #tpu.memory_space<semaphore_mem>>
      %dma_start3A_69 = tpu.memref_slice %arg3[%run_scoped3A_7, %multiple_of3A_6] : memref<2x320000xi32, #tpu.memory_space<hbm>> -> memref<1x10000xi32, #tpu.memory_space<hbm>>
      %dma_start3A_70 = tpu.memref_squeeze %dma_start3A_69 : memref<1x10000xi32, #tpu.memory_space<hbm>> -> memref<10000xi32, #tpu.memory_space<hbm>>
      %dma_start3A_71 = tpu.memref_slice %arg3[%run_scoped3A_7, %multiple_of3A_6] : memref<2x320000xi32, #tpu.memory_space<hbm>> -> memref<1x10000xi32, #tpu.memory_space<hbm>>
      %dma_start3A_72 = tpu.memref_squeeze %dma_start3A_71 : memref<1x10000xi32, #tpu.memory_space<hbm>> -> memref<10000xi32, #tpu.memory_space<hbm>>
      tpu.enqueue_dma source(%dma_start3A_72 : memref<10000xi32, #tpu.memory_space<hbm>>) target(%arg6 : memref<10000xi32, #tpu.memory_space<vmem>>) target_semaphore(%run_scoped3A_68 : memref<!tpu.dma_semaphore, #tpu.memory_space<semaphore_mem>>)
      %dma_wait3A_73 = tpu.memref_slice %arg3[%run_scoped3A_7, %multiple_of3A_6] : memref<2x320000xi32, #tpu.memory_space<hbm>> -> memref<1x10000xi32, #tpu.memory_space<hbm>>
      %dma_wait3A_74 = tpu.memref_squeeze %dma_wait3A_73 : memref<1x10000xi32, #tpu.memory_space<hbm>> -> memref<10000xi32, #tpu.memory_space<hbm>>
      %dma_wait3A_75 = tpu.memref_slice %arg3[%run_scoped3A_7, %multiple_of3A_6] : memref<2x320000xi32, #tpu.memory_space<hbm>> -> memref<1x10000xi32, #tpu.memory_space<hbm>>
      %dma_wait3A_76 = tpu.memref_squeeze %dma_wait3A_75 : memref<1x10000xi32, #tpu.memory_space<hbm>> -> memref<10000xi32, #tpu.memory_space<hbm>>
      tpu.wait_dma2 semaphore(%run_scoped3A_68 : memref<!tpu.dma_semaphore, #tpu.memory_space<semaphore_mem>>) src(%dma_wait3A_76 : memref<10000xi32, #tpu.memory_space<hbm>>) dst(%arg6 : memref<10000xi32, #tpu.memory_space<vmem>>)
      tpu.yield
    }) : () -> ()
    %eq3A = arith.constant 0 : i32
    %eq3A_8 = arith.cmpi eq, %arg0, %eq3A : i32
    %convert_element_type3A = arith.extui %eq3A_8 : i1 to i32
    %cond3A = arith.constant 0 : i32
    %cond3A_9 = arith.cmpi ne, %convert_element_type3A, %cond3A : i32
    scf.if %cond3A_9 {
      %mul3A_68 = arith.constant 640 : i32
      %mul3A_69 = arith.muli %arg1, %mul3A_68 : i32
      %mul3A_70 = arith.constant 640 : i32
      %mul3A_71 = arith.muli %arg1, %mul3A_70 : i32
      "tpu.region"() ({
        %run_scoped3A_72 = tpu.sem_alloc : memref<!tpu.dma_semaphore, #tpu.memory_space<semaphore_mem>>
        %dma_start3A_73 = arith.constant 0 : i32
        %dma_start3A_74 = tpu.memref_slice %arg10[%mul3A_71, %dma_start3A_73] : memref<10240x48xf32, #tpu.memory_space<vmem_shared>> -> memref<640x48xf32, #tpu.memory_space<vmem_shared>>
        %dma_start3A_75 = arith.constant 0 : i32
        %dma_start3A_76 = tpu.memref_slice %arg2[%mul3A_69, %dma_start3A_75] : memref<10240x48xf32, #tpu.memory_space<hbm>> -> memref<640x48xf32, #tpu.memory_space<hbm>>
        tpu.enqueue_dma source(%dma_start3A_76 : memref<640x48xf32, #tpu.memory_space<hbm>>) target(%dma_start3A_74 : memref<640x48xf32, #tpu.memory_space<vmem_shared>>) target_semaphore(%run_scoped3A_72 : memref<!tpu.dma_semaphore, #tpu.memory_space<semaphore_mem>>)
        %dma_wait3A_77 = arith.constant 0 : i32
        %dma_wait3A_78 = tpu.memref_slice %arg10[%mul3A_71, %dma_wait3A_77] : memref<10240x48xf32, #tpu.memory_space<vmem_shared>> -> memref<640x48xf32, #tpu.memory_space<vmem_shared>>
        %dma_wait3A_79 = arith.constant 0 : i32
        %dma_wait3A_80 = tpu.memref_slice %arg2[%mul3A_69, %dma_wait3A_79] : memref<10240x48xf32, #tpu.memory_space<hbm>> -> memref<640x48xf32, #tpu.memory_space<hbm>>
        tpu.wait_dma2 semaphore(%run_scoped3A_72 : memref<!tpu.dma_semaphore, #tpu.memory_space<semaphore_mem>>) src(%dma_wait3A_80 : memref<640x48xf32, #tpu.memory_space<hbm>>) dst(%dma_wait3A_78 : memref<640x48xf32, #tpu.memory_space<vmem_shared>>)
        tpu.yield
      }) : () -> ()
    } else {
    }
    %ne3A = arith.constant 0 : i32
    %ne3A_10 = arith.cmpi ne, %arg0, %ne3A : i32
    %convert_element_type3A_11 = arith.extui %ne3A_10 : i1 to i32
    %cond3A_12 = arith.constant 0 : i32
    %cond3A_13 = arith.cmpi ne, %convert_element_type3A_11, %cond3A_12 : i32
    scf.if %cond3A_13 {
      %scan3A_68 = arith.constant 0 : i32
      %scan3A_69 = arith.constant 0 : i32
      %scan3A_70 = arith.constant 384 : i32
      %scan3A_71 = arith.addi %scan3A_69, %scan3A_70 : i32
      %scan3A_72 = arith.constant 1 : i32
      scf.for %scan3A_80 = %scan3A_69 to %scan3A_71 step %scan3A_72  : i32 {
        %jit3A = arith.constant 3 : i32
        %div3A = arith.divsi %scan3A_80, %jit3A : i32
        %sign3A = arith.constant 0 : i32
        %sign3A_81 = arith.cmpi sgt, %scan3A_80, %sign3A : i32
        %sign3A_82 = arith.extui %sign3A_81 : i1 to i32
        %sign3A_83 = arith.constant 0 : i32
        %sign3A_84 = arith.cmpi slt, %scan3A_80, %sign3A_83 : i32
        %sign3A_85 = arith.extui %sign3A_84 : i1 to i32
        %sign3A_86 = arith.subi %sign3A_82, %sign3A_85 : i32
        %sign3A_87 = arith.constant 0 : i32
        %sign3A_88 = arith.cmpi sgt, %jit3A, %sign3A_87 : i32
        %sign3A_89 = arith.extui %sign3A_88 : i1 to i32
        %sign3A_90 = arith.constant 0 : i32
        %sign3A_91 = arith.cmpi slt, %jit3A, %sign3A_90 : i32
        %sign3A_92 = arith.extui %sign3A_91 : i1 to i32
        %sign3A_93 = arith.subi %sign3A_89, %sign3A_92 : i32
        %ne3A_94 = arith.cmpi ne, %sign3A_86, %sign3A_93 : i32
        %rem3A = arith.remsi %scan3A_80, %jit3A : i32
        %ne3A_95 = arith.constant 0 : i32
        %ne3A_96 = arith.cmpi ne, %rem3A, %ne3A_95 : i32
        %and3A = arith.andi %ne3A_94, %ne3A_96 : i1
        %sub3A = arith.constant 1 : i32
        %sub3A_97 = arith.subi %div3A, %sub3A : i32
        %select_n3A = arith.select %and3A, %sub3A_97, %div3A : i32
        %jit3A_98 = arith.constant 3 : i32
        %eq3A_99 = arith.constant 0 : i32
        %eq3A_100 = arith.cmpi eq, %jit3A_98, %eq3A_99 : i32
        %jit3A_101 = arith.constant 1 : i32
        %select_n3A_102 = arith.select %eq3A_100, %jit3A_101, %jit3A_98 : i32
        %rem3A_103 = arith.remsi %scan3A_80, %select_n3A_102 : i32
        %ne3A_104 = arith.constant 0 : i32
        %ne3A_105 = arith.cmpi ne, %rem3A_103, %ne3A_104 : i32
        %lt3A = arith.constant 0 : i32
        %lt3A_106 = arith.cmpi slt, %rem3A_103, %lt3A : i32
        %lt3A_107 = arith.constant 0 : i32
        %lt3A_108 = arith.cmpi slt, %select_n3A_102, %lt3A_107 : i32
        %ne3A_109 = arith.xori %lt3A_106, %lt3A_108 : i1
        %and3A_110 = arith.andi %ne3A_109, %ne3A_105 : i1
        %add3A_111 = arith.addi %rem3A_103, %select_n3A_102 : i32
        %select_n3A_112 = arith.select %and3A_110, %add3A_111, %rem3A_103 : i32
        %mul3A_113 = arith.constant 16 : i32
        %mul3A_114 = arith.muli %select_n3A_112, %mul3A_113 : i32
        %swap3A = arith.index_cast %select_n3A : i32 to index
        %swap3A_115 = arith.index_cast %mul3A_114 : i32 to index
        %swap3A_116 = tpu.vector_load %arg9[%swap3A, %swap3A_115] {strides = array<i32>} : memref<128x48xf32, #tpu.memory_space<vmem>>, vector<16xf32>,
        tpu.vector_store %arg9[%swap3A, %swap3A_115], %broadcast_in_dim3A_1 {strides = array<i32>} : memref<128x48xf32, #tpu.memory_space<vmem>>, vector<16xf32>,
      }
      %scan3A_73 = arith.constant 384 : i32
      %scan3A_74 = arith.constant 0 : i32
      %scan3A_75 = arith.constant 0 : i32
      %scan3A_76 = arith.constant 5 : i32
      %scan3A_77 = arith.addi %scan3A_75, %scan3A_76 : i32
      %scan3A_78 = arith.constant 1 : i32
      scf.for %scan3A_80 = %scan3A_75 to %scan3A_77 step %scan3A_78  : i32 {
        %mul3A_81 = arith.constant 640 : i32
        %mul3A_82 = arith.muli %arg1, %mul3A_81 : i32
        %mul3A_83 = arith.constant 128 : i32
        %mul3A_84 = arith.muli %scan3A_80, %mul3A_83 : i32
        %add3A_85 = arith.addi %mul3A_82, %mul3A_84 : i32
        "tpu.region"() ({
          %run_scoped3A_86 = tpu.sem_alloc : memref<!tpu.dma_semaphore, #tpu.memory_space<semaphore_mem>>
          %dma_start3A_87 = arith.constant 0 : i32
          %dma_start3A_88 = tpu.memref_slice %arg10[%add3A_85, %dma_start3A_87] : memref<10240x48xf32, #tpu.memory_space<vmem_shared>> -> memref<128x48xf32, #tpu.memory_space<vmem_shared>>
          %dma_start3A_89 = arith.constant 0 : i32
          %dma_start3A_90 = tpu.memref_slice %arg10[%add3A_85, %dma_start3A_89] : memref<10240x48xf32, #tpu.memory_space<vmem_shared>> -> memref<128x48xf32, #tpu.memory_space<vmem_shared>>
          tpu.enqueue_dma source(%arg9 : memref<128x48xf32, #tpu.memory_space<vmem>>) target(%dma_start3A_90 : memref<128x48xf32, #tpu.memory_space<vmem_shared>>) target_semaphore(%run_scoped3A_86 : memref<!tpu.dma_semaphore, #tpu.memory_space<semaphore_mem>>)
          %dma_wait3A_91 = arith.constant 0 : i32
          %dma_wait3A_92 = tpu.memref_slice %arg10[%add3A_85, %dma_wait3A_91] : memref<10240x48xf32, #tpu.memory_space<vmem_shared>> -> memref<128x48xf32, #tpu.memory_space<vmem_shared>>
          %dma_wait3A_93 = arith.constant 0 : i32
          %dma_wait3A_94 = tpu.memref_slice %arg10[%add3A_85, %dma_wait3A_93] : memref<10240x48xf32, #tpu.memory_space<vmem_shared>> -> memref<128x48xf32, #tpu.memory_space<vmem_shared>>
          tpu.wait_dma2 semaphore(%run_scoped3A_86 : memref<!tpu.dma_semaphore, #tpu.memory_space<semaphore_mem>>) src(%arg9 : memref<128x48xf32, #tpu.memory_space<vmem>>) dst(%dma_wait3A_94 : memref<128x48xf32, #tpu.memory_space<vmem_shared>>)
          tpu.yield
        }) : () -> ()
      }
      %scan3A_79 = arith.constant 5 : i32
    } else {
    }
    %multiple_of3A_14 = arith.constant 0 : i32
    %multiple_of3A_15 = tpu.assume_multiple %multiple_of3A_14, 16 : i32
    %dma_start3A = arith.constant 0 : i32
    %dma_start3A_16 = arith.constant 0 : i32
    %dma_start3A_17 = arith.constant 0 : i32
    %dma_start3A_18 = arith.constant 0 : i32
    %dma_start3A_19 = tpu.memref_slice %arg7[%dma_start3A, %dma_start3A_17, %dma_start3A_18] : memref<5x128x48xf32, #tpu.memory_space<vmem>> -> memref<1x128x48xf32, #tpu.memory_space<vmem>>
    %dma_start3A_20 = tpu.memref_squeeze %dma_start3A_19 : memref<1x128x48xf32, #tpu.memory_space<vmem>> -> memref<128x48xf32, #tpu.memory_space<vmem>>
    %dma_start3A_21 = tpu.memref_slice %arg5[%multiple_of3A_15] : memref<10000xi32, #tpu.memory_space<vmem>> -> memref<128xi32, #tpu.memory_space<vmem>>
    %dma_start3A_22 = arith.constant 0 : i32
    %dma_start3A_23 = arith.constant 0 : i32
    %dma_start3A_24 = tpu.memref_slice %arg2[%dma_start3A_22, %dma_start3A_23] : memref<10240x48xf32, #tpu.memory_space<hbm>> -> memref<10240x48xf32, #tpu.memory_space<hbm>>
    %dma_start3A_25 = tpu.memref_slice %arg11[%dma_start3A_16] : memref<5x!tpu.dma_semaphore, #tpu.memory_space<semaphore_mem>> -> memref<1x!tpu.dma_semaphore, #tpu.memory_space<semaphore_mem>>
    %dma_start3A_26 = tpu.memref_squeeze %dma_start3A_25 : memref<1x!tpu.dma_semaphore, #tpu.memory_space<semaphore_mem>> -> memref<!tpu.dma_semaphore, #tpu.memory_space<semaphore_mem>>
    tpu.enqueue_indirect_dma source(%dma_start3A_24 : memref<10240x48xf32, #tpu.memory_space<hbm>>) target(%dma_start3A_20 : memref<128x48xf32, #tpu.memory_space<vmem>>) offsets(%dma_start3A_21 : memref<128xi32, #tpu.memory_space<vmem>>) semaphore(%dma_start3A_26 : memref<!tpu.dma_semaphore, #tpu.memory_space<semaphore_mem>>)
    %multiple_of3A_27 = arith.constant 128 : i32
    %multiple_of3A_28 = tpu.assume_multiple %multiple_of3A_27, 16 : i32
    %dma_start3A_29 = arith.constant 1 : i32
    %dma_start3A_30 = arith.constant 1 : i32
    %dma_start3A_31 = arith.constant 0 : i32
    %dma_start3A_32 = arith.constant 0 : i32
    %dma_start3A_33 = tpu.memref_slice %arg7[%dma_start3A_29, %dma_start3A_31, %dma_start3A_32] : memref<5x128x48xf32, #tpu.memory_space<vmem>> -> memref<1x128x48xf32, #tpu.memory_space<vmem>>
    %dma_start3A_34 = tpu.memref_squeeze %dma_start3A_33 : memref<1x128x48xf32, #tpu.memory_space<vmem>> -> memref<128x48xf32, #tpu.memory_space<vmem>>
    %dma_start3A_35 = tpu.memref_slice %arg5[%multiple_of3A_28] : memref<10000xi32, #tpu.memory_space<vmem>> -> memref<128xi32, #tpu.memory_space<vmem>>
    %dma_start3A_36 = arith.constant 0 : i32
    %dma_start3A_37 = arith.constant 0 : i32
    %dma_start3A_38 = tpu.memref_slice %arg2[%dma_start3A_36, %dma_start3A_37] : memref<10240x48xf32, #tpu.memory_space<hbm>> -> memref<10240x48xf32, #tpu.memory_space<hbm>>
    %dma_start3A_39 = tpu.memref_slice %arg11[%dma_start3A_30] : memref<5x!tpu.dma_semaphore, #tpu.memory_space<semaphore_mem>> -> memref<1x!tpu.dma_semaphore, #tpu.memory_space<semaphore_mem>>
    %dma_start3A_40 = tpu.memref_squeeze %dma_start3A_39 : memref<1x!tpu.dma_semaphore, #tpu.memory_space<semaphore_mem>> -> memref<!tpu.dma_semaphore, #tpu.memory_space<semaphore_mem>>
    tpu.enqueue_indirect_dma source(%dma_start3A_38 : memref<10240x48xf32, #tpu.memory_space<hbm>>) target(%dma_start3A_34 : memref<128x48xf32, #tpu.memory_space<vmem>>) offsets(%dma_start3A_35 : memref<128xi32, #tpu.memory_space<vmem>>) semaphore(%dma_start3A_40 : memref<!tpu.dma_semaphore, #tpu.memory_space<semaphore_mem>>)
    %barrier3A = arith.constant 0 : index
    tpu.barrier barrier_id(%barrier3A)
    %scan3A = arith.constant 0 : i32
    %scan3A_41 = arith.constant 0 : i32
    %scan3A_42 = arith.constant 17 : i32
    %scan3A_43 = arith.addi %scan3A_41, %scan3A_42 : i32
    %scan3A_44 = arith.constant 1 : i32
    scf.for %scan3A_68 = %scan3A_41 to %scan3A_43 step %scan3A_44  : i32 {
      %mul3A_69 = arith.constant 5 : i32
      %mul3A_70 = arith.muli %scan3A_68, %mul3A_69 : i32
      %add3A_71 = arith.constant 0 : i32
      %add3A_72 = arith.addi %mul3A_70, %add3A_71 : i32
      %ge3A = arith.constant 3 : i32
      %ge3A_73 = arith.cmpi sge, %add3A_72, %ge3A : i32
      %le3A = arith.constant 80 : i32
      %le3A_74 = arith.cmpi sle, %add3A_72, %le3A : i32
      %and3A = arith.andi %ge3A_73, %le3A_74 : i1
      %convert_element_type3A_75 = arith.extui %and3A : i1 to i32
      %cond3A_76 = arith.constant 0 : i32
      %cond3A_77 = arith.cmpi ne, %convert_element_type3A_75, %cond3A_76 : i32
      scf.if %cond3A_77 {
        %sub3A = arith.constant 3 : i32
        %sub3A_176 = arith.subi %add3A_72, %sub3A : i32
        %mul3A_177 = arith.constant 128 : i32
        %mul3A_178 = arith.muli %sub3A_176, %mul3A_177 : i32
        %multiple_of3A_179 = tpu.assume_multiple %mul3A_178, 16 : i32
        %dma_wait3A_180 = arith.constant 2 : i32
        %dma_wait3A_181 = arith.constant 2 : i32
        %dma_wait3A_182 = arith.constant 0 : i32
        %dma_wait3A_183 = arith.constant 0 : i32
        %dma_wait3A_184 = tpu.memref_slice %arg7[%dma_wait3A_180, %dma_wait3A_182, %dma_wait3A_183] : memref<5x128x48xf32, #tpu.memory_space<vmem>> -> memref<1x128x48xf32, #tpu.memory_space<vmem>>
        %dma_wait3A_185 = tpu.memref_squeeze %dma_wait3A_184 : memref<1x128x48xf32, #tpu.memory_space<vmem>> -> memref<128x48xf32, #tpu.memory_space<vmem>>
        %dma_wait3A_186 = tpu.memref_slice %arg6[%multiple_of3A_179] : memref<10000xi32, #tpu.memory_space<vmem>> -> memref<128xi32, #tpu.memory_space<vmem>>
        %dma_wait3A_187 = arith.constant 0 : i32
        %dma_wait3A_188 = arith.constant 0 : i32
        %dma_wait3A_189 = tpu.memref_slice %arg10[%dma_wait3A_187, %dma_wait3A_188] : memref<10240x48xf32, #tpu.memory_space<vmem_shared>> -> memref<10240x48xf32, #tpu.memory_space<vmem_shared>>
        %dma_wait3A_190 = tpu.memref_slice %arg12[%dma_wait3A_181] : memref<5x!tpu.dma_semaphore, #tpu.memory_space<semaphore_mem>> -> memref<1x!tpu.dma_semaphore, #tpu.memory_space<semaphore_mem>>
        %dma_wait3A_191 = tpu.memref_squeeze %dma_wait3A_190 : memref<1x!tpu.dma_semaphore, #tpu.memory_space<semaphore_mem>> -> memref<!tpu.dma_semaphore, #tpu.memory_space<semaphore_mem>>
        tpu.wait_indirect_dma semaphore(%dma_wait3A_191 : memref<!tpu.dma_semaphore, #tpu.memory_space<semaphore_mem>>) src(%dma_wait3A_185 : memref<128x48xf32, #tpu.memory_space<vmem>>) dst(%dma_wait3A_189 : memref<10240x48xf32, #tpu.memory_space<vmem_shared>>)
      } else {
      }
      %le3A_78 = arith.constant 75 : i32
      %le3A_79 = arith.cmpi sle, %add3A_72, %le3A_78 : i32
      %convert_element_type3A_80 = arith.extui %le3A_79 : i1 to i32
      %cond3A_81 = arith.constant 0 : i32
      %cond3A_82 = arith.cmpi ne, %convert_element_type3A_80, %cond3A_81 : i32
      scf.if %cond3A_82 {
        %add3A_176 = arith.constant 2 : i32
        %add3A_177 = arith.addi %add3A_72, %add3A_176 : i32
        %mul3A_178 = arith.constant 128 : i32
        %mul3A_179 = arith.muli %add3A_177, %mul3A_178 : i32
        %multiple_of3A_180 = tpu.assume_multiple %mul3A_179, 16 : i32
        %dma_start3A_181 = arith.constant 2 : i32
        %dma_start3A_182 = arith.constant 2 : i32
        %dma_start3A_183 = arith.constant 0 : i32
        %dma_start3A_184 = arith.constant 0 : i32
        %dma_start3A_185 = tpu.memref_slice %arg7[%dma_start3A_181, %dma_start3A_183, %dma_start3A_184] : memref<5x128x48xf32, #tpu.memory_space<vmem>> -> memref<1x128x48xf32, #tpu.memory_space<vmem>>
        %dma_start3A_186 = tpu.memref_squeeze %dma_start3A_185 : memref<1x128x48xf32, #tpu.memory_space<vmem>> -> memref<128x48xf32, #tpu.memory_space<vmem>>
        %dma_start3A_187 = tpu.memref_slice %arg5[%multiple_of3A_180] : memref<10000xi32, #tpu.memory_space<vmem>> -> memref<128xi32, #tpu.memory_space<vmem>>
        %dma_start3A_188 = arith.constant 0 : i32
        %dma_start3A_189 = arith.constant 0 : i32
        %dma_start3A_190 = tpu.memref_slice %arg2[%dma_start3A_188, %dma_start3A_189] : memref<10240x48xf32, #tpu.memory_space<hbm>> -> memref<10240x48xf32, #tpu.memory_space<hbm>>
        %dma_start3A_191 = tpu.memref_slice %arg11[%dma_start3A_182] : memref<5x!tpu.dma_semaphore, #tpu.memory_space<semaphore_mem>> -> memref<1x!tpu.dma_semaphore, #tpu.memory_space<semaphore_mem>>
        %dma_start3A_192 = tpu.memref_squeeze %dma_start3A_191 : memref<1x!tpu.dma_semaphore, #tpu.memory_space<semaphore_mem>> -> memref<!tpu.dma_semaphore, #tpu.memory_space<semaphore_mem>>
        tpu.enqueue_indirect_dma source(%dma_start3A_190 : memref<10240x48xf32, #tpu.memory_space<hbm>>) target(%dma_start3A_186 : memref<128x48xf32, #tpu.memory_space<vmem>>) offsets(%dma_start3A_187 : memref<128xi32, #tpu.memory_space<vmem>>) semaphore(%dma_start3A_192 : memref<!tpu.dma_semaphore, #tpu.memory_space<semaphore_mem>>)
      } else {
      }
      %le3A_83 = arith.constant 77 : i32
      %le3A_84 = arith.cmpi sle, %add3A_72, %le3A_83 : i32
      %convert_element_type3A_85 = arith.extui %le3A_84 : i1 to i32
      %cond3A_86 = arith.constant 0 : i32
      %cond3A_87 = arith.cmpi ne, %convert_element_type3A_85, %cond3A_86 : i32
      scf.if %cond3A_87 {
        %mul3A_176 = arith.constant 128 : i32
        %mul3A_177 = arith.muli %add3A_72, %mul3A_176 : i32
        %multiple_of3A_178 = tpu.assume_multiple %mul3A_177, 16 : i32
        %dma_wait3A_179 = arith.constant 0 : i32
        %dma_wait3A_180 = arith.constant 0 : i32
        %dma_wait3A_181 = arith.constant 0 : i32
        %dma_wait3A_182 = arith.constant 0 : i32
        %dma_wait3A_183 = tpu.memref_slice %arg7[%dma_wait3A_179, %dma_wait3A_181, %dma_wait3A_182] : memref<5x128x48xf32, #tpu.memory_space<vmem>> -> memref<1x128x48xf32, #tpu.memory_space<vmem>>
        %dma_wait3A_184 = tpu.memref_squeeze %dma_wait3A_183 : memref<1x128x48xf32, #tpu.memory_space<vmem>> -> memref<128x48xf32, #tpu.memory_space<vmem>>
        %dma_wait3A_185 = tpu.memref_slice %arg5[%multiple_of3A_178] : memref<10000xi32, #tpu.memory_space<vmem>> -> memref<128xi32, #tpu.memory_space<vmem>>
        %dma_wait3A_186 = arith.constant 0 : i32
        %dma_wait3A_187 = arith.constant 0 : i32
        %dma_wait3A_188 = tpu.memref_slice %arg2[%dma_wait3A_186, %dma_wait3A_187] : memref<10240x48xf32, #tpu.memory_space<hbm>> -> memref<10240x48xf32, #tpu.memory_space<hbm>>
        %dma_wait3A_189 = tpu.memref_slice %arg11[%dma_wait3A_180] : memref<5x!tpu.dma_semaphore, #tpu.memory_space<semaphore_mem>> -> memref<1x!tpu.dma_semaphore, #tpu.memory_space<semaphore_mem>>
        %dma_wait3A_190 = tpu.memref_squeeze %dma_wait3A_189 : memref<1x!tpu.dma_semaphore, #tpu.memory_space<semaphore_mem>> -> memref<!tpu.dma_semaphore, #tpu.memory_space<semaphore_mem>>
        tpu.wait_indirect_dma semaphore(%dma_wait3A_190 : memref<!tpu.dma_semaphore, #tpu.memory_space<semaphore_mem>>) src(%dma_wait3A_188 : memref<10240x48xf32, #tpu.memory_space<hbm>>) dst(%dma_wait3A_184 : memref<128x48xf32, #tpu.memory_space<vmem>>)
        %mul3A_191 = arith.constant 128 : i32
        %mul3A_192 = arith.muli %add3A_72, %mul3A_191 : i32
        %multiple_of3A_193 = tpu.assume_multiple %mul3A_192, 16 : i32
        %dma_start3A_194 = arith.constant 0 : i32
        %dma_start3A_195 = arith.constant 0 : i32
        %dma_start3A_196 = arith.constant 0 : i32
        %dma_start3A_197 = arith.constant 0 : i32
        %dma_start3A_198 = tpu.memref_slice %arg7[%dma_start3A_194, %dma_start3A_196, %dma_start3A_197] : memref<5x128x48xf32, #tpu.memory_space<vmem>> -> memref<1x128x48xf32, #tpu.memory_space<vmem>>
        %dma_start3A_199 = tpu.memref_squeeze %dma_start3A_198 : memref<1x128x48xf32, #tpu.memory_space<vmem>> -> memref<128x48xf32, #tpu.memory_space<vmem>>
        %dma_start3A_200 = tpu.memref_slice %arg6[%multiple_of3A_193] : memref<10000xi32, #tpu.memory_space<vmem>> -> memref<128xi32, #tpu.memory_space<vmem>>
        %dma_start3A_201 = arith.constant 0 : i32
        %dma_start3A_202 = arith.constant 0 : i32
        %dma_start3A_203 = tpu.memref_slice %arg10[%dma_start3A_201, %dma_start3A_202] : memref<10240x48xf32, #tpu.memory_space<vmem_shared>> -> memref<10240x48xf32, #tpu.memory_space<vmem_shared>>
        %dma_start3A_204 = tpu.memref_slice %arg12[%dma_start3A_195] : memref<5x!tpu.dma_semaphore, #tpu.memory_space<semaphore_mem>> -> memref<1x!tpu.dma_semaphore, #tpu.memory_space<semaphore_mem>>
        %dma_start3A_205 = tpu.memref_squeeze %dma_start3A_204 : memref<1x!tpu.dma_semaphore, #tpu.memory_space<semaphore_mem>> -> memref<!tpu.dma_semaphore, #tpu.memory_space<semaphore_mem>>
        tpu.enqueue_indirect_dma source(%dma_start3A_199 : memref<128x48xf32, #tpu.memory_space<vmem>>) target(%dma_start3A_203 : memref<10240x48xf32, #tpu.memory_space<vmem_shared>>) offsets(%dma_start3A_200 : memref<128xi32, #tpu.memory_space<vmem>>) semaphore(%dma_start3A_205 : memref<!tpu.dma_semaphore, #tpu.memory_space<semaphore_mem>>) {add = true}
      } else {
      }
      %mul3A_88 = arith.constant 5 : i32
      %mul3A_89 = arith.muli %scan3A_68, %mul3A_88 : i32
      %add3A_90 = arith.constant 1 : i32
      %add3A_91 = arith.addi %mul3A_89, %add3A_90 : i32
      %ge3A_92 = arith.constant 3 : i32
      %ge3A_93 = arith.cmpi sge, %add3A_91, %ge3A_92 : i32
      %le3A_94 = arith.constant 80 : i32
      %le3A_95 = arith.cmpi sle, %add3A_91, %le3A_94 : i32
      %and3A_96 = arith.andi %ge3A_93, %le3A_95 : i1
      %convert_element_type3A_97 = arith.extui %and3A_96 : i1 to i32
      %cond3A_98 = arith.constant 0 : i32
      %cond3A_99 = arith.cmpi ne, %convert_element_type3A_97, %cond3A_98 : i32
      scf.if %cond3A_99 {
        %sub3A = arith.constant 3 : i32
        %sub3A_176 = arith.subi %add3A_91, %sub3A : i32
        %mul3A_177 = arith.constant 128 : i32
        %mul3A_178 = arith.muli %sub3A_176, %mul3A_177 : i32
        %multiple_of3A_179 = tpu.assume_multiple %mul3A_178, 16 : i32
        %dma_wait3A_180 = arith.constant 3 : i32
        %dma_wait3A_181 = arith.constant 3 : i32
        %dma_wait3A_182 = arith.constant 0 : i32
        %dma_wait3A_183 = arith.constant 0 : i32
        %dma_wait3A_184 = tpu.memref_slice %arg7[%dma_wait3A_180, %dma_wait3A_182, %dma_wait3A_183] : memref<5x128x48xf32, #tpu.memory_space<vmem>> -> memref<1x128x48xf32, #tpu.memory_space<vmem>>
        %dma_wait3A_185 = tpu.memref_squeeze %dma_wait3A_184 : memref<1x128x48xf32, #tpu.memory_space<vmem>> -> memref<128x48xf32, #tpu.memory_space<vmem>>
        %dma_wait3A_186 = tpu.memref_slice %arg6[%multiple_of3A_179] : memref<10000xi32, #tpu.memory_space<vmem>> -> memref<128xi32, #tpu.memory_space<vmem>>
        %dma_wait3A_187 = arith.constant 0 : i32
        %dma_wait3A_188 = arith.constant 0 : i32
        %dma_wait3A_189 = tpu.memref_slice %arg10[%dma_wait3A_187, %dma_wait3A_188] : memref<10240x48xf32, #tpu.memory_space<vmem_shared>> -> memref<10240x48xf32, #tpu.memory_space<vmem_shared>>
        %dma_wait3A_190 = tpu.memref_slice %arg12[%dma_wait3A_181] : memref<5x!tpu.dma_semaphore, #tpu.memory_space<semaphore_mem>> -> memref<1x!tpu.dma_semaphore, #tpu.memory_space<semaphore_mem>>
        %dma_wait3A_191 = tpu.memref_squeeze %dma_wait3A_190 : memref<1x!tpu.dma_semaphore, #tpu.memory_space<semaphore_mem>> -> memref<!tpu.dma_semaphore, #tpu.memory_space<semaphore_mem>>
        tpu.wait_indirect_dma semaphore(%dma_wait3A_191 : memref<!tpu.dma_semaphore, #tpu.memory_space<semaphore_mem>>) src(%dma_wait3A_185 : memref<128x48xf32, #tpu.memory_space<vmem>>) dst(%dma_wait3A_189 : memref<10240x48xf32, #tpu.memory_space<vmem_shared>>)
      } else {
      }
      %le3A_100 = arith.constant 75 : i32
      %le3A_101 = arith.cmpi sle, %add3A_91, %le3A_100 : i32
      %convert_element_type3A_102 = arith.extui %le3A_101 : i1 to i32
      %cond3A_103 = arith.constant 0 : i32
      %cond3A_104 = arith.cmpi ne, %convert_element_type3A_102, %cond3A_103 : i32
      scf.if %cond3A_104 {
        %add3A_176 = arith.constant 2 : i32
        %add3A_177 = arith.addi %add3A_91, %add3A_176 : i32
        %mul3A_178 = arith.constant 128 : i32
        %mul3A_179 = arith.muli %add3A_177, %mul3A_178 : i32
        %multiple_of3A_180 = tpu.assume_multiple %mul3A_179, 16 : i32
        %dma_start3A_181 = arith.constant 3 : i32
        %dma_start3A_182 = arith.constant 3 : i32
        %dma_start3A_183 = arith.constant 0 : i32
        %dma_start3A_184 = arith.constant 0 : i32
        %dma_start3A_185 = tpu.memref_slice %arg7[%dma_start3A_181, %dma_start3A_183, %dma_start3A_184] : memref<5x128x48xf32, #tpu.memory_space<vmem>> -> memref<1x128x48xf32, #tpu.memory_space<vmem>>
        %dma_start3A_186 = tpu.memref_squeeze %dma_start3A_185 : memref<1x128x48xf32, #tpu.memory_space<vmem>> -> memref<128x48xf32, #tpu.memory_space<vmem>>
        %dma_start3A_187 = tpu.memref_slice %arg5[%multiple_of3A_180] : memref<10000xi32, #tpu.memory_space<vmem>> -> memref<128xi32, #tpu.memory_space<vmem>>
        %dma_start3A_188 = arith.constant 0 : i32
        %dma_start3A_189 = arith.constant 0 : i32
        %dma_start3A_190 = tpu.memref_slice %arg2[%dma_start3A_188, %dma_start3A_189] : memref<10240x48xf32, #tpu.memory_space<hbm>> -> memref<10240x48xf32, #tpu.memory_space<hbm>>
        %dma_start3A_191 = tpu.memref_slice %arg11[%dma_start3A_182] : memref<5x!tpu.dma_semaphore, #tpu.memory_space<semaphore_mem>> -> memref<1x!tpu.dma_semaphore, #tpu.memory_space<semaphore_mem>>
        %dma_start3A_192 = tpu.memref_squeeze %dma_start3A_191 : memref<1x!tpu.dma_semaphore, #tpu.memory_space<semaphore_mem>> -> memref<!tpu.dma_semaphore, #tpu.memory_space<semaphore_mem>>
        tpu.enqueue_indirect_dma source(%dma_start3A_190 : memref<10240x48xf32, #tpu.memory_space<hbm>>) target(%dma_start3A_186 : memref<128x48xf32, #tpu.memory_space<vmem>>) offsets(%dma_start3A_187 : memref<128xi32, #tpu.memory_space<vmem>>) semaphore(%dma_start3A_192 : memref<!tpu.dma_semaphore, #tpu.memory_space<semaphore_mem>>)
      } else {
      }
      %le3A_105 = arith.constant 77 : i32
      %le3A_106 = arith.cmpi sle, %add3A_91, %le3A_105 : i32
      %convert_element_type3A_107 = arith.extui %le3A_106 : i1 to i32
      %cond3A_108 = arith.constant 0 : i32
      %cond3A_109 = arith.cmpi ne, %convert_element_type3A_107, %cond3A_108 : i32
      scf.if %cond3A_109 {
        %mul3A_176 = arith.constant 128 : i32
        %mul3A_177 = arith.muli %add3A_91, %mul3A_176 : i32
        %multiple_of3A_178 = tpu.assume_multiple %mul3A_177, 16 : i32
        %dma_wait3A_179 = arith.constant 1 : i32
        %dma_wait3A_180 = arith.constant 1 : i32
        %dma_wait3A_181 = arith.constant 0 : i32
        %dma_wait3A_182 = arith.constant 0 : i32
        %dma_wait3A_183 = tpu.memref_slice %arg7[%dma_wait3A_179, %dma_wait3A_181, %dma_wait3A_182] : memref<5x128x48xf32, #tpu.memory_space<vmem>> -> memref<1x128x48xf32, #tpu.memory_space<vmem>>
        %dma_wait3A_184 = tpu.memref_squeeze %dma_wait3A_183 : memref<1x128x48xf32, #tpu.memory_space<vmem>> -> memref<128x48xf32, #tpu.memory_space<vmem>>
        %dma_wait3A_185 = tpu.memref_slice %arg5[%multiple_of3A_178] : memref<10000xi32, #tpu.memory_space<vmem>> -> memref<128xi32, #tpu.memory_space<vmem>>
        %dma_wait3A_186 = arith.constant 0 : i32
        %dma_wait3A_187 = arith.constant 0 : i32
        %dma_wait3A_188 = tpu.memref_slice %arg2[%dma_wait3A_186, %dma_wait3A_187] : memref<10240x48xf32, #tpu.memory_space<hbm>> -> memref<10240x48xf32, #tpu.memory_space<hbm>>
        %dma_wait3A_189 = tpu.memref_slice %arg11[%dma_wait3A_180] : memref<5x!tpu.dma_semaphore, #tpu.memory_space<semaphore_mem>> -> memref<1x!tpu.dma_semaphore, #tpu.memory_space<semaphore_mem>>
        %dma_wait3A_190 = tpu.memref_squeeze %dma_wait3A_189 : memref<1x!tpu.dma_semaphore, #tpu.memory_space<semaphore_mem>> -> memref<!tpu.dma_semaphore, #tpu.memory_space<semaphore_mem>>
        tpu.wait_indirect_dma semaphore(%dma_wait3A_190 : memref<!tpu.dma_semaphore, #tpu.memory_space<semaphore_mem>>) src(%dma_wait3A_188 : memref<10240x48xf32, #tpu.memory_space<hbm>>) dst(%dma_wait3A_184 : memref<128x48xf32, #tpu.memory_space<vmem>>)
        %mul3A_191 = arith.constant 128 : i32
        %mul3A_192 = arith.muli %add3A_91, %mul3A_191 : i32
        %multiple_of3A_193 = tpu.assume_multiple %mul3A_192, 16 : i32
        %dma_start3A_194 = arith.constant 1 : i32
        %dma_start3A_195 = arith.constant 1 : i32
        %dma_start3A_196 = arith.constant 0 : i32
        %dma_start3A_197 = arith.constant 0 : i32
        %dma_start3A_198 = tpu.memref_slice %arg7[%dma_start3A_194, %dma_start3A_196, %dma_start3A_197] : memref<5x128x48xf32, #tpu.memory_space<vmem>> -> memref<1x128x48xf32, #tpu.memory_space<vmem>>
        %dma_start3A_199 = tpu.memref_squeeze %dma_start3A_198 : memref<1x128x48xf32, #tpu.memory_space<vmem>> -> memref<128x48xf32, #tpu.memory_space<vmem>>
        %dma_start3A_200 = tpu.memref_slice %arg6[%multiple_of3A_193] : memref<10000xi32, #tpu.memory_space<vmem>> -> memref<128xi32, #tpu.memory_space<vmem>>
        %dma_start3A_201 = arith.constant 0 : i32
        %dma_start3A_202 = arith.constant 0 : i32
        %dma_start3A_203 = tpu.memref_slice %arg10[%dma_start3A_201, %dma_start3A_202] : memref<10240x48xf32, #tpu.memory_space<vmem_shared>> -> memref<10240x48xf32, #tpu.memory_space<vmem_shared>>
        %dma_start3A_204 = tpu.memref_slice %arg12[%dma_start3A_195] : memref<5x!tpu.dma_semaphore, #tpu.memory_space<semaphore_mem>> -> memref<1x!tpu.dma_semaphore, #tpu.memory_space<semaphore_mem>>
        %dma_start3A_205 = tpu.memref_squeeze %dma_start3A_204 : memref<1x!tpu.dma_semaphore, #tpu.memory_space<semaphore_mem>> -> memref<!tpu.dma_semaphore, #tpu.memory_space<semaphore_mem>>
        tpu.enqueue_indirect_dma source(%dma_start3A_199 : memref<128x48xf32, #tpu.memory_space<vmem>>) target(%dma_start3A_203 : memref<10240x48xf32, #tpu.memory_space<vmem_shared>>) offsets(%dma_start3A_200 : memref<128xi32, #tpu.memory_space<vmem>>) semaphore(%dma_start3A_205 : memref<!tpu.dma_semaphore, #tpu.memory_space<semaphore_mem>>) {add = true}
      } else {
      }
      %mul3A_110 = arith.constant 5 : i32
      %mul3A_111 = arith.muli %scan3A_68, %mul3A_110 : i32
      %add3A_112 = arith.constant 2 : i32
      %add3A_113 = arith.addi %mul3A_111, %add3A_112 : i32
      %ge3A_114 = arith.constant 3 : i32
      %ge3A_115 = arith.cmpi sge, %add3A_113, %ge3A_114 : i32
      %le3A_116 = arith.constant 80 : i32
      %le3A_117 = arith.cmpi sle, %add3A_113, %le3A_116 : i32
      %and3A_118 = arith.andi %ge3A_115, %le3A_117 : i1
      %convert_element_type3A_119 = arith.extui %and3A_118 : i1 to i32
      %cond3A_120 = arith.constant 0 : i32
      %cond3A_121 = arith.cmpi ne, %convert_element_type3A_119, %cond3A_120 : i32
      scf.if %cond3A_121 {
        %sub3A = arith.constant 3 : i32
        %sub3A_176 = arith.subi %add3A_113, %sub3A : i32
        %mul3A_177 = arith.constant 128 : i32
        %mul3A_178 = arith.muli %sub3A_176, %mul3A_177 : i32
        %multiple_of3A_179 = tpu.assume_multiple %mul3A_178, 16 : i32
        %dma_wait3A_180 = arith.constant 4 : i32
        %dma_wait3A_181 = arith.constant 4 : i32
        %dma_wait3A_182 = arith.constant 0 : i32
        %dma_wait3A_183 = arith.constant 0 : i32
        %dma_wait3A_184 = tpu.memref_slice %arg7[%dma_wait3A_180, %dma_wait3A_182, %dma_wait3A_183] : memref<5x128x48xf32, #tpu.memory_space<vmem>> -> memref<1x128x48xf32, #tpu.memory_space<vmem>>
        %dma_wait3A_185 = tpu.memref_squeeze %dma_wait3A_184 : memref<1x128x48xf32, #tpu.memory_space<vmem>> -> memref<128x48xf32, #tpu.memory_space<vmem>>
        %dma_wait3A_186 = tpu.memref_slice %arg6[%multiple_of3A_179] : memref<10000xi32, #tpu.memory_space<vmem>> -> memref<128xi32, #tpu.memory_space<vmem>>
        %dma_wait3A_187 = arith.constant 0 : i32
        %dma_wait3A_188 = arith.constant 0 : i32
        %dma_wait3A_189 = tpu.memref_slice %arg10[%dma_wait3A_187, %dma_wait3A_188] : memref<10240x48xf32, #tpu.memory_space<vmem_shared>> -> memref<10240x48xf32, #tpu.memory_space<vmem_shared>>
        %dma_wait3A_190 = tpu.memref_slice %arg12[%dma_wait3A_181] : memref<5x!tpu.dma_semaphore, #tpu.memory_space<semaphore_mem>> -> memref<1x!tpu.dma_semaphore, #tpu.memory_space<semaphore_mem>>
        %dma_wait3A_191 = tpu.memref_squeeze %dma_wait3A_190 : memref<1x!tpu.dma_semaphore, #tpu.memory_space<semaphore_mem>> -> memref<!tpu.dma_semaphore, #tpu.memory_space<semaphore_mem>>
        tpu.wait_indirect_dma semaphore(%dma_wait3A_191 : memref<!tpu.dma_semaphore, #tpu.memory_space<semaphore_mem>>) src(%dma_wait3A_185 : memref<128x48xf32, #tpu.memory_space<vmem>>) dst(%dma_wait3A_189 : memref<10240x48xf32, #tpu.memory_space<vmem_shared>>)
      } else {
      }
      %le3A_122 = arith.constant 75 : i32
      %le3A_123 = arith.cmpi sle, %add3A_113, %le3A_122 : i32
      %convert_element_type3A_124 = arith.extui %le3A_123 : i1 to i32
      %cond3A_125 = arith.constant 0 : i32
      %cond3A_126 = arith.cmpi ne, %convert_element_type3A_124, %cond3A_125 : i32
      scf.if %cond3A_126 {
        %add3A_176 = arith.constant 2 : i32
        %add3A_177 = arith.addi %add3A_113, %add3A_176 : i32
        %mul3A_178 = arith.constant 128 : i32
        %mul3A_179 = arith.muli %add3A_177, %mul3A_178 : i32
        %multiple_of3A_180 = tpu.assume_multiple %mul3A_179, 16 : i32
        %dma_start3A_181 = arith.constant 4 : i32
        %dma_start3A_182 = arith.constant 4 : i32
        %dma_start3A_183 = arith.constant 0 : i32
        %dma_start3A_184 = arith.constant 0 : i32
        %dma_start3A_185 = tpu.memref_slice %arg7[%dma_start3A_181, %dma_start3A_183, %dma_start3A_184] : memref<5x128x48xf32, #tpu.memory_space<vmem>> -> memref<1x128x48xf32, #tpu.memory_space<vmem>>
        %dma_start3A_186 = tpu.memref_squeeze %dma_start3A_185 : memref<1x128x48xf32, #tpu.memory_space<vmem>> -> memref<128x48xf32, #tpu.memory_space<vmem>>
        %dma_start3A_187 = tpu.memref_slice %arg5[%multiple_of3A_180] : memref<10000xi32, #tpu.memory_space<vmem>> -> memref<128xi32, #tpu.memory_space<vmem>>
        %dma_start3A_188 = arith.constant 0 : i32
        %dma_start3A_189 = arith.constant 0 : i32
        %dma_start3A_190 = tpu.memref_slice %arg2[%dma_start3A_188, %dma_start3A_189] : memref<10240x48xf32, #tpu.memory_space<hbm>> -> memref<10240x48xf32, #tpu.memory_space<hbm>>
        %dma_start3A_191 = tpu.memref_slice %arg11[%dma_start3A_182] : memref<5x!tpu.dma_semaphore, #tpu.memory_space<semaphore_mem>> -> memref<1x!tpu.dma_semaphore, #tpu.memory_space<semaphore_mem>>
        %dma_start3A_192 = tpu.memref_squeeze %dma_start3A_191 : memref<1x!tpu.dma_semaphore, #tpu.memory_space<semaphore_mem>> -> memref<!tpu.dma_semaphore, #tpu.memory_space<semaphore_mem>>
        tpu.enqueue_indirect_dma source(%dma_start3A_190 : memref<10240x48xf32, #tpu.memory_space<hbm>>) target(%dma_start3A_186 : memref<128x48xf32, #tpu.memory_space<vmem>>) offsets(%dma_start3A_187 : memref<128xi32, #tpu.memory_space<vmem>>) semaphore(%dma_start3A_192 : memref<!tpu.dma_semaphore, #tpu.memory_space<semaphore_mem>>)
      } else {
      }
      %le3A_127 = arith.constant 77 : i32
      %le3A_128 = arith.cmpi sle, %add3A_113, %le3A_127 : i32
      %convert_element_type3A_129 = arith.extui %le3A_128 : i1 to i32
      %cond3A_130 = arith.constant 0 : i32
      %cond3A_131 = arith.cmpi ne, %convert_element_type3A_129, %cond3A_130 : i32
      scf.if %cond3A_131 {
        %mul3A_176 = arith.constant 128 : i32
        %mul3A_177 = arith.muli %add3A_113, %mul3A_176 : i32
        %multiple_of3A_178 = tpu.assume_multiple %mul3A_177, 16 : i32
        %dma_wait3A_179 = arith.constant 2 : i32
        %dma_wait3A_180 = arith.constant 2 : i32
        %dma_wait3A_181 = arith.constant 0 : i32
        %dma_wait3A_182 = arith.constant 0 : i32
        %dma_wait3A_183 = tpu.memref_slice %arg7[%dma_wait3A_179, %dma_wait3A_181, %dma_wait3A_182] : memref<5x128x48xf32, #tpu.memory_space<vmem>> -> memref<1x128x48xf32, #tpu.memory_space<vmem>>
        %dma_wait3A_184 = tpu.memref_squeeze %dma_wait3A_183 : memref<1x128x48xf32, #tpu.memory_space<vmem>> -> memref<128x48xf32, #tpu.memory_space<vmem>>
        %dma_wait3A_185 = tpu.memref_slice %arg5[%multiple_of3A_178] : memref<10000xi32, #tpu.memory_space<vmem>> -> memref<128xi32, #tpu.memory_space<vmem>>
        %dma_wait3A_186 = arith.constant 0 : i32
        %dma_wait3A_187 = arith.constant 0 : i32
        %dma_wait3A_188 = tpu.memref_slice %arg2[%dma_wait3A_186, %dma_wait3A_187] : memref<10240x48xf32, #tpu.memory_space<hbm>> -> memref<10240x48xf32, #tpu.memory_space<hbm>>
        %dma_wait3A_189 = tpu.memref_slice %arg11[%dma_wait3A_180] : memref<5x!tpu.dma_semaphore, #tpu.memory_space<semaphore_mem>> -> memref<1x!tpu.dma_semaphore, #tpu.memory_space<semaphore_mem>>
        %dma_wait3A_190 = tpu.memref_squeeze %dma_wait3A_189 : memref<1x!tpu.dma_semaphore, #tpu.memory_space<semaphore_mem>> -> memref<!tpu.dma_semaphore, #tpu.memory_space<semaphore_mem>>
        tpu.wait_indirect_dma semaphore(%dma_wait3A_190 : memref<!tpu.dma_semaphore, #tpu.memory_space<semaphore_mem>>) src(%dma_wait3A_188 : memref<10240x48xf32, #tpu.memory_space<hbm>>) dst(%dma_wait3A_184 : memref<128x48xf32, #tpu.memory_space<vmem>>)
        %mul3A_191 = arith.constant 128 : i32
        %mul3A_192 = arith.muli %add3A_113, %mul3A_191 : i32
        %multiple_of3A_193 = tpu.assume_multiple %mul3A_192, 16 : i32
        %dma_start3A_194 = arith.constant 2 : i32
        %dma_start3A_195 = arith.constant 2 : i32
        %dma_start3A_196 = arith.constant 0 : i32
        %dma_start3A_197 = arith.constant 0 : i32
        %dma_start3A_198 = tpu.memref_slice %arg7[%dma_start3A_194, %dma_start3A_196, %dma_start3A_197] : memref<5x128x48xf32, #tpu.memory_space<vmem>> -> memref<1x128x48xf32, #tpu.memory_space<vmem>>
        %dma_start3A_199 = tpu.memref_squeeze %dma_start3A_198 : memref<1x128x48xf32, #tpu.memory_space<vmem>> -> memref<128x48xf32, #tpu.memory_space<vmem>>
        %dma_start3A_200 = tpu.memref_slice %arg6[%multiple_of3A_193] : memref<10000xi32, #tpu.memory_space<vmem>> -> memref<128xi32, #tpu.memory_space<vmem>>
        %dma_start3A_201 = arith.constant 0 : i32
        %dma_start3A_202 = arith.constant 0 : i32
        %dma_start3A_203 = tpu.memref_slice %arg10[%dma_start3A_201, %dma_start3A_202] : memref<10240x48xf32, #tpu.memory_space<vmem_shared>> -> memref<10240x48xf32, #tpu.memory_space<vmem_shared>>
        %dma_start3A_204 = tpu.memref_slice %arg12[%dma_start3A_195] : memref<5x!tpu.dma_semaphore, #tpu.memory_space<semaphore_mem>> -> memref<1x!tpu.dma_semaphore, #tpu.memory_space<semaphore_mem>>
        %dma_start3A_205 = tpu.memref_squeeze %dma_start3A_204 : memref<1x!tpu.dma_semaphore, #tpu.memory_space<semaphore_mem>> -> memref<!tpu.dma_semaphore, #tpu.memory_space<semaphore_mem>>
        tpu.enqueue_indirect_dma source(%dma_start3A_199 : memref<128x48xf32, #tpu.memory_space<vmem>>) target(%dma_start3A_203 : memref<10240x48xf32, #tpu.memory_space<vmem_shared>>) offsets(%dma_start3A_200 : memref<128xi32, #tpu.memory_space<vmem>>) semaphore(%dma_start3A_205 : memref<!tpu.dma_semaphore, #tpu.memory_space<semaphore_mem>>) {add = true}
      } else {
      }
      %mul3A_132 = arith.constant 5 : i32
      %mul3A_133 = arith.muli %scan3A_68, %mul3A_132 : i32
      %add3A_134 = arith.constant 3 : i32
      %add3A_135 = arith.addi %mul3A_133, %add3A_134 : i32
      %ge3A_136 = arith.constant 3 : i32
      %ge3A_137 = arith.cmpi sge, %add3A_135, %ge3A_136 : i32
      %le3A_138 = arith.constant 80 : i32
      %le3A_139 = arith.cmpi sle, %add3A_135, %le3A_138 : i32
      %and3A_140 = arith.andi %ge3A_137, %le3A_139 : i1
      %convert_element_type3A_141 = arith.extui %and3A_140 : i1 to i32
      %cond3A_142 = arith.constant 0 : i32
      %cond3A_143 = arith.cmpi ne, %convert_element_type3A_141, %cond3A_142 : i32
      scf.if %cond3A_143 {
        %sub3A = arith.constant 3 : i32
        %sub3A_176 = arith.subi %add3A_135, %sub3A : i32
        %mul3A_177 = arith.constant 128 : i32
        %mul3A_178 = arith.muli %sub3A_176, %mul3A_177 : i32
        %multiple_of3A_179 = tpu.assume_multiple %mul3A_178, 16 : i32
        %dma_wait3A_180 = arith.constant 0 : i32
        %dma_wait3A_181 = arith.constant 0 : i32
        %dma_wait3A_182 = arith.constant 0 : i32
        %dma_wait3A_183 = arith.constant 0 : i32
        %dma_wait3A_184 = tpu.memref_slice %arg7[%dma_wait3A_180, %dma_wait3A_182, %dma_wait3A_183] : memref<5x128x48xf32, #tpu.memory_space<vmem>> -> memref<1x128x48xf32, #tpu.memory_space<vmem>>
        %dma_wait3A_185 = tpu.memref_squeeze %dma_wait3A_184 : memref<1x128x48xf32, #tpu.memory_space<vmem>> -> memref<128x48xf32, #tpu.memory_space<vmem>>
        %dma_wait3A_186 = tpu.memref_slice %arg6[%multiple_of3A_179] : memref<10000xi32, #tpu.memory_space<vmem>> -> memref<128xi32, #tpu.memory_space<vmem>>
        %dma_wait3A_187 = arith.constant 0 : i32
        %dma_wait3A_188 = arith.constant 0 : i32
        %dma_wait3A_189 = tpu.memref_slice %arg10[%dma_wait3A_187, %dma_wait3A_188] : memref<10240x48xf32, #tpu.memory_space<vmem_shared>> -> memref<10240x48xf32, #tpu.memory_space<vmem_shared>>
        %dma_wait3A_190 = tpu.memref_slice %arg12[%dma_wait3A_181] : memref<5x!tpu.dma_semaphore, #tpu.memory_space<semaphore_mem>> -> memref<1x!tpu.dma_semaphore, #tpu.memory_space<semaphore_mem>>
        %dma_wait3A_191 = tpu.memref_squeeze %dma_wait3A_190 : memref<1x!tpu.dma_semaphore, #tpu.memory_space<semaphore_mem>> -> memref<!tpu.dma_semaphore, #tpu.memory_space<semaphore_mem>>
        tpu.wait_indirect_dma semaphore(%dma_wait3A_191 : memref<!tpu.dma_semaphore, #tpu.memory_space<semaphore_mem>>) src(%dma_wait3A_185 : memref<128x48xf32, #tpu.memory_space<vmem>>) dst(%dma_wait3A_189 : memref<10240x48xf32, #tpu.memory_space<vmem_shared>>)
      } else {
      }
      %le3A_144 = arith.constant 75 : i32
      %le3A_145 = arith.cmpi sle, %add3A_135, %le3A_144 : i32
      %convert_element_type3A_146 = arith.extui %le3A_145 : i1 to i32
      %cond3A_147 = arith.constant 0 : i32
      %cond3A_148 = arith.cmpi ne, %convert_element_type3A_146, %cond3A_147 : i32
      scf.if %cond3A_148 {
        %add3A_176 = arith.constant 2 : i32
        %add3A_177 = arith.addi %add3A_135, %add3A_176 : i32
        %mul3A_178 = arith.constant 128 : i32
        %mul3A_179 = arith.muli %add3A_177, %mul3A_178 : i32
        %multiple_of3A_180 = tpu.assume_multiple %mul3A_179, 16 : i32
        %dma_start3A_181 = arith.constant 0 : i32
        %dma_start3A_182 = arith.constant 0 : i32
        %dma_start3A_183 = arith.constant 0 : i32
        %dma_start3A_184 = arith.constant 0 : i32
        %dma_start3A_185 = tpu.memref_slice %arg7[%dma_start3A_181, %dma_start3A_183, %dma_start3A_184] : memref<5x128x48xf32, #tpu.memory_space<vmem>> -> memref<1x128x48xf32, #tpu.memory_space<vmem>>
        %dma_start3A_186 = tpu.memref_squeeze %dma_start3A_185 : memref<1x128x48xf32, #tpu.memory_space<vmem>> -> memref<128x48xf32, #tpu.memory_space<vmem>>
        %dma_start3A_187 = tpu.memref_slice %arg5[%multiple_of3A_180] : memref<10000xi32, #tpu.memory_space<vmem>> -> memref<128xi32, #tpu.memory_space<vmem>>
        %dma_start3A_188 = arith.constant 0 : i32
        %dma_start3A_189 = arith.constant 0 : i32
        %dma_start3A_190 = tpu.memref_slice %arg2[%dma_start3A_188, %dma_start3A_189] : memref<10240x48xf32, #tpu.memory_space<hbm>> -> memref<10240x48xf32, #tpu.memory_space<hbm>>
        %dma_start3A_191 = tpu.memref_slice %arg11[%dma_start3A_182] : memref<5x!tpu.dma_semaphore, #tpu.memory_space<semaphore_mem>> -> memref<1x!tpu.dma_semaphore, #tpu.memory_space<semaphore_mem>>
        %dma_start3A_192 = tpu.memref_squeeze %dma_start3A_191 : memref<1x!tpu.dma_semaphore, #tpu.memory_space<semaphore_mem>> -> memref<!tpu.dma_semaphore, #tpu.memory_space<semaphore_mem>>
        tpu.enqueue_indirect_dma source(%dma_start3A_190 : memref<10240x48xf32, #tpu.memory_space<hbm>>) target(%dma_start3A_186 : memref<128x48xf32, #tpu.memory_space<vmem>>) offsets(%dma_start3A_187 : memref<128xi32, #tpu.memory_space<vmem>>) semaphore(%dma_start3A_192 : memref<!tpu.dma_semaphore, #tpu.memory_space<semaphore_mem>>)
      } else {
      }
      %le3A_149 = arith.constant 77 : i32
      %le3A_150 = arith.cmpi sle, %add3A_135, %le3A_149 : i32
      %convert_element_type3A_151 = arith.extui %le3A_150 : i1 to i32
      %cond3A_152 = arith.constant 0 : i32
      %cond3A_153 = arith.cmpi ne, %convert_element_type3A_151, %cond3A_152 : i32
      scf.if %cond3A_153 {
        %mul3A_176 = arith.constant 128 : i32
        %mul3A_177 = arith.muli %add3A_135, %mul3A_176 : i32
        %multiple_of3A_178 = tpu.assume_multiple %mul3A_177, 16 : i32
        %dma_wait3A_179 = arith.constant 3 : i32
        %dma_wait3A_180 = arith.constant 3 : i32
        %dma_wait3A_181 = arith.constant 0 : i32
        %dma_wait3A_182 = arith.constant 0 : i32
        %dma_wait3A_183 = tpu.memref_slice %arg7[%dma_wait3A_179, %dma_wait3A_181, %dma_wait3A_182] : memref<5x128x48xf32, #tpu.memory_space<vmem>> -> memref<1x128x48xf32, #tpu.memory_space<vmem>>
        %dma_wait3A_184 = tpu.memref_squeeze %dma_wait3A_183 : memref<1x128x48xf32, #tpu.memory_space<vmem>> -> memref<128x48xf32, #tpu.memory_space<vmem>>
        %dma_wait3A_185 = tpu.memref_slice %arg5[%multiple_of3A_178] : memref<10000xi32, #tpu.memory_space<vmem>> -> memref<128xi32, #tpu.memory_space<vmem>>
        %dma_wait3A_186 = arith.constant 0 : i32
        %dma_wait3A_187 = arith.constant 0 : i32
        %dma_wait3A_188 = tpu.memref_slice %arg2[%dma_wait3A_186, %dma_wait3A_187] : memref<10240x48xf32, #tpu.memory_space<hbm>> -> memref<10240x48xf32, #tpu.memory_space<hbm>>
        %dma_wait3A_189 = tpu.memref_slice %arg11[%dma_wait3A_180] : memref<5x!tpu.dma_semaphore, #tpu.memory_space<semaphore_mem>> -> memref<1x!tpu.dma_semaphore, #tpu.memory_space<semaphore_mem>>
        %dma_wait3A_190 = tpu.memref_squeeze %dma_wait3A_189 : memref<1x!tpu.dma_semaphore, #tpu.memory_space<semaphore_mem>> -> memref<!tpu.dma_semaphore, #tpu.memory_space<semaphore_mem>>
        tpu.wait_indirect_dma semaphore(%dma_wait3A_190 : memref<!tpu.dma_semaphore, #tpu.memory_space<semaphore_mem>>) src(%dma_wait3A_188 : memref<10240x48xf32, #tpu.memory_space<hbm>>) dst(%dma_wait3A_184 : memref<128x48xf32, #tpu.memory_space<vmem>>)
        %mul3A_191 = arith.constant 128 : i32
        %mul3A_192 = arith.muli %add3A_135, %mul3A_191 : i32
        %multiple_of3A_193 = tpu.assume_multiple %mul3A_192, 16 : i32
        %dma_start3A_194 = arith.constant 3 : i32
        %dma_start3A_195 = arith.constant 3 : i32
        %dma_start3A_196 = arith.constant 0 : i32
        %dma_start3A_197 = arith.constant 0 : i32
        %dma_start3A_198 = tpu.memref_slice %arg7[%dma_start3A_194, %dma_start3A_196, %dma_start3A_197] : memref<5x128x48xf32, #tpu.memory_space<vmem>> -> memref<1x128x48xf32, #tpu.memory_space<vmem>>
        %dma_start3A_199 = tpu.memref_squeeze %dma_start3A_198 : memref<1x128x48xf32, #tpu.memory_space<vmem>> -> memref<128x48xf32, #tpu.memory_space<vmem>>
        %dma_start3A_200 = tpu.memref_slice %arg6[%multiple_of3A_193] : memref<10000xi32, #tpu.memory_space<vmem>> -> memref<128xi32, #tpu.memory_space<vmem>>
        %dma_start3A_201 = arith.constant 0 : i32
        %dma_start3A_202 = arith.constant 0 : i32
        %dma_start3A_203 = tpu.memref_slice %arg10[%dma_start3A_201, %dma_start3A_202] : memref<10240x48xf32, #tpu.memory_space<vmem_shared>> -> memref<10240x48xf32, #tpu.memory_space<vmem_shared>>
        %dma_start3A_204 = tpu.memref_slice %arg12[%dma_start3A_195] : memref<5x!tpu.dma_semaphore, #tpu.memory_space<semaphore_mem>> -> memref<1x!tpu.dma_semaphore, #tpu.memory_space<semaphore_mem>>
        %dma_start3A_205 = tpu.memref_squeeze %dma_start3A_204 : memref<1x!tpu.dma_semaphore, #tpu.memory_space<semaphore_mem>> -> memref<!tpu.dma_semaphore, #tpu.memory_space<semaphore_mem>>
        tpu.enqueue_indirect_dma source(%dma_start3A_199 : memref<128x48xf32, #tpu.memory_space<vmem>>) target(%dma_start3A_203 : memref<10240x48xf32, #tpu.memory_space<vmem_shared>>) offsets(%dma_start3A_200 : memref<128xi32, #tpu.memory_space<vmem>>) semaphore(%dma_start3A_205 : memref<!tpu.dma_semaphore, #tpu.memory_space<semaphore_mem>>) {add = true}
      } else {
      }
      %mul3A_154 = arith.constant 5 : i32
      %mul3A_155 = arith.muli %scan3A_68, %mul3A_154 : i32
      %add3A_156 = arith.constant 4 : i32
      %add3A_157 = arith.addi %mul3A_155, %add3A_156 : i32
      %ge3A_158 = arith.constant 3 : i32
      %ge3A_159 = arith.cmpi sge, %add3A_157, %ge3A_158 : i32
      %le3A_160 = arith.constant 80 : i32
      %le3A_161 = arith.cmpi sle, %add3A_157, %le3A_160 : i32
      %and3A_162 = arith.andi %ge3A_159, %le3A_161 : i1
      %convert_element_type3A_163 = arith.extui %and3A_162 : i1 to i32
      %cond3A_164 = arith.constant 0 : i32
      %cond3A_165 = arith.cmpi ne, %convert_element_type3A_163, %cond3A_164 : i32
      scf.if %cond3A_165 {
        %sub3A = arith.constant 3 : i32
        %sub3A_176 = arith.subi %add3A_157, %sub3A : i32
        %mul3A_177 = arith.constant 128 : i32
        %mul3A_178 = arith.muli %sub3A_176, %mul3A_177 : i32
        %multiple_of3A_179 = tpu.assume_multiple %mul3A_178, 16 : i32
        %dma_wait3A_180 = arith.constant 1 : i32
        %dma_wait3A_181 = arith.constant 1 : i32
        %dma_wait3A_182 = arith.constant 0 : i32
        %dma_wait3A_183 = arith.constant 0 : i32
        %dma_wait3A_184 = tpu.memref_slice %arg7[%dma_wait3A_180, %dma_wait3A_182, %dma_wait3A_183] : memref<5x128x48xf32, #tpu.memory_space<vmem>> -> memref<1x128x48xf32, #tpu.memory_space<vmem>>
        %dma_wait3A_185 = tpu.memref_squeeze %dma_wait3A_184 : memref<1x128x48xf32, #tpu.memory_space<vmem>> -> memref<128x48xf32, #tpu.memory_space<vmem>>
        %dma_wait3A_186 = tpu.memref_slice %arg6[%multiple_of3A_179] : memref<10000xi32, #tpu.memory_space<vmem>> -> memref<128xi32, #tpu.memory_space<vmem>>
        %dma_wait3A_187 = arith.constant 0 : i32
        %dma_wait3A_188 = arith.constant 0 : i32
        %dma_wait3A_189 = tpu.memref_slice %arg10[%dma_wait3A_187, %dma_wait3A_188] : memref<10240x48xf32, #tpu.memory_space<vmem_shared>> -> memref<10240x48xf32, #tpu.memory_space<vmem_shared>>
        %dma_wait3A_190 = tpu.memref_slice %arg12[%dma_wait3A_181] : memref<5x!tpu.dma_semaphore, #tpu.memory_space<semaphore_mem>> -> memref<1x!tpu.dma_semaphore, #tpu.memory_space<semaphore_mem>>
        %dma_wait3A_191 = tpu.memref_squeeze %dma_wait3A_190 : memref<1x!tpu.dma_semaphore, #tpu.memory_space<semaphore_mem>> -> memref<!tpu.dma_semaphore, #tpu.memory_space<semaphore_mem>>
        tpu.wait_indirect_dma semaphore(%dma_wait3A_191 : memref<!tpu.dma_semaphore, #tpu.memory_space<semaphore_mem>>) src(%dma_wait3A_185 : memref<128x48xf32, #tpu.memory_space<vmem>>) dst(%dma_wait3A_189 : memref<10240x48xf32, #tpu.memory_space<vmem_shared>>)
      } else {
      }
      %le3A_166 = arith.constant 75 : i32
      %le3A_167 = arith.cmpi sle, %add3A_157, %le3A_166 : i32
      %convert_element_type3A_168 = arith.extui %le3A_167 : i1 to i32
      %cond3A_169 = arith.constant 0 : i32
      %cond3A_170 = arith.cmpi ne, %convert_element_type3A_168, %cond3A_169 : i32
      scf.if %cond3A_170 {
        %add3A_176 = arith.constant 2 : i32
        %add3A_177 = arith.addi %add3A_157, %add3A_176 : i32
        %mul3A_178 = arith.constant 128 : i32
        %mul3A_179 = arith.muli %add3A_177, %mul3A_178 : i32
        %multiple_of3A_180 = tpu.assume_multiple %mul3A_179, 16 : i32
        %dma_start3A_181 = arith.constant 1 : i32
        %dma_start3A_182 = arith.constant 1 : i32
        %dma_start3A_183 = arith.constant 0 : i32
        %dma_start3A_184 = arith.constant 0 : i32
        %dma_start3A_185 = tpu.memref_slice %arg7[%dma_start3A_181, %dma_start3A_183, %dma_start3A_184] : memref<5x128x48xf32, #tpu.memory_space<vmem>> -> memref<1x128x48xf32, #tpu.memory_space<vmem>>
        %dma_start3A_186 = tpu.memref_squeeze %dma_start3A_185 : memref<1x128x48xf32, #tpu.memory_space<vmem>> -> memref<128x48xf32, #tpu.memory_space<vmem>>
        %dma_start3A_187 = tpu.memref_slice %arg5[%multiple_of3A_180] : memref<10000xi32, #tpu.memory_space<vmem>> -> memref<128xi32, #tpu.memory_space<vmem>>
        %dma_start3A_188 = arith.constant 0 : i32
        %dma_start3A_189 = arith.constant 0 : i32
        %dma_start3A_190 = tpu.memref_slice %arg2[%dma_start3A_188, %dma_start3A_189] : memref<10240x48xf32, #tpu.memory_space<hbm>> -> memref<10240x48xf32, #tpu.memory_space<hbm>>
        %dma_start3A_191 = tpu.memref_slice %arg11[%dma_start3A_182] : memref<5x!tpu.dma_semaphore, #tpu.memory_space<semaphore_mem>> -> memref<1x!tpu.dma_semaphore, #tpu.memory_space<semaphore_mem>>
        %dma_start3A_192 = tpu.memref_squeeze %dma_start3A_191 : memref<1x!tpu.dma_semaphore, #tpu.memory_space<semaphore_mem>> -> memref<!tpu.dma_semaphore, #tpu.memory_space<semaphore_mem>>
        tpu.enqueue_indirect_dma source(%dma_start3A_190 : memref<10240x48xf32, #tpu.memory_space<hbm>>) target(%dma_start3A_186 : memref<128x48xf32, #tpu.memory_space<vmem>>) offsets(%dma_start3A_187 : memref<128xi32, #tpu.memory_space<vmem>>) semaphore(%dma_start3A_192 : memref<!tpu.dma_semaphore, #tpu.memory_space<semaphore_mem>>)
      } else {
      }
      %le3A_171 = arith.constant 77 : i32
      %le3A_172 = arith.cmpi sle, %add3A_157, %le3A_171 : i32
      %convert_element_type3A_173 = arith.extui %le3A_172 : i1 to i32
      %cond3A_174 = arith.constant 0 : i32
      %cond3A_175 = arith.cmpi ne, %convert_element_type3A_173, %cond3A_174 : i32
      scf.if %cond3A_175 {
        %mul3A_176 = arith.constant 128 : i32
        %mul3A_177 = arith.muli %add3A_157, %mul3A_176 : i32
        %multiple_of3A_178 = tpu.assume_multiple %mul3A_177, 16 : i32
        %dma_wait3A_179 = arith.constant 4 : i32
        %dma_wait3A_180 = arith.constant 4 : i32
        %dma_wait3A_181 = arith.constant 0 : i32
        %dma_wait3A_182 = arith.constant 0 : i32
        %dma_wait3A_183 = tpu.memref_slice %arg7[%dma_wait3A_179, %dma_wait3A_181, %dma_wait3A_182] : memref<5x128x48xf32, #tpu.memory_space<vmem>> -> memref<1x128x48xf32, #tpu.memory_space<vmem>>
        %dma_wait3A_184 = tpu.memref_squeeze %dma_wait3A_183 : memref<1x128x48xf32, #tpu.memory_space<vmem>> -> memref<128x48xf32, #tpu.memory_space<vmem>>
        %dma_wait3A_185 = tpu.memref_slice %arg5[%multiple_of3A_178] : memref<10000xi32, #tpu.memory_space<vmem>> -> memref<128xi32, #tpu.memory_space<vmem>>
        %dma_wait3A_186 = arith.constant 0 : i32
        %dma_wait3A_187 = arith.constant 0 : i32
        %dma_wait3A_188 = tpu.memref_slice %arg2[%dma_wait3A_186, %dma_wait3A_187] : memref<10240x48xf32, #tpu.memory_space<hbm>> -> memref<10240x48xf32, #tpu.memory_space<hbm>>
        %dma_wait3A_189 = tpu.memref_slice %arg11[%dma_wait3A_180] : memref<5x!tpu.dma_semaphore, #tpu.memory_space<semaphore_mem>> -> memref<1x!tpu.dma_semaphore, #tpu.memory_space<semaphore_mem>>
        %dma_wait3A_190 = tpu.memref_squeeze %dma_wait3A_189 : memref<1x!tpu.dma_semaphore, #tpu.memory_space<semaphore_mem>> -> memref<!tpu.dma_semaphore, #tpu.memory_space<semaphore_mem>>
        tpu.wait_indirect_dma semaphore(%dma_wait3A_190 : memref<!tpu.dma_semaphore, #tpu.memory_space<semaphore_mem>>) src(%dma_wait3A_188 : memref<10240x48xf32, #tpu.memory_space<hbm>>) dst(%dma_wait3A_184 : memref<128x48xf32, #tpu.memory_space<vmem>>)
        %mul3A_191 = arith.constant 128 : i32
        %mul3A_192 = arith.muli %add3A_157, %mul3A_191 : i32
        %multiple_of3A_193 = tpu.assume_multiple %mul3A_192, 16 : i32
        %dma_start3A_194 = arith.constant 4 : i32
        %dma_start3A_195 = arith.constant 4 : i32
        %dma_start3A_196 = arith.constant 0 : i32
        %dma_start3A_197 = arith.constant 0 : i32
        %dma_start3A_198 = tpu.memref_slice %arg7[%dma_start3A_194, %dma_start3A_196, %dma_start3A_197] : memref<5x128x48xf32, #tpu.memory_space<vmem>> -> memref<1x128x48xf32, #tpu.memory_space<vmem>>
        %dma_start3A_199 = tpu.memref_squeeze %dma_start3A_198 : memref<1x128x48xf32, #tpu.memory_space<vmem>> -> memref<128x48xf32, #tpu.memory_space<vmem>>
        %dma_start3A_200 = tpu.memref_slice %arg6[%multiple_of3A_193] : memref<10000xi32, #tpu.memory_space<vmem>> -> memref<128xi32, #tpu.memory_space<vmem>>
        %dma_start3A_201 = arith.constant 0 : i32
        %dma_start3A_202 = arith.constant 0 : i32
        %dma_start3A_203 = tpu.memref_slice %arg10[%dma_start3A_201, %dma_start3A_202] : memref<10240x48xf32, #tpu.memory_space<vmem_shared>> -> memref<10240x48xf32, #tpu.memory_space<vmem_shared>>
        %dma_start3A_204 = tpu.memref_slice %arg12[%dma_start3A_195] : memref<5x!tpu.dma_semaphore, #tpu.memory_space<semaphore_mem>> -> memref<1x!tpu.dma_semaphore, #tpu.memory_space<semaphore_mem>>
        %dma_start3A_205 = tpu.memref_squeeze %dma_start3A_204 : memref<1x!tpu.dma_semaphore, #tpu.memory_space<semaphore_mem>> -> memref<!tpu.dma_semaphore, #tpu.memory_space<semaphore_mem>>
        tpu.enqueue_indirect_dma source(%dma_start3A_199 : memref<128x48xf32, #tpu.memory_space<vmem>>) target(%dma_start3A_203 : memref<10240x48xf32, #tpu.memory_space<vmem_shared>>) offsets(%dma_start3A_200 : memref<128xi32, #tpu.memory_space<vmem>>) semaphore(%dma_start3A_205 : memref<!tpu.dma_semaphore, #tpu.memory_space<semaphore_mem>>) {add = true}
      } else {
      }
    }
    %scan3A_45 = arith.constant 17 : i32
    %multiple_of3A_46 = arith.constant 9984 : i32
    %multiple_of3A_47 = tpu.assume_multiple %multiple_of3A_46, 16 : i32
    %dma_start3A_48 = arith.constant 0 : i32
    %dma_start3A_49 = tpu.memref_slice %arg5[%multiple_of3A_47] : memref<10000xi32, #tpu.memory_space<vmem>> -> memref<16xi32, #tpu.memory_space<vmem>>
    %dma_start3A_50 = arith.constant 0 : i32
    %dma_start3A_51 = arith.constant 0 : i32
    %dma_start3A_52 = tpu.memref_slice %arg2[%dma_start3A_50, %dma_start3A_51] : memref<10240x48xf32, #tpu.memory_space<hbm>> -> memref<10240x48xf32, #tpu.memory_space<hbm>>
    %dma_start3A_53 = tpu.memref_slice %arg11[%dma_start3A_48] : memref<5x!tpu.dma_semaphore, #tpu.memory_space<semaphore_mem>> -> memref<1x!tpu.dma_semaphore, #tpu.memory_space<semaphore_mem>>
    %dma_start3A_54 = tpu.memref_squeeze %dma_start3A_53 : memref<1x!tpu.dma_semaphore, #tpu.memory_space<semaphore_mem>> -> memref<!tpu.dma_semaphore, #tpu.memory_space<semaphore_mem>>
    tpu.enqueue_indirect_dma source(%dma_start3A_52 : memref<10240x48xf32, #tpu.memory_space<hbm>>) target(%arg8 : memref<16x48xf32, #tpu.memory_space<vmem>>) offsets(%dma_start3A_49 : memref<16xi32, #tpu.memory_space<vmem>>) semaphore(%dma_start3A_54 : memref<!tpu.dma_semaphore, #tpu.memory_space<semaphore_mem>>)
    %dma_wait3A = arith.constant 0 : i32
    %dma_wait3A_55 = tpu.memref_slice %arg5[%multiple_of3A_47] : memref<10000xi32, #tpu.memory_space<vmem>> -> memref<16xi32, #tpu.memory_space<vmem>>
    %dma_wait3A_56 = arith.constant 0 : i32
    %dma_wait3A_57 = arith.constant 0 : i32
    %dma_wait3A_58 = tpu.memref_slice %arg2[%dma_wait3A_56, %dma_wait3A_57] : memref<10240x48xf32, #tpu.memory_space<hbm>> -> memref<10240x48xf32, #tpu.memory_space<hbm>>
    %dma_wait3A_59 = tpu.memref_slice %arg11[%dma_wait3A] : memref<5x!tpu.dma_semaphore, #tpu.memory_space<semaphore_mem>> -> memref<1x!tpu.dma_semaphore, #tpu.memory_space<semaphore_mem>>
    %dma_wait3A_60 = tpu.memref_squeeze %dma_wait3A_59 : memref<1x!tpu.dma_semaphore, #tpu.memory_space<semaphore_mem>> -> memref<!tpu.dma_semaphore, #tpu.memory_space<semaphore_mem>>
    tpu.wait_indirect_dma semaphore(%dma_wait3A_60 : memref<!tpu.dma_semaphore, #tpu.memory_space<semaphore_mem>>) src(%dma_wait3A_58 : memref<10240x48xf32, #tpu.memory_space<hbm>>) dst(%arg8 : memref<16x48xf32, #tpu.memory_space<vmem>>)
    %multiple_of3A_61 = arith.constant 9984 : i32
    %multiple_of3A_62 = tpu.assume_multiple %multiple_of3A_61, 16 : i32
    "tpu.region"() ({
      %run_scoped3A_68 = tpu.sem_alloc : memref<!tpu.dma_semaphore, #tpu.memory_space<semaphore_mem>>
      %dma_start3A_69 = tpu.memref_slice %arg6[%multiple_of3A_62] : memref<10000xi32, #tpu.memory_space<vmem>> -> memref<16xi32, #tpu.memory_space<vmem>>
      %dma_start3A_70 = arith.constant 0 : i32
      %dma_start3A_71 = arith.constant 0 : i32
      %dma_start3A_72 = tpu.memref_slice %arg10[%dma_start3A_70, %dma_start3A_71] : memref<10240x48xf32, #tpu.memory_space<vmem_shared>> -> memref<10240x48xf32, #tpu.memory_space<vmem_shared>>
      tpu.enqueue_indirect_dma source(%arg8 : memref<16x48xf32, #tpu.memory_space<vmem>>) target(%dma_start3A_72 : memref<10240x48xf32, #tpu.memory_space<vmem_shared>>) offsets(%dma_start3A_69 : memref<16xi32, #tpu.memory_space<vmem>>) semaphore(%run_scoped3A_68 : memref<!tpu.dma_semaphore, #tpu.memory_space<semaphore_mem>>) {add = true}
      %dma_wait3A_73 = tpu.memref_slice %arg6[%multiple_of3A_62] : memref<10000xi32, #tpu.memory_space<vmem>> -> memref<16xi32, #tpu.memory_space<vmem>>
      %dma_wait3A_74 = arith.constant 0 : i32
      %dma_wait3A_75 = arith.constant 0 : i32
      %dma_wait3A_76 = tpu.memref_slice %arg10[%dma_wait3A_74, %dma_wait3A_75] : memref<10240x48xf32, #tpu.memory_space<vmem_shared>> -> memref<10240x48xf32, #tpu.memory_space<vmem_shared>>
      tpu.wait_indirect_dma semaphore(%run_scoped3A_68 : memref<!tpu.dma_semaphore, #tpu.memory_space<semaphore_mem>>) src(%arg8 : memref<16x48xf32, #tpu.memory_space<vmem>>) dst(%dma_wait3A_76 : memref<10240x48xf32, #tpu.memory_space<vmem_shared>>)
      tpu.yield
    }) : () -> ()
    %barrier3A_63 = arith.constant 0 : index
    tpu.barrier barrier_id(%barrier3A_63)
    %mul3A_64 = arith.constant 640 : i32
    %mul3A_65 = arith.muli %arg1, %mul3A_64 : i32
    %mul3A_66 = arith.constant 640 : i32
    %mul3A_67 = arith.muli %arg1, %mul3A_66 : i32
    "tpu.region"() ({
      %run_scoped3A_68 = tpu.sem_alloc : memref<!tpu.dma_semaphore, #tpu.memory_space<semaphore_mem>>
      %dma_start3A_69 = arith.constant 0 : i32
      %dma_start3A_70 = tpu.memref_slice %arg4[%arg0, %mul3A_67, %dma_start3A_69] : memref<2x10240x48xf32, #tpu.memory_space<hbm>> -> memref<1x640x48xf32, #tpu.memory_space<hbm>>
      %dma_start3A_71 = tpu.memref_squeeze %dma_start3A_70 : memref<1x640x48xf32, #tpu.memory_space<hbm>> -> memref<640x48xf32, #tpu.memory_space<hbm>>
      %dma_start3A_72 = arith.constant 0 : i32
      %dma_start3A_73 = tpu.memref_slice %arg10[%mul3A_65, %dma_start3A_72] : memref<10240x48xf32, #tpu.memory_space<vmem_shared>> -> memref<640x48xf32, #tpu.memory_space<vmem_shared>>
      tpu.enqueue_dma source(%dma_start3A_73 : memref<640x48xf32, #tpu.memory_space<vmem_shared>>) target(%dma_start3A_71 : memref<640x48xf32, #tpu.memory_space<hbm>>) target_semaphore(%run_scoped3A_68 : memref<!tpu.dma_semaphore, #tpu.memory_space<semaphore_mem>>)
      %dma_wait3A_74 = arith.constant 0 : i32
      %dma_wait3A_75 = tpu.memref_slice %arg4[%arg0, %mul3A_67, %dma_wait3A_74] : memref<2x10240x48xf32, #tpu.memory_space<hbm>> -> memref<1x640x48xf32, #tpu.memory_space<hbm>>
      %dma_wait3A_76 = tpu.memref_squeeze %dma_wait3A_75 : memref<1x640x48xf32, #tpu.memory_space<hbm>> -> memref<640x48xf32, #tpu.memory_space<hbm>>
      %dma_wait3A_77 = arith.constant 0 : i32
      %dma_wait3A_78 = tpu.memref_slice %arg10[%mul3A_65, %dma_wait3A_77] : memref<10240x48xf32, #tpu.memory_space<vmem_shared>> -> memref<640x48xf32, #tpu.memory_space<vmem_shared>>
      tpu.wait_dma2 semaphore(%run_scoped3A_68 : memref<!tpu.dma_semaphore, #tpu.memory_space<semaphore_mem>>) src(%dma_wait3A_78 : memref<640x48xf32, #tpu.memory_space<vmem_shared>>) dst(%dma_wait3A_76 : memref<640x48xf32, #tpu.memory_space<hbm>>)
      tpu.yield
    }) : () -> ()
    return
  }
}

#map = affine_map<(d0, d1) -> (0, 0)>
#map1 = affine_map<(d0, d1) -> (0, 0, 0)>
module attributes {stable_mosaic.version = 14 : i64} {
  func.func @_prop_kernel(%arg0: i32, %arg1: i32, %arg2: memref<10240x48xf32, #tpu.memory_space<hbm>>, %arg3: memref<2x320000xi32, #tpu.memory_space<hbm>>, %arg4: memref<2x10240x48xf32, #tpu.memory_space<hbm>>, %arg5: memref<10000xi32, #tpu.memory_space<vmem>>, %arg6: memref<10000xi32, #tpu.memory_space<vmem>>, %arg7: memref<5x128x48xf32, #tpu.memory_space<vmem>>, %arg8: memref<16x48xf32, #tpu.memory_space<vmem>>, %arg9: memref<128x48xf32, #tpu.memory_space<vmem>>, %arg10: memref<10240x48xf32, #tpu.memory_space<vmem_shared>>, %arg11: memref<5x!tpu.dma_semaphore, #tpu.memory_space<semaphore_mem>>, %arg12: memref<5x!tpu.dma_semaphore, #tpu.memory_space<semaphore_mem>>) attributes {dimension_semantics = [#tpu.dimension_semantics<core_parallel>, #tpu.dimension_semantics<subcore_parallel>], iteration_bounds = array<i64: 2, 16>, scalar_prefetch = 0 : i64, scratch_operands = 8 : i64, tpu.core_type = #tpu.core_type<sc_vector_subcore>, window_params = [{transform_indices = #map}, {transform_indices = #map}, {transform_indices = #map1}]} {
    %mul3A = arith.constant 2 : i32
    %mul3A_0 = arith.muli %arg1, %mul3A : i32
    %add3A = arith.addi %mul3A_0, %arg0 : i32
    %broadcast_in_dim3A = arith.constant 0.000000e+00 : f32
    %broadcast_in_dim3A_1 = vector.broadcast %broadcast_in_dim3A : f32 to vector<16xf32>
    %mul3A_2 = arith.constant 10000 : i32
    %mul3A_3 = arith.muli %add3A, %mul3A_2 : i32
    %multiple_of3A = tpu.assume_multiple %mul3A_3, 16 : i32
    %run_scoped3A = arith.constant 0 : i32
    "tpu.region"() ({
      %run_scoped3A_68 = tpu.sem_alloc : memref<!tpu.dma_semaphore, #tpu.memory_space<semaphore_mem>>
      %dma_start3A_69 = tpu.memref_slice %arg3[%run_scoped3A, %multiple_of3A] : memref<2x320000xi32, #tpu.memory_space<hbm>> -> memref<1x10000xi32, #tpu.memory_space<hbm>>
      %dma_start3A_70 = tpu.memref_squeeze %dma_start3A_69 : memref<1x10000xi32, #tpu.memory_space<hbm>> -> memref<10000xi32, #tpu.memory_space<hbm>>
      %dma_start3A_71 = tpu.memref_slice %arg3[%run_scoped3A, %multiple_of3A] : memref<2x320000xi32, #tpu.memory_space<hbm>> -> memref<1x10000xi32, #tpu.memory_space<hbm>>
      %dma_start3A_72 = tpu.memref_squeeze %dma_start3A_71 : memref<1x10000xi32, #tpu.memory_space<hbm>> -> memref<10000xi32, #tpu.memory_space<hbm>>
      tpu.enqueue_dma source(%dma_start3A_72 : memref<10000xi32, #tpu.memory_space<hbm>>) target(%arg5 : memref<10000xi32, #tpu.memory_space<vmem>>) target_semaphore(%run_scoped3A_68 : memref<!tpu.dma_semaphore, #tpu.memory_space<semaphore_mem>>)
      %dma_wait3A_73 = tpu.memref_slice %arg3[%run_scoped3A, %multiple_of3A] : memref<2x320000xi32, #tpu.memory_space<hbm>> -> memref<1x10000xi32, #tpu.memory_space<hbm>>
      %dma_wait3A_74 = tpu.memref_squeeze %dma_wait3A_73 : memref<1x10000xi32, #tpu.memory_space<hbm>> -> memref<10000xi32, #tpu.memory_space<hbm>>
      %dma_wait3A_75 = tpu.memref_slice %arg3[%run_scoped3A, %multiple_of3A] : memref<2x320000xi32, #tpu.memory_space<hbm>> -> memref<1x10000xi32, #tpu.memory_space<hbm>>
      %dma_wait3A_76 = tpu.memref_squeeze %dma_wait3A_75 : memref<1x10000xi32, #tpu.memory_space<hbm>> -> memref<10000xi32, #tpu.memory_space<hbm>>
      tpu.wait_dma2 semaphore(%run_scoped3A_68 : memref<!tpu.dma_semaphore, #tpu.memory_space<semaphore_mem>>) src(%dma_wait3A_76 : memref<10000xi32, #tpu.memory_space<hbm>>) dst(%arg5 : memref<10000xi32, #tpu.memory_space<vmem>>)
      tpu.yield
    }) : () -> ()
    %mul3A_4 = arith.constant 10000 : i32
    %mul3A_5 = arith.muli %add3A, %mul3A_4 : i32
    %multiple_of3A_6 = tpu.assume_multiple %mul3A_5, 16 : i32
    %run_scoped3A_7 = arith.constant 1 : i32
    "tpu.region"() ({
      %run_scoped3A_68 = tpu.sem_alloc : memref<!tpu.dma_semaphore, #tpu.memory_space<semaphore_mem>>
      %dma_start3A_69 = tpu.memref_slice %arg3[%run_scoped3A_7, %multiple_of3A_6] : memref<2x320000xi32, #tpu.memory_space<hbm>> -> memref<1x10000xi32, #tpu.memory_space<hbm>>
      %dma_start3A_70 = tpu.memref_squeeze %dma_start3A_69 : memref<1x10000xi32, #tpu.memory_space<hbm>> -> memref<10000xi32, #tpu.memory_space<hbm>>
      %dma_start3A_71 = tpu.memref_slice %arg3[%run_scoped3A_7, %multiple_of3A_6] : memref<2x320000xi32, #tpu.memory_space<hbm>> -> memref<1x10000xi32, #tpu.memory_space<hbm>>
      %dma_start3A_72 = tpu.memref_squeeze %dma_start3A_71 : memref<1x10000xi32, #tpu.memory_space<hbm>> -> memref<10000xi32, #tpu.memory_space<hbm>>
      tpu.enqueue_dma source(%dma_start3A_72 : memref<10000xi32, #tpu.memory_space<hbm>>) target(%arg6 : memref<10000xi32, #tpu.memory_space<vmem>>) target_semaphore(%run_scoped3A_68 : memref<!tpu.dma_semaphore, #tpu.memory_space<semaphore_mem>>)
      %dma_wait3A_73 = tpu.memref_slice %arg3[%run_scoped3A_7, %multiple_of3A_6] : memref<2x320000xi32, #tpu.memory_space<hbm>> -> memref<1x10000xi32, #tpu.memory_space<hbm>>
      %dma_wait3A_74 = tpu.memref_squeeze %dma_wait3A_73 : memref<1x10000xi32, #tpu.memory_space<hbm>> -> memref<10000xi32, #tpu.memory_space<hbm>>
      %dma_wait3A_75 = tpu.memref_slice %arg3[%run_scoped3A_7, %multiple_of3A_6] : memref<2x320000xi32, #tpu.memory_space<hbm>> -> memref<1x10000xi32, #tpu.memory_space<hbm>>
      %dma_wait3A_76 = tpu.memref_squeeze %dma_wait3A_75 : memref<1x10000xi32, #tpu.memory_space<hbm>> -> memref<10000xi32, #tpu.memory_space<hbm>>
      tpu.wait_dma2 semaphore(%run_scoped3A_68 : memref<!tpu.dma_semaphore, #tpu.memory_space<semaphore_mem>>) src(%dma_wait3A_76 : memref<10000xi32, #tpu.memory_space<hbm>>) dst(%arg6 : memref<10000xi32, #tpu.memory_space<vmem>>)
      tpu.yield
    }) : () -> ()
    %eq3A = arith.constant 0 : i32
    %eq3A_8 = arith.cmpi eq, %arg0, %eq3A : i32
    %convert_element_type3A = arith.extui %eq3A_8 : i1 to i32
    %cond3A = arith.constant 0 : i32
    %cond3A_9 = arith.cmpi ne, %convert_element_type3A, %cond3A : i32
    scf.if %cond3A_9 {
      %mul3A_68 = arith.constant 640 : i32
      %mul3A_69 = arith.muli %arg1, %mul3A_68 : i32
      %mul3A_70 = arith.constant 640 : i32
      %mul3A_71 = arith.muli %arg1, %mul3A_70 : i32
      "tpu.region"() ({
        %run_scoped3A_72 = tpu.sem_alloc : memref<!tpu.dma_semaphore, #tpu.memory_space<semaphore_mem>>
        %dma_start3A_73 = arith.constant 0 : i32
        %dma_start3A_74 = tpu.memref_slice %arg10[%mul3A_71, %dma_start3A_73] : memref<10240x48xf32, #tpu.memory_space<vmem_shared>> -> memref<640x48xf32, #tpu.memory_space<vmem_shared>>
        %dma_start3A_75 = arith.constant 0 : i32
        %dma_start3A_76 = tpu.memref_slice %arg2[%mul3A_69, %dma_start3A_75] : memref<10240x48xf32, #tpu.memory_space<hbm>> -> memref<640x48xf32, #tpu.memory_space<hbm>>
        tpu.enqueue_dma source(%dma_start3A_76 : memref<640x48xf32, #tpu.memory_space<hbm>>) target(%dma_start3A_74 : memref<640x48xf32, #tpu.memory_space<vmem_shared>>) target_semaphore(%run_scoped3A_72 : memref<!tpu.dma_semaphore, #tpu.memory_space<semaphore_mem>>)
        %dma_wait3A_77 = arith.constant 0 : i32
        %dma_wait3A_78 = tpu.memref_slice %arg10[%mul3A_71, %dma_wait3A_77] : memref<10240x48xf32, #tpu.memory_space<vmem_shared>> -> memref<640x48xf32, #tpu.memory_space<vmem_shared>>
        %dma_wait3A_79 = arith.constant 0 : i32
        %dma_wait3A_80 = tpu.memref_slice %arg2[%mul3A_69, %dma_wait3A_79] : memref<10240x48xf32, #tpu.memory_space<hbm>> -> memref<640x48xf32, #tpu.memory_space<hbm>>
        tpu.wait_dma2 semaphore(%run_scoped3A_72 : memref<!tpu.dma_semaphore, #tpu.memory_space<semaphore_mem>>) src(%dma_wait3A_80 : memref<640x48xf32, #tpu.memory_space<hbm>>) dst(%dma_wait3A_78 : memref<640x48xf32, #tpu.memory_space<vmem_shared>>)
        tpu.yield
      }) : () -> ()
    } else {
    }
    %ne3A = arith.constant 0 : i32
    %ne3A_10 = arith.cmpi ne, %arg0, %ne3A : i32
    %convert_element_type3A_11 = arith.extui %ne3A_10 : i1 to i32
    %cond3A_12 = arith.constant 0 : i32
    %cond3A_13 = arith.cmpi ne, %convert_element_type3A_11, %cond3A_12 : i32
    scf.if %cond3A_13 {
      %scan3A_68 = arith.constant 0 : i32
      %scan3A_69 = arith.constant 0 : i32
      %scan3A_70 = arith.constant 384 : i32
      %scan3A_71 = arith.addi %scan3A_69, %scan3A_70 : i32
      %scan3A_72 = arith.constant 1 : i32
      scf.for %scan3A_80 = %scan3A_69 to %scan3A_71 step %scan3A_72  : i32 {
        %jit3A = arith.constant 3 : i32
        %div3A = arith.divsi %scan3A_80, %jit3A : i32
        %sign3A = arith.constant 0 : i32
        %sign3A_81 = arith.cmpi sgt, %scan3A_80, %sign3A : i32
        %sign3A_82 = arith.extui %sign3A_81 : i1 to i32
        %sign3A_83 = arith.constant 0 : i32
        %sign3A_84 = arith.cmpi slt, %scan3A_80, %sign3A_83 : i32
        %sign3A_85 = arith.extui %sign3A_84 : i1 to i32
        %sign3A_86 = arith.subi %sign3A_82, %sign3A_85 : i32
        %sign3A_87 = arith.constant 0 : i32
        %sign3A_88 = arith.cmpi sgt, %jit3A, %sign3A_87 : i32
        %sign3A_89 = arith.extui %sign3A_88 : i1 to i32
        %sign3A_90 = arith.constant 0 : i32
        %sign3A_91 = arith.cmpi slt, %jit3A, %sign3A_90 : i32
        %sign3A_92 = arith.extui %sign3A_91 : i1 to i32
        %sign3A_93 = arith.subi %sign3A_89, %sign3A_92 : i32
        %ne3A_94 = arith.cmpi ne, %sign3A_86, %sign3A_93 : i32
        %rem3A = arith.remsi %scan3A_80, %jit3A : i32
        %ne3A_95 = arith.constant 0 : i32
        %ne3A_96 = arith.cmpi ne, %rem3A, %ne3A_95 : i32
        %and3A = arith.andi %ne3A_94, %ne3A_96 : i1
        %sub3A = arith.constant 1 : i32
        %sub3A_97 = arith.subi %div3A, %sub3A : i32
        %select_n3A = arith.select %and3A, %sub3A_97, %div3A : i32
        %jit3A_98 = arith.constant 3 : i32
        %eq3A_99 = arith.constant 0 : i32
        %eq3A_100 = arith.cmpi eq, %jit3A_98, %eq3A_99 : i32
        %jit3A_101 = arith.constant 1 : i32
        %select_n3A_102 = arith.select %eq3A_100, %jit3A_101, %jit3A_98 : i32
        %rem3A_103 = arith.remsi %scan3A_80, %select_n3A_102 : i32
        %ne3A_104 = arith.constant 0 : i32
        %ne3A_105 = arith.cmpi ne, %rem3A_103, %ne3A_104 : i32
        %lt3A = arith.constant 0 : i32
        %lt3A_106 = arith.cmpi slt, %rem3A_103, %lt3A : i32
        %lt3A_107 = arith.constant 0 : i32
        %lt3A_108 = arith.cmpi slt, %select_n3A_102, %lt3A_107 : i32
        %ne3A_109 = arith.xori %lt3A_106, %lt3A_108 : i1
        %and3A_110 = arith.andi %ne3A_109, %ne3A_105 : i1
        %add3A_111 = arith.addi %rem3A_103, %select_n3A_102 : i32
        %select_n3A_112 = arith.select %and3A_110, %add3A_111, %rem3A_103 : i32
        %mul3A_113 = arith.constant 16 : i32
        %mul3A_114 = arith.muli %select_n3A_112, %mul3A_113 : i32
        %swap3A = arith.index_cast %select_n3A : i32 to index
        %swap3A_115 = arith.index_cast %mul3A_114 : i32 to index
        %swap3A_116 = tpu.vector_load %arg9[%swap3A, %swap3A_115] {strides = array<i32>} : memref<128x48xf32, #tpu.memory_space<vmem>>, vector<16xf32>,
        tpu.vector_store %arg9[%swap3A, %swap3A_115], %broadcast_in_dim3A_1 {strides = array<i32>} : memref<128x48xf32, #tpu.memory_space<vmem>>, vector<16xf32>,
      }
      %scan3A_73 = arith.constant 384 : i32
      %scan3A_74 = arith.constant 0 : i32
      %scan3A_75 = arith.constant 0 : i32
      %scan3A_76 = arith.constant 5 : i32
      %scan3A_77 = arith.addi %scan3A_75, %scan3A_76 : i32
      %scan3A_78 = arith.constant 1 : i32
      scf.for %scan3A_80 = %scan3A_75 to %scan3A_77 step %scan3A_78  : i32 {
        %mul3A_81 = arith.constant 640 : i32
        %mul3A_82 = arith.muli %arg1, %mul3A_81 : i32
        %mul3A_83 = arith.constant 128 : i32
        %mul3A_84 = arith.muli %scan3A_80, %mul3A_83 : i32
        %add3A_85 = arith.addi %mul3A_82, %mul3A_84 : i32
        "tpu.region"() ({
          %run_scoped3A_86 = tpu.sem_alloc : memref<!tpu.dma_semaphore, #tpu.memory_space<semaphore_mem>>
          %dma_start3A_87 = arith.constant 0 : i32
          %dma_start3A_88 = tpu.memref_slice %arg10[%add3A_85, %dma_start3A_87] : memref<10240x48xf32, #tpu.memory_space<vmem_shared>> -> memref<128x48xf32, #tpu.memory_space<vmem_shared>>
          %dma_start3A_89 = arith.constant 0 : i32
          %dma_start3A_90 = tpu.memref_slice %arg10[%add3A_85, %dma_start3A_89] : memref<10240x48xf32, #tpu.memory_space<vmem_shared>> -> memref<128x48xf32, #tpu.memory_space<vmem_shared>>
          tpu.enqueue_dma source(%arg9 : memref<128x48xf32, #tpu.memory_space<vmem>>) target(%dma_start3A_90 : memref<128x48xf32, #tpu.memory_space<vmem_shared>>) target_semaphore(%run_scoped3A_86 : memref<!tpu.dma_semaphore, #tpu.memory_space<semaphore_mem>>)
          %dma_wait3A_91 = arith.constant 0 : i32
          %dma_wait3A_92 = tpu.memref_slice %arg10[%add3A_85, %dma_wait3A_91] : memref<10240x48xf32, #tpu.memory_space<vmem_shared>> -> memref<128x48xf32, #tpu.memory_space<vmem_shared>>
          %dma_wait3A_93 = arith.constant 0 : i32
          %dma_wait3A_94 = tpu.memref_slice %arg10[%add3A_85, %dma_wait3A_93] : memref<10240x48xf32, #tpu.memory_space<vmem_shared>> -> memref<128x48xf32, #tpu.memory_space<vmem_shared>>
          tpu.wait_dma2 semaphore(%run_scoped3A_86 : memref<!tpu.dma_semaphore, #tpu.memory_space<semaphore_mem>>) src(%arg9 : memref<128x48xf32, #tpu.memory_space<vmem>>) dst(%dma_wait3A_94 : memref<128x48xf32, #tpu.memory_space<vmem_shared>>)
          tpu.yield
        }) : () -> ()
      }
      %scan3A_79 = arith.constant 5 : i32
    } else {
    }
    %multiple_of3A_14 = arith.constant 0 : i32
    %multiple_of3A_15 = tpu.assume_multiple %multiple_of3A_14, 16 : i32
    %dma_start3A = arith.constant 0 : i32
    %dma_start3A_16 = arith.constant 0 : i32
    %dma_start3A_17 = arith.constant 0 : i32
    %dma_start3A_18 = arith.constant 0 : i32
    %dma_start3A_19 = tpu.memref_slice %arg7[%dma_start3A, %dma_start3A_17, %dma_start3A_18] : memref<5x128x48xf32, #tpu.memory_space<vmem>> -> memref<1x128x48xf32, #tpu.memory_space<vmem>>
    %dma_start3A_20 = tpu.memref_squeeze %dma_start3A_19 : memref<1x128x48xf32, #tpu.memory_space<vmem>> -> memref<128x48xf32, #tpu.memory_space<vmem>>
    %dma_start3A_21 = tpu.memref_slice %arg5[%multiple_of3A_15] : memref<10000xi32, #tpu.memory_space<vmem>> -> memref<128xi32, #tpu.memory_space<vmem>>
    %dma_start3A_22 = arith.constant 0 : i32
    %dma_start3A_23 = arith.constant 0 : i32
    %dma_start3A_24 = tpu.memref_slice %arg2[%dma_start3A_22, %dma_start3A_23] : memref<10240x48xf32, #tpu.memory_space<hbm>> -> memref<10240x48xf32, #tpu.memory_space<hbm>>
    %dma_start3A_25 = tpu.memref_slice %arg11[%dma_start3A_16] : memref<5x!tpu.dma_semaphore, #tpu.memory_space<semaphore_mem>> -> memref<1x!tpu.dma_semaphore, #tpu.memory_space<semaphore_mem>>
    %dma_start3A_26 = tpu.memref_squeeze %dma_start3A_25 : memref<1x!tpu.dma_semaphore, #tpu.memory_space<semaphore_mem>> -> memref<!tpu.dma_semaphore, #tpu.memory_space<semaphore_mem>>
    tpu.enqueue_indirect_dma source(%dma_start3A_24 : memref<10240x48xf32, #tpu.memory_space<hbm>>) target(%dma_start3A_20 : memref<128x48xf32, #tpu.memory_space<vmem>>) offsets(%dma_start3A_21 : memref<128xi32, #tpu.memory_space<vmem>>) semaphore(%dma_start3A_26 : memref<!tpu.dma_semaphore, #tpu.memory_space<semaphore_mem>>)
    %multiple_of3A_27 = arith.constant 128 : i32
    %multiple_of3A_28 = tpu.assume_multiple %multiple_of3A_27, 16 : i32
    %dma_start3A_29 = arith.constant 1 : i32
    %dma_start3A_30 = arith.constant 1 : i32
    %dma_start3A_31 = arith.constant 0 : i32
    %dma_start3A_32 = arith.constant 0 : i32
    %dma_start3A_33 = tpu.memref_slice %arg7[%dma_start3A_29, %dma_start3A_31, %dma_start3A_32] : memref<5x128x48xf32, #tpu.memory_space<vmem>> -> memref<1x128x48xf32, #tpu.memory_space<vmem>>
    %dma_start3A_34 = tpu.memref_squeeze %dma_start3A_33 : memref<1x128x48xf32, #tpu.memory_space<vmem>> -> memref<128x48xf32, #tpu.memory_space<vmem>>
    %dma_start3A_35 = tpu.memref_slice %arg5[%multiple_of3A_28] : memref<10000xi32, #tpu.memory_space<vmem>> -> memref<128xi32, #tpu.memory_space<vmem>>
    %dma_start3A_36 = arith.constant 0 : i32
    %dma_start3A_37 = arith.constant 0 : i32
    %dma_start3A_38 = tpu.memref_slice %arg2[%dma_start3A_36, %dma_start3A_37] : memref<10240x48xf32, #tpu.memory_space<hbm>> -> memref<10240x48xf32, #tpu.memory_space<hbm>>
    %dma_start3A_39 = tpu.memref_slice %arg11[%dma_start3A_30] : memref<5x!tpu.dma_semaphore, #tpu.memory_space<semaphore_mem>> -> memref<1x!tpu.dma_semaphore, #tpu.memory_space<semaphore_mem>>
    %dma_start3A_40 = tpu.memref_squeeze %dma_start3A_39 : memref<1x!tpu.dma_semaphore, #tpu.memory_space<semaphore_mem>> -> memref<!tpu.dma_semaphore, #tpu.memory_space<semaphore_mem>>
    tpu.enqueue_indirect_dma source(%dma_start3A_38 : memref<10240x48xf32, #tpu.memory_space<hbm>>) target(%dma_start3A_34 : memref<128x48xf32, #tpu.memory_space<vmem>>) offsets(%dma_start3A_35 : memref<128xi32, #tpu.memory_space<vmem>>) semaphore(%dma_start3A_40 : memref<!tpu.dma_semaphore, #tpu.memory_space<semaphore_mem>>)
    %barrier3A = arith.constant 0 : index
    tpu.barrier barrier_id(%barrier3A)
    %scan3A = arith.constant 0 : i32
    %scan3A_41 = arith.constant 0 : i32
    %scan3A_42 = arith.constant 17 : i32
    %scan3A_43 = arith.addi %scan3A_41, %scan3A_42 : i32
    %scan3A_44 = arith.constant 1 : i32
    scf.for %scan3A_68 = %scan3A_41 to %scan3A_43 step %scan3A_44  : i32 {
      %mul3A_69 = arith.constant 5 : i32
      %mul3A_70 = arith.muli %scan3A_68, %mul3A_69 : i32
      %add3A_71 = arith.constant 0 : i32
      %add3A_72 = arith.addi %mul3A_70, %add3A_71 : i32
      %ge3A = arith.constant 3 : i32
      %ge3A_73 = arith.cmpi sge, %add3A_72, %ge3A : i32
      %le3A = arith.constant 80 : i32
      %le3A_74 = arith.cmpi sle, %add3A_72, %le3A : i32
      %and3A = arith.andi %ge3A_73, %le3A_74 : i1
      %convert_element_type3A_75 = arith.extui %and3A : i1 to i32
      %cond3A_76 = arith.constant 0 : i32
      %cond3A_77 = arith.cmpi ne, %convert_element_type3A_75, %cond3A_76 : i32
      scf.if %cond3A_77 {
        %sub3A = arith.constant 3 : i32
        %sub3A_176 = arith.subi %add3A_72, %sub3A : i32
        %mul3A_177 = arith.constant 128 : i32
        %mul3A_178 = arith.muli %sub3A_176, %mul3A_177 : i32
        %multiple_of3A_179 = tpu.assume_multiple %mul3A_178, 16 : i32
        %dma_wait3A_180 = arith.constant 2 : i32
        %dma_wait3A_181 = arith.constant 2 : i32
        %dma_wait3A_182 = arith.constant 0 : i32
        %dma_wait3A_183 = arith.constant 0 : i32
        %dma_wait3A_184 = tpu.memref_slice %arg7[%dma_wait3A_180, %dma_wait3A_182, %dma_wait3A_183] : memref<5x128x48xf32, #tpu.memory_space<vmem>> -> memref<1x128x48xf32, #tpu.memory_space<vmem>>
        %dma_wait3A_185 = tpu.memref_squeeze %dma_wait3A_184 : memref<1x128x48xf32, #tpu.memory_space<vmem>> -> memref<128x48xf32, #tpu.memory_space<vmem>>
        %dma_wait3A_186 = tpu.memref_slice %arg6[%multiple_of3A_179] : memref<10000xi32, #tpu.memory_space<vmem>> -> memref<128xi32, #tpu.memory_space<vmem>>
        %dma_wait3A_187 = arith.constant 0 : i32
        %dma_wait3A_188 = arith.constant 0 : i32
        %dma_wait3A_189 = tpu.memref_slice %arg10[%dma_wait3A_187, %dma_wait3A_188] : memref<10240x48xf32, #tpu.memory_space<vmem_shared>> -> memref<10240x48xf32, #tpu.memory_space<vmem_shared>>
        %dma_wait3A_190 = tpu.memref_slice %arg12[%dma_wait3A_181] : memref<5x!tpu.dma_semaphore, #tpu.memory_space<semaphore_mem>> -> memref<1x!tpu.dma_semaphore, #tpu.memory_space<semaphore_mem>>
        %dma_wait3A_191 = tpu.memref_squeeze %dma_wait3A_190 : memref<1x!tpu.dma_semaphore, #tpu.memory_space<semaphore_mem>> -> memref<!tpu.dma_semaphore, #tpu.memory_space<semaphore_mem>>
        tpu.wait_indirect_dma semaphore(%dma_wait3A_191 : memref<!tpu.dma_semaphore, #tpu.memory_space<semaphore_mem>>) src(%dma_wait3A_185 : memref<128x48xf32, #tpu.memory_space<vmem>>) dst(%dma_wait3A_189 : memref<10240x48xf32, #tpu.memory_space<vmem_shared>>)
      } else {
      }
      %le3A_78 = arith.constant 75 : i32
      %le3A_79 = arith.cmpi sle, %add3A_72, %le3A_78 : i32
      %convert_element_type3A_80 = arith.extui %le3A_79 : i1 to i32
      %cond3A_81 = arith.constant 0 : i32
      %cond3A_82 = arith.cmpi ne, %convert_element_type3A_80, %cond3A_81 : i32
      scf.if %cond3A_82 {
        %add3A_176 = arith.constant 2 : i32
        %add3A_177 = arith.addi %add3A_72, %add3A_176 : i32
        %mul3A_178 = arith.constant 128 : i32
        %mul3A_179 = arith.muli %add3A_177, %mul3A_178 : i32
        %multiple_of3A_180 = tpu.assume_multiple %mul3A_179, 16 : i32
        %dma_start3A_181 = arith.constant 2 : i32
        %dma_start3A_182 = arith.constant 2 : i32
        %dma_start3A_183 = arith.constant 0 : i32
        %dma_start3A_184 = arith.constant 0 : i32
        %dma_start3A_185 = tpu.memref_slice %arg7[%dma_start3A_181, %dma_start3A_183, %dma_start3A_184] : memref<5x128x48xf32, #tpu.memory_space<vmem>> -> memref<1x128x48xf32, #tpu.memory_space<vmem>>
        %dma_start3A_186 = tpu.memref_squeeze %dma_start3A_185 : memref<1x128x48xf32, #tpu.memory_space<vmem>> -> memref<128x48xf32, #tpu.memory_space<vmem>>
        %dma_start3A_187 = tpu.memref_slice %arg5[%multiple_of3A_180] : memref<10000xi32, #tpu.memory_space<vmem>> -> memref<128xi32, #tpu.memory_space<vmem>>
        %dma_start3A_188 = arith.constant 0 : i32
        %dma_start3A_189 = arith.constant 0 : i32
        %dma_start3A_190 = tpu.memref_slice %arg2[%dma_start3A_188, %dma_start3A_189] : memref<10240x48xf32, #tpu.memory_space<hbm>> -> memref<10240x48xf32, #tpu.memory_space<hbm>>
        %dma_start3A_191 = tpu.memref_slice %arg11[%dma_start3A_182] : memref<5x!tpu.dma_semaphore, #tpu.memory_space<semaphore_mem>> -> memref<1x!tpu.dma_semaphore, #tpu.memory_space<semaphore_mem>>
        %dma_start3A_192 = tpu.memref_squeeze %dma_start3A_191 : memref<1x!tpu.dma_semaphore, #tpu.memory_space<semaphore_mem>> -> memref<!tpu.dma_semaphore, #tpu.memory_space<semaphore_mem>>
        tpu.enqueue_indirect_dma source(%dma_start3A_190 : memref<10240x48xf32, #tpu.memory_space<hbm>>) target(%dma_start3A_186 : memref<128x48xf32, #tpu.memory_space<vmem>>) offsets(%dma_start3A_187 : memref<128xi32, #tpu.memory_space<vmem>>) semaphore(%dma_start3A_192 : memref<!tpu.dma_semaphore, #tpu.memory_space<semaphore_mem>>)
      } else {
      }
      %le3A_83 = arith.constant 77 : i32
      %le3A_84 = arith.cmpi sle, %add3A_72, %le3A_83 : i32
      %convert_element_type3A_85 = arith.extui %le3A_84 : i1 to i32
      %cond3A_86 = arith.constant 0 : i32
      %cond3A_87 = arith.cmpi ne, %convert_element_type3A_85, %cond3A_86 : i32
      scf.if %cond3A_87 {
        %mul3A_176 = arith.constant 128 : i32
        %mul3A_177 = arith.muli %add3A_72, %mul3A_176 : i32
        %multiple_of3A_178 = tpu.assume_multiple %mul3A_177, 16 : i32
        %dma_wait3A_179 = arith.constant 0 : i32
        %dma_wait3A_180 = arith.constant 0 : i32
        %dma_wait3A_181 = arith.constant 0 : i32
        %dma_wait3A_182 = arith.constant 0 : i32
        %dma_wait3A_183 = tpu.memref_slice %arg7[%dma_wait3A_179, %dma_wait3A_181, %dma_wait3A_182] : memref<5x128x48xf32, #tpu.memory_space<vmem>> -> memref<1x128x48xf32, #tpu.memory_space<vmem>>
        %dma_wait3A_184 = tpu.memref_squeeze %dma_wait3A_183 : memref<1x128x48xf32, #tpu.memory_space<vmem>> -> memref<128x48xf32, #tpu.memory_space<vmem>>
        %dma_wait3A_185 = tpu.memref_slice %arg5[%multiple_of3A_178] : memref<10000xi32, #tpu.memory_space<vmem>> -> memref<128xi32, #tpu.memory_space<vmem>>
        %dma_wait3A_186 = arith.constant 0 : i32
        %dma_wait3A_187 = arith.constant 0 : i32
        %dma_wait3A_188 = tpu.memref_slice %arg2[%dma_wait3A_186, %dma_wait3A_187] : memref<10240x48xf32, #tpu.memory_space<hbm>> -> memref<10240x48xf32, #tpu.memory_space<hbm>>
        %dma_wait3A_189 = tpu.memref_slice %arg11[%dma_wait3A_180] : memref<5x!tpu.dma_semaphore, #tpu.memory_space<semaphore_mem>> -> memref<1x!tpu.dma_semaphore, #tpu.memory_space<semaphore_mem>>
        %dma_wait3A_190 = tpu.memref_squeeze %dma_wait3A_189 : memref<1x!tpu.dma_semaphore, #tpu.memory_space<semaphore_mem>> -> memref<!tpu.dma_semaphore, #tpu.memory_space<semaphore_mem>>
        tpu.wait_indirect_dma semaphore(%dma_wait3A_190 : memref<!tpu.dma_semaphore, #tpu.memory_space<semaphore_mem>>) src(%dma_wait3A_188 : memref<10240x48xf32, #tpu.memory_space<hbm>>) dst(%dma_wait3A_184 : memref<128x48xf32, #tpu.memory_space<vmem>>)
        %mul3A_191 = arith.constant 128 : i32
        %mul3A_192 = arith.muli %add3A_72, %mul3A_191 : i32
        %multiple_of3A_193 = tpu.assume_multiple %mul3A_192, 16 : i32
        %dma_start3A_194 = arith.constant 0 : i32
        %dma_start3A_195 = arith.constant 0 : i32
        %dma_start3A_196 = arith.constant 0 : i32
        %dma_start3A_197 = arith.constant 0 : i32
        %dma_start3A_198 = tpu.memref_slice %arg7[%dma_start3A_194, %dma_start3A_196, %dma_start3A_197] : memref<5x128x48xf32, #tpu.memory_space<vmem>> -> memref<1x128x48xf32, #tpu.memory_space<vmem>>
        %dma_start3A_199 = tpu.memref_squeeze %dma_start3A_198 : memref<1x128x48xf32, #tpu.memory_space<vmem>> -> memref<128x48xf32, #tpu.memory_space<vmem>>
        %dma_start3A_200 = tpu.memref_slice %arg6[%multiple_of3A_193] : memref<10000xi32, #tpu.memory_space<vmem>> -> memref<128xi32, #tpu.memory_space<vmem>>
        %dma_start3A_201 = arith.constant 0 : i32
        %dma_start3A_202 = arith.constant 0 : i32
        %dma_start3A_203 = tpu.memref_slice %arg10[%dma_start3A_201, %dma_start3A_202] : memref<10240x48xf32, #tpu.memory_space<vmem_shared>> -> memref<10240x48xf32, #tpu.memory_space<vmem_shared>>
        %dma_start3A_204 = tpu.memref_slice %arg12[%dma_start3A_195] : memref<5x!tpu.dma_semaphore, #tpu.memory_space<semaphore_mem>> -> memref<1x!tpu.dma_semaphore, #tpu.memory_space<semaphore_mem>>
        %dma_start3A_205 = tpu.memref_squeeze %dma_start3A_204 : memref<1x!tpu.dma_semaphore, #tpu.memory_space<semaphore_mem>> -> memref<!tpu.dma_semaphore, #tpu.memory_space<semaphore_mem>>
        tpu.enqueue_indirect_dma source(%dma_start3A_199 : memref<128x48xf32, #tpu.memory_space<vmem>>) target(%dma_start3A_203 : memref<10240x48xf32, #tpu.memory_space<vmem_shared>>) offsets(%dma_start3A_200 : memref<128xi32, #tpu.memory_space<vmem>>) semaphore(%dma_start3A_205 : memref<!tpu.dma_semaphore, #tpu.memory_space<semaphore_mem>>) {add = true}
      } else {
      }
      %mul3A_88 = arith.constant 5 : i32
      %mul3A_89 = arith.muli %scan3A_68, %mul3A_88 : i32
      %add3A_90 = arith.constant 1 : i32
      %add3A_91 = arith.addi %mul3A_89, %add3A_90 : i32
      %ge3A_92 = arith.constant 3 : i32
      %ge3A_93 = arith.cmpi sge, %add3A_91, %ge3A_92 : i32
      %le3A_94 = arith.constant 80 : i32
      %le3A_95 = arith.cmpi sle, %add3A_91, %le3A_94 : i32
      %and3A_96 = arith.andi %ge3A_93, %le3A_95 : i1
      %convert_element_type3A_97 = arith.extui %and3A_96 : i1 to i32
      %cond3A_98 = arith.constant 0 : i32
      %cond3A_99 = arith.cmpi ne, %convert_element_type3A_97, %cond3A_98 : i32
      scf.if %cond3A_99 {
        %sub3A = arith.constant 3 : i32
        %sub3A_176 = arith.subi %add3A_91, %sub3A : i32
        %mul3A_177 = arith.constant 128 : i32
        %mul3A_178 = arith.muli %sub3A_176, %mul3A_177 : i32
        %multiple_of3A_179 = tpu.assume_multiple %mul3A_178, 16 : i32
        %dma_wait3A_180 = arith.constant 3 : i32
        %dma_wait3A_181 = arith.constant 3 : i32
        %dma_wait3A_182 = arith.constant 0 : i32
        %dma_wait3A_183 = arith.constant 0 : i32
        %dma_wait3A_184 = tpu.memref_slice %arg7[%dma_wait3A_180, %dma_wait3A_182, %dma_wait3A_183] : memref<5x128x48xf32, #tpu.memory_space<vmem>> -> memref<1x128x48xf32, #tpu.memory_space<vmem>>
        %dma_wait3A_185 = tpu.memref_squeeze %dma_wait3A_184 : memref<1x128x48xf32, #tpu.memory_space<vmem>> -> memref<128x48xf32, #tpu.memory_space<vmem>>
        %dma_wait3A_186 = tpu.memref_slice %arg6[%multiple_of3A_179] : memref<10000xi32, #tpu.memory_space<vmem>> -> memref<128xi32, #tpu.memory_space<vmem>>
        %dma_wait3A_187 = arith.constant 0 : i32
        %dma_wait3A_188 = arith.constant 0 : i32
        %dma_wait3A_189 = tpu.memref_slice %arg10[%dma_wait3A_187, %dma_wait3A_188] : memref<10240x48xf32, #tpu.memory_space<vmem_shared>> -> memref<10240x48xf32, #tpu.memory_space<vmem_shared>>
        %dma_wait3A_190 = tpu.memref_slice %arg12[%dma_wait3A_181] : memref<5x!tpu.dma_semaphore, #tpu.memory_space<semaphore_mem>> -> memref<1x!tpu.dma_semaphore, #tpu.memory_space<semaphore_mem>>
        %dma_wait3A_191 = tpu.memref_squeeze %dma_wait3A_190 : memref<1x!tpu.dma_semaphore, #tpu.memory_space<semaphore_mem>> -> memref<!tpu.dma_semaphore, #tpu.memory_space<semaphore_mem>>
        tpu.wait_indirect_dma semaphore(%dma_wait3A_191 : memref<!tpu.dma_semaphore, #tpu.memory_space<semaphore_mem>>) src(%dma_wait3A_185 : memref<128x48xf32, #tpu.memory_space<vmem>>) dst(%dma_wait3A_189 : memref<10240x48xf32, #tpu.memory_space<vmem_shared>>)
      } else {
      }
      %le3A_100 = arith.constant 75 : i32
      %le3A_101 = arith.cmpi sle, %add3A_91, %le3A_100 : i32
      %convert_element_type3A_102 = arith.extui %le3A_101 : i1 to i32
      %cond3A_103 = arith.constant 0 : i32
      %cond3A_104 = arith.cmpi ne, %convert_element_type3A_102, %cond3A_103 : i32
      scf.if %cond3A_104 {
        %add3A_176 = arith.constant 2 : i32
        %add3A_177 = arith.addi %add3A_91, %add3A_176 : i32
        %mul3A_178 = arith.constant 128 : i32
        %mul3A_179 = arith.muli %add3A_177, %mul3A_178 : i32
        %multiple_of3A_180 = tpu.assume_multiple %mul3A_179, 16 : i32
        %dma_start3A_181 = arith.constant 3 : i32
        %dma_start3A_182 = arith.constant 3 : i32
        %dma_start3A_183 = arith.constant 0 : i32
        %dma_start3A_184 = arith.constant 0 : i32
        %dma_start3A_185 = tpu.memref_slice %arg7[%dma_start3A_181, %dma_start3A_183, %dma_start3A_184] : memref<5x128x48xf32, #tpu.memory_space<vmem>> -> memref<1x128x48xf32, #tpu.memory_space<vmem>>
        %dma_start3A_186 = tpu.memref_squeeze %dma_start3A_185 : memref<1x128x48xf32, #tpu.memory_space<vmem>> -> memref<128x48xf32, #tpu.memory_space<vmem>>
        %dma_start3A_187 = tpu.memref_slice %arg5[%multiple_of3A_180] : memref<10000xi32, #tpu.memory_space<vmem>> -> memref<128xi32, #tpu.memory_space<vmem>>
        %dma_start3A_188 = arith.constant 0 : i32
        %dma_start3A_189 = arith.constant 0 : i32
        %dma_start3A_190 = tpu.memref_slice %arg2[%dma_start3A_188, %dma_start3A_189] : memref<10240x48xf32, #tpu.memory_space<hbm>> -> memref<10240x48xf32, #tpu.memory_space<hbm>>
        %dma_start3A_191 = tpu.memref_slice %arg11[%dma_start3A_182] : memref<5x!tpu.dma_semaphore, #tpu.memory_space<semaphore_mem>> -> memref<1x!tpu.dma_semaphore, #tpu.memory_space<semaphore_mem>>
        %dma_start3A_192 = tpu.memref_squeeze %dma_start3A_191 : memref<1x!tpu.dma_semaphore, #tpu.memory_space<semaphore_mem>> -> memref<!tpu.dma_semaphore, #tpu.memory_space<semaphore_mem>>
        tpu.enqueue_indirect_dma source(%dma_start3A_190 : memref<10240x48xf32, #tpu.memory_space<hbm>>) target(%dma_start3A_186 : memref<128x48xf32, #tpu.memory_space<vmem>>) offsets(%dma_start3A_187 : memref<128xi32, #tpu.memory_space<vmem>>) semaphore(%dma_start3A_192 : memref<!tpu.dma_semaphore, #tpu.memory_space<semaphore_mem>>)
      } else {
      }
      %le3A_105 = arith.constant 77 : i32
      %le3A_106 = arith.cmpi sle, %add3A_91, %le3A_105 : i32
      %convert_element_type3A_107 = arith.extui %le3A_106 : i1 to i32
      %cond3A_108 = arith.constant 0 : i32
      %cond3A_109 = arith.cmpi ne, %convert_element_type3A_107, %cond3A_108 : i32
      scf.if %cond3A_109 {
        %mul3A_176 = arith.constant 128 : i32
        %mul3A_177 = arith.muli %add3A_91, %mul3A_176 : i32
        %multiple_of3A_178 = tpu.assume_multiple %mul3A_177, 16 : i32
        %dma_wait3A_179 = arith.constant 1 : i32
        %dma_wait3A_180 = arith.constant 1 : i32
        %dma_wait3A_181 = arith.constant 0 : i32
        %dma_wait3A_182 = arith.constant 0 : i32
        %dma_wait3A_183 = tpu.memref_slice %arg7[%dma_wait3A_179, %dma_wait3A_181, %dma_wait3A_182] : memref<5x128x48xf32, #tpu.memory_space<vmem>> -> memref<1x128x48xf32, #tpu.memory_space<vmem>>
        %dma_wait3A_184 = tpu.memref_squeeze %dma_wait3A_183 : memref<1x128x48xf32, #tpu.memory_space<vmem>> -> memref<128x48xf32, #tpu.memory_space<vmem>>
        %dma_wait3A_185 = tpu.memref_slice %arg5[%multiple_of3A_178] : memref<10000xi32, #tpu.memory_space<vmem>> -> memref<128xi32, #tpu.memory_space<vmem>>
        %dma_wait3A_186 = arith.constant 0 : i32
        %dma_wait3A_187 = arith.constant 0 : i32
        %dma_wait3A_188 = tpu.memref_slice %arg2[%dma_wait3A_186, %dma_wait3A_187] : memref<10240x48xf32, #tpu.memory_space<hbm>> -> memref<10240x48xf32, #tpu.memory_space<hbm>>
        %dma_wait3A_189 = tpu.memref_slice %arg11[%dma_wait3A_180] : memref<5x!tpu.dma_semaphore, #tpu.memory_space<semaphore_mem>> -> memref<1x!tpu.dma_semaphore, #tpu.memory_space<semaphore_mem>>
        %dma_wait3A_190 = tpu.memref_squeeze %dma_wait3A_189 : memref<1x!tpu.dma_semaphore, #tpu.memory_space<semaphore_mem>> -> memref<!tpu.dma_semaphore, #tpu.memory_space<semaphore_mem>>
        tpu.wait_indirect_dma semaphore(%dma_wait3A_190 : memref<!tpu.dma_semaphore, #tpu.memory_space<semaphore_mem>>) src(%dma_wait3A_188 : memref<10240x48xf32, #tpu.memory_space<hbm>>) dst(%dma_wait3A_184 : memref<128x48xf32, #tpu.memory_space<vmem>>)
        %mul3A_191 = arith.constant 128 : i32
        %mul3A_192 = arith.muli %add3A_91, %mul3A_191 : i32
        %multiple_of3A_193 = tpu.assume_multiple %mul3A_192, 16 : i32
        %dma_start3A_194 = arith.constant 1 : i32
        %dma_start3A_195 = arith.constant 1 : i32
        %dma_start3A_196 = arith.constant 0 : i32
        %dma_start3A_197 = arith.constant 0 : i32
        %dma_start3A_198 = tpu.memref_slice %arg7[%dma_start3A_194, %dma_start3A_196, %dma_start3A_197] : memref<5x128x48xf32, #tpu.memory_space<vmem>> -> memref<1x128x48xf32, #tpu.memory_space<vmem>>
        %dma_start3A_199 = tpu.memref_squeeze %dma_start3A_198 : memref<1x128x48xf32, #tpu.memory_space<vmem>> -> memref<128x48xf32, #tpu.memory_space<vmem>>
        %dma_start3A_200 = tpu.memref_slice %arg6[%multiple_of3A_193] : memref<10000xi32, #tpu.memory_space<vmem>> -> memref<128xi32, #tpu.memory_space<vmem>>
        %dma_start3A_201 = arith.constant 0 : i32
        %dma_start3A_202 = arith.constant 0 : i32
        %dma_start3A_203 = tpu.memref_slice %arg10[%dma_start3A_201, %dma_start3A_202] : memref<10240x48xf32, #tpu.memory_space<vmem_shared>> -> memref<10240x48xf32, #tpu.memory_space<vmem_shared>>
        %dma_start3A_204 = tpu.memref_slice %arg12[%dma_start3A_195] : memref<5x!tpu.dma_semaphore, #tpu.memory_space<semaphore_mem>> -> memref<1x!tpu.dma_semaphore, #tpu.memory_space<semaphore_mem>>
        %dma_start3A_205 = tpu.memref_squeeze %dma_start3A_204 : memref<1x!tpu.dma_semaphore, #tpu.memory_space<semaphore_mem>> -> memref<!tpu.dma_semaphore, #tpu.memory_space<semaphore_mem>>
        tpu.enqueue_indirect_dma source(%dma_start3A_199 : memref<128x48xf32, #tpu.memory_space<vmem>>) target(%dma_start3A_203 : memref<10240x48xf32, #tpu.memory_space<vmem_shared>>) offsets(%dma_start3A_200 : memref<128xi32, #tpu.memory_space<vmem>>) semaphore(%dma_start3A_205 : memref<!tpu.dma_semaphore, #tpu.memory_space<semaphore_mem>>) {add = true}
      } else {
      }
      %mul3A_110 = arith.constant 5 : i32
      %mul3A_111 = arith.muli %scan3A_68, %mul3A_110 : i32
      %add3A_112 = arith.constant 2 : i32
      %add3A_113 = arith.addi %mul3A_111, %add3A_112 : i32
      %ge3A_114 = arith.constant 3 : i32
      %ge3A_115 = arith.cmpi sge, %add3A_113, %ge3A_114 : i32
      %le3A_116 = arith.constant 80 : i32
      %le3A_117 = arith.cmpi sle, %add3A_113, %le3A_116 : i32
      %and3A_118 = arith.andi %ge3A_115, %le3A_117 : i1
      %convert_element_type3A_119 = arith.extui %and3A_118 : i1 to i32
      %cond3A_120 = arith.constant 0 : i32
      %cond3A_121 = arith.cmpi ne, %convert_element_type3A_119, %cond3A_120 : i32
      scf.if %cond3A_121 {
        %sub3A = arith.constant 3 : i32
        %sub3A_176 = arith.subi %add3A_113, %sub3A : i32
        %mul3A_177 = arith.constant 128 : i32
        %mul3A_178 = arith.muli %sub3A_176, %mul3A_177 : i32
        %multiple_of3A_179 = tpu.assume_multiple %mul3A_178, 16 : i32
        %dma_wait3A_180 = arith.constant 4 : i32
        %dma_wait3A_181 = arith.constant 4 : i32
        %dma_wait3A_182 = arith.constant 0 : i32
        %dma_wait3A_183 = arith.constant 0 : i32
        %dma_wait3A_184 = tpu.memref_slice %arg7[%dma_wait3A_180, %dma_wait3A_182, %dma_wait3A_183] : memref<5x128x48xf32, #tpu.memory_space<vmem>> -> memref<1x128x48xf32, #tpu.memory_space<vmem>>
        %dma_wait3A_185 = tpu.memref_squeeze %dma_wait3A_184 : memref<1x128x48xf32, #tpu.memory_space<vmem>> -> memref<128x48xf32, #tpu.memory_space<vmem>>
        %dma_wait3A_186 = tpu.memref_slice %arg6[%multiple_of3A_179] : memref<10000xi32, #tpu.memory_space<vmem>> -> memref<128xi32, #tpu.memory_space<vmem>>
        %dma_wait3A_187 = arith.constant 0 : i32
        %dma_wait3A_188 = arith.constant 0 : i32
        %dma_wait3A_189 = tpu.memref_slice %arg10[%dma_wait3A_187, %dma_wait3A_188] : memref<10240x48xf32, #tpu.memory_space<vmem_shared>> -> memref<10240x48xf32, #tpu.memory_space<vmem_shared>>
        %dma_wait3A_190 = tpu.memref_slice %arg12[%dma_wait3A_181] : memref<5x!tpu.dma_semaphore, #tpu.memory_space<semaphore_mem>> -> memref<1x!tpu.dma_semaphore, #tpu.memory_space<semaphore_mem>>
        %dma_wait3A_191 = tpu.memref_squeeze %dma_wait3A_190 : memref<1x!tpu.dma_semaphore, #tpu.memory_space<semaphore_mem>> -> memref<!tpu.dma_semaphore, #tpu.memory_space<semaphore_mem>>
        tpu.wait_indirect_dma semaphore(%dma_wait3A_191 : memref<!tpu.dma_semaphore, #tpu.memory_space<semaphore_mem>>) src(%dma_wait3A_185 : memref<128x48xf32, #tpu.memory_space<vmem>>) dst(%dma_wait3A_189 : memref<10240x48xf32, #tpu.memory_space<vmem_shared>>)
      } else {
      }
      %le3A_122 = arith.constant 75 : i32
      %le3A_123 = arith.cmpi sle, %add3A_113, %le3A_122 : i32
      %convert_element_type3A_124 = arith.extui %le3A_123 : i1 to i32
      %cond3A_125 = arith.constant 0 : i32
      %cond3A_126 = arith.cmpi ne, %convert_element_type3A_124, %cond3A_125 : i32
      scf.if %cond3A_126 {
        %add3A_176 = arith.constant 2 : i32
        %add3A_177 = arith.addi %add3A_113, %add3A_176 : i32
        %mul3A_178 = arith.constant 128 : i32
        %mul3A_179 = arith.muli %add3A_177, %mul3A_178 : i32
        %multiple_of3A_180 = tpu.assume_multiple %mul3A_179, 16 : i32
        %dma_start3A_181 = arith.constant 4 : i32
        %dma_start3A_182 = arith.constant 4 : i32
        %dma_start3A_183 = arith.constant 0 : i32
        %dma_start3A_184 = arith.constant 0 : i32
        %dma_start3A_185 = tpu.memref_slice %arg7[%dma_start3A_181, %dma_start3A_183, %dma_start3A_184] : memref<5x128x48xf32, #tpu.memory_space<vmem>> -> memref<1x128x48xf32, #tpu.memory_space<vmem>>
        %dma_start3A_186 = tpu.memref_squeeze %dma_start3A_185 : memref<1x128x48xf32, #tpu.memory_space<vmem>> -> memref<128x48xf32, #tpu.memory_space<vmem>>
        %dma_start3A_187 = tpu.memref_slice %arg5[%multiple_of3A_180] : memref<10000xi32, #tpu.memory_space<vmem>> -> memref<128xi32, #tpu.memory_space<vmem>>
        %dma_start3A_188 = arith.constant 0 : i32
        %dma_start3A_189 = arith.constant 0 : i32
        %dma_start3A_190 = tpu.memref_slice %arg2[%dma_start3A_188, %dma_start3A_189] : memref<10240x48xf32, #tpu.memory_space<hbm>> -> memref<10240x48xf32, #tpu.memory_space<hbm>>
        %dma_start3A_191 = tpu.memref_slice %arg11[%dma_start3A_182] : memref<5x!tpu.dma_semaphore, #tpu.memory_space<semaphore_mem>> -> memref<1x!tpu.dma_semaphore, #tpu.memory_space<semaphore_mem>>
        %dma_start3A_192 = tpu.memref_squeeze %dma_start3A_191 : memref<1x!tpu.dma_semaphore, #tpu.memory_space<semaphore_mem>> -> memref<!tpu.dma_semaphore, #tpu.memory_space<semaphore_mem>>
        tpu.enqueue_indirect_dma source(%dma_start3A_190 : memref<10240x48xf32, #tpu.memory_space<hbm>>) target(%dma_start3A_186 : memref<128x48xf32, #tpu.memory_space<vmem>>) offsets(%dma_start3A_187 : memref<128xi32, #tpu.memory_space<vmem>>) semaphore(%dma_start3A_192 : memref<!tpu.dma_semaphore, #tpu.memory_space<semaphore_mem>>)
      } else {
      }
      %le3A_127 = arith.constant 77 : i32
      %le3A_128 = arith.cmpi sle, %add3A_113, %le3A_127 : i32
      %convert_element_type3A_129 = arith.extui %le3A_128 : i1 to i32
      %cond3A_130 = arith.constant 0 : i32
      %cond3A_131 = arith.cmpi ne, %convert_element_type3A_129, %cond3A_130 : i32
      scf.if %cond3A_131 {
        %mul3A_176 = arith.constant 128 : i32
        %mul3A_177 = arith.muli %add3A_113, %mul3A_176 : i32
        %multiple_of3A_178 = tpu.assume_multiple %mul3A_177, 16 : i32
        %dma_wait3A_179 = arith.constant 2 : i32
        %dma_wait3A_180 = arith.constant 2 : i32
        %dma_wait3A_181 = arith.constant 0 : i32
        %dma_wait3A_182 = arith.constant 0 : i32
        %dma_wait3A_183 = tpu.memref_slice %arg7[%dma_wait3A_179, %dma_wait3A_181, %dma_wait3A_182] : memref<5x128x48xf32, #tpu.memory_space<vmem>> -> memref<1x128x48xf32, #tpu.memory_space<vmem>>
        %dma_wait3A_184 = tpu.memref_squeeze %dma_wait3A_183 : memref<1x128x48xf32, #tpu.memory_space<vmem>> -> memref<128x48xf32, #tpu.memory_space<vmem>>
        %dma_wait3A_185 = tpu.memref_slice %arg5[%multiple_of3A_178] : memref<10000xi32, #tpu.memory_space<vmem>> -> memref<128xi32, #tpu.memory_space<vmem>>
        %dma_wait3A_186 = arith.constant 0 : i32
        %dma_wait3A_187 = arith.constant 0 : i32
        %dma_wait3A_188 = tpu.memref_slice %arg2[%dma_wait3A_186, %dma_wait3A_187] : memref<10240x48xf32, #tpu.memory_space<hbm>> -> memref<10240x48xf32, #tpu.memory_space<hbm>>
        %dma_wait3A_189 = tpu.memref_slice %arg11[%dma_wait3A_180] : memref<5x!tpu.dma_semaphore, #tpu.memory_space<semaphore_mem>> -> memref<1x!tpu.dma_semaphore, #tpu.memory_space<semaphore_mem>>
        %dma_wait3A_190 = tpu.memref_squeeze %dma_wait3A_189 : memref<1x!tpu.dma_semaphore, #tpu.memory_space<semaphore_mem>> -> memref<!tpu.dma_semaphore, #tpu.memory_space<semaphore_mem>>
        tpu.wait_indirect_dma semaphore(%dma_wait3A_190 : memref<!tpu.dma_semaphore, #tpu.memory_space<semaphore_mem>>) src(%dma_wait3A_188 : memref<10240x48xf32, #tpu.memory_space<hbm>>) dst(%dma_wait3A_184 : memref<128x48xf32, #tpu.memory_space<vmem>>)
        %mul3A_191 = arith.constant 128 : i32
        %mul3A_192 = arith.muli %add3A_113, %mul3A_191 : i32
        %multiple_of3A_193 = tpu.assume_multiple %mul3A_192, 16 : i32
        %dma_start3A_194 = arith.constant 2 : i32
        %dma_start3A_195 = arith.constant 2 : i32
        %dma_start3A_196 = arith.constant 0 : i32
        %dma_start3A_197 = arith.constant 0 : i32
        %dma_start3A_198 = tpu.memref_slice %arg7[%dma_start3A_194, %dma_start3A_196, %dma_start3A_197] : memref<5x128x48xf32, #tpu.memory_space<vmem>> -> memref<1x128x48xf32, #tpu.memory_space<vmem>>
        %dma_start3A_199 = tpu.memref_squeeze %dma_start3A_198 : memref<1x128x48xf32, #tpu.memory_space<vmem>> -> memref<128x48xf32, #tpu.memory_space<vmem>>
        %dma_start3A_200 = tpu.memref_slice %arg6[%multiple_of3A_193] : memref<10000xi32, #tpu.memory_space<vmem>> -> memref<128xi32, #tpu.memory_space<vmem>>
        %dma_start3A_201 = arith.constant 0 : i32
        %dma_start3A_202 = arith.constant 0 : i32
        %dma_start3A_203 = tpu.memref_slice %arg10[%dma_start3A_201, %dma_start3A_202] : memref<10240x48xf32, #tpu.memory_space<vmem_shared>> -> memref<10240x48xf32, #tpu.memory_space<vmem_shared>>
        %dma_start3A_204 = tpu.memref_slice %arg12[%dma_start3A_195] : memref<5x!tpu.dma_semaphore, #tpu.memory_space<semaphore_mem>> -> memref<1x!tpu.dma_semaphore, #tpu.memory_space<semaphore_mem>>
        %dma_start3A_205 = tpu.memref_squeeze %dma_start3A_204 : memref<1x!tpu.dma_semaphore, #tpu.memory_space<semaphore_mem>> -> memref<!tpu.dma_semaphore, #tpu.memory_space<semaphore_mem>>
        tpu.enqueue_indirect_dma source(%dma_start3A_199 : memref<128x48xf32, #tpu.memory_space<vmem>>) target(%dma_start3A_203 : memref<10240x48xf32, #tpu.memory_space<vmem_shared>>) offsets(%dma_start3A_200 : memref<128xi32, #tpu.memory_space<vmem>>) semaphore(%dma_start3A_205 : memref<!tpu.dma_semaphore, #tpu.memory_space<semaphore_mem>>) {add = true}
      } else {
      }
      %mul3A_132 = arith.constant 5 : i32
      %mul3A_133 = arith.muli %scan3A_68, %mul3A_132 : i32
      %add3A_134 = arith.constant 3 : i32
      %add3A_135 = arith.addi %mul3A_133, %add3A_134 : i32
      %ge3A_136 = arith.constant 3 : i32
      %ge3A_137 = arith.cmpi sge, %add3A_135, %ge3A_136 : i32
      %le3A_138 = arith.constant 80 : i32
      %le3A_139 = arith.cmpi sle, %add3A_135, %le3A_138 : i32
      %and3A_140 = arith.andi %ge3A_137, %le3A_139 : i1
      %convert_element_type3A_141 = arith.extui %and3A_140 : i1 to i32
      %cond3A_142 = arith.constant 0 : i32
      %cond3A_143 = arith.cmpi ne, %convert_element_type3A_141, %cond3A_142 : i32
      scf.if %cond3A_143 {
        %sub3A = arith.constant 3 : i32
        %sub3A_176 = arith.subi %add3A_135, %sub3A : i32
        %mul3A_177 = arith.constant 128 : i32
        %mul3A_178 = arith.muli %sub3A_176, %mul3A_177 : i32
        %multiple_of3A_179 = tpu.assume_multiple %mul3A_178, 16 : i32
        %dma_wait3A_180 = arith.constant 0 : i32
        %dma_wait3A_181 = arith.constant 0 : i32
        %dma_wait3A_182 = arith.constant 0 : i32
        %dma_wait3A_183 = arith.constant 0 : i32
        %dma_wait3A_184 = tpu.memref_slice %arg7[%dma_wait3A_180, %dma_wait3A_182, %dma_wait3A_183] : memref<5x128x48xf32, #tpu.memory_space<vmem>> -> memref<1x128x48xf32, #tpu.memory_space<vmem>>
        %dma_wait3A_185 = tpu.memref_squeeze %dma_wait3A_184 : memref<1x128x48xf32, #tpu.memory_space<vmem>> -> memref<128x48xf32, #tpu.memory_space<vmem>>
        %dma_wait3A_186 = tpu.memref_slice %arg6[%multiple_of3A_179] : memref<10000xi32, #tpu.memory_space<vmem>> -> memref<128xi32, #tpu.memory_space<vmem>>
        %dma_wait3A_187 = arith.constant 0 : i32
        %dma_wait3A_188 = arith.constant 0 : i32
        %dma_wait3A_189 = tpu.memref_slice %arg10[%dma_wait3A_187, %dma_wait3A_188] : memref<10240x48xf32, #tpu.memory_space<vmem_shared>> -> memref<10240x48xf32, #tpu.memory_space<vmem_shared>>
        %dma_wait3A_190 = tpu.memref_slice %arg12[%dma_wait3A_181] : memref<5x!tpu.dma_semaphore, #tpu.memory_space<semaphore_mem>> -> memref<1x!tpu.dma_semaphore, #tpu.memory_space<semaphore_mem>>
        %dma_wait3A_191 = tpu.memref_squeeze %dma_wait3A_190 : memref<1x!tpu.dma_semaphore, #tpu.memory_space<semaphore_mem>> -> memref<!tpu.dma_semaphore, #tpu.memory_space<semaphore_mem>>
        tpu.wait_indirect_dma semaphore(%dma_wait3A_191 : memref<!tpu.dma_semaphore, #tpu.memory_space<semaphore_mem>>) src(%dma_wait3A_185 : memref<128x48xf32, #tpu.memory_space<vmem>>) dst(%dma_wait3A_189 : memref<10240x48xf32, #tpu.memory_space<vmem_shared>>)
      } else {
      }
      %le3A_144 = arith.constant 75 : i32
      %le3A_145 = arith.cmpi sle, %add3A_135, %le3A_144 : i32
      %convert_element_type3A_146 = arith.extui %le3A_145 : i1 to i32
      %cond3A_147 = arith.constant 0 : i32
      %cond3A_148 = arith.cmpi ne, %convert_element_type3A_146, %cond3A_147 : i32
      scf.if %cond3A_148 {
        %add3A_176 = arith.constant 2 : i32
        %add3A_177 = arith.addi %add3A_135, %add3A_176 : i32
        %mul3A_178 = arith.constant 128 : i32
        %mul3A_179 = arith.muli %add3A_177, %mul3A_178 : i32
        %multiple_of3A_180 = tpu.assume_multiple %mul3A_179, 16 : i32
        %dma_start3A_181 = arith.constant 0 : i32
        %dma_start3A_182 = arith.constant 0 : i32
        %dma_start3A_183 = arith.constant 0 : i32
        %dma_start3A_184 = arith.constant 0 : i32
        %dma_start3A_185 = tpu.memref_slice %arg7[%dma_start3A_181, %dma_start3A_183, %dma_start3A_184] : memref<5x128x48xf32, #tpu.memory_space<vmem>> -> memref<1x128x48xf32, #tpu.memory_space<vmem>>
        %dma_start3A_186 = tpu.memref_squeeze %dma_start3A_185 : memref<1x128x48xf32, #tpu.memory_space<vmem>> -> memref<128x48xf32, #tpu.memory_space<vmem>>
        %dma_start3A_187 = tpu.memref_slice %arg5[%multiple_of3A_180] : memref<10000xi32, #tpu.memory_space<vmem>> -> memref<128xi32, #tpu.memory_space<vmem>>
        %dma_start3A_188 = arith.constant 0 : i32
        %dma_start3A_189 = arith.constant 0 : i32
        %dma_start3A_190 = tpu.memref_slice %arg2[%dma_start3A_188, %dma_start3A_189] : memref<10240x48xf32, #tpu.memory_space<hbm>> -> memref<10240x48xf32, #tpu.memory_space<hbm>>
        %dma_start3A_191 = tpu.memref_slice %arg11[%dma_start3A_182] : memref<5x!tpu.dma_semaphore, #tpu.memory_space<semaphore_mem>> -> memref<1x!tpu.dma_semaphore, #tpu.memory_space<semaphore_mem>>
        %dma_start3A_192 = tpu.memref_squeeze %dma_start3A_191 : memref<1x!tpu.dma_semaphore, #tpu.memory_space<semaphore_mem>> -> memref<!tpu.dma_semaphore, #tpu.memory_space<semaphore_mem>>
        tpu.enqueue_indirect_dma source(%dma_start3A_190 : memref<10240x48xf32, #tpu.memory_space<hbm>>) target(%dma_start3A_186 : memref<128x48xf32, #tpu.memory_space<vmem>>) offsets(%dma_start3A_187 : memref<128xi32, #tpu.memory_space<vmem>>) semaphore(%dma_start3A_192 : memref<!tpu.dma_semaphore, #tpu.memory_space<semaphore_mem>>)
      } else {
      }
      %le3A_149 = arith.constant 77 : i32
      %le3A_150 = arith.cmpi sle, %add3A_135, %le3A_149 : i32
      %convert_element_type3A_151 = arith.extui %le3A_150 : i1 to i32
      %cond3A_152 = arith.constant 0 : i32
      %cond3A_153 = arith.cmpi ne, %convert_element_type3A_151, %cond3A_152 : i32
      scf.if %cond3A_153 {
        %mul3A_176 = arith.constant 128 : i32
        %mul3A_177 = arith.muli %add3A_135, %mul3A_176 : i32
        %multiple_of3A_178 = tpu.assume_multiple %mul3A_177, 16 : i32
        %dma_wait3A_179 = arith.constant 3 : i32
        %dma_wait3A_180 = arith.constant 3 : i32
        %dma_wait3A_181 = arith.constant 0 : i32
        %dma_wait3A_182 = arith.constant 0 : i32
        %dma_wait3A_183 = tpu.memref_slice %arg7[%dma_wait3A_179, %dma_wait3A_181, %dma_wait3A_182] : memref<5x128x48xf32, #tpu.memory_space<vmem>> -> memref<1x128x48xf32, #tpu.memory_space<vmem>>
        %dma_wait3A_184 = tpu.memref_squeeze %dma_wait3A_183 : memref<1x128x48xf32, #tpu.memory_space<vmem>> -> memref<128x48xf32, #tpu.memory_space<vmem>>
        %dma_wait3A_185 = tpu.memref_slice %arg5[%multiple_of3A_178] : memref<10000xi32, #tpu.memory_space<vmem>> -> memref<128xi32, #tpu.memory_space<vmem>>
        %dma_wait3A_186 = arith.constant 0 : i32
        %dma_wait3A_187 = arith.constant 0 : i32
        %dma_wait3A_188 = tpu.memref_slice %arg2[%dma_wait3A_186, %dma_wait3A_187] : memref<10240x48xf32, #tpu.memory_space<hbm>> -> memref<10240x48xf32, #tpu.memory_space<hbm>>
        %dma_wait3A_189 = tpu.memref_slice %arg11[%dma_wait3A_180] : memref<5x!tpu.dma_semaphore, #tpu.memory_space<semaphore_mem>> -> memref<1x!tpu.dma_semaphore, #tpu.memory_space<semaphore_mem>>
        %dma_wait3A_190 = tpu.memref_squeeze %dma_wait3A_189 : memref<1x!tpu.dma_semaphore, #tpu.memory_space<semaphore_mem>> -> memref<!tpu.dma_semaphore, #tpu.memory_space<semaphore_mem>>
        tpu.wait_indirect_dma semaphore(%dma_wait3A_190 : memref<!tpu.dma_semaphore, #tpu.memory_space<semaphore_mem>>) src(%dma_wait3A_188 : memref<10240x48xf32, #tpu.memory_space<hbm>>) dst(%dma_wait3A_184 : memref<128x48xf32, #tpu.memory_space<vmem>>)
        %mul3A_191 = arith.constant 128 : i32
        %mul3A_192 = arith.muli %add3A_135, %mul3A_191 : i32
        %multiple_of3A_193 = tpu.assume_multiple %mul3A_192, 16 : i32
        %dma_start3A_194 = arith.constant 3 : i32
        %dma_start3A_195 = arith.constant 3 : i32
        %dma_start3A_196 = arith.constant 0 : i32
        %dma_start3A_197 = arith.constant 0 : i32
        %dma_start3A_198 = tpu.memref_slice %arg7[%dma_start3A_194, %dma_start3A_196, %dma_start3A_197] : memref<5x128x48xf32, #tpu.memory_space<vmem>> -> memref<1x128x48xf32, #tpu.memory_space<vmem>>
        %dma_start3A_199 = tpu.memref_squeeze %dma_start3A_198 : memref<1x128x48xf32, #tpu.memory_space<vmem>> -> memref<128x48xf32, #tpu.memory_space<vmem>>
        %dma_start3A_200 = tpu.memref_slice %arg6[%multiple_of3A_193] : memref<10000xi32, #tpu.memory_space<vmem>> -> memref<128xi32, #tpu.memory_space<vmem>>
        %dma_start3A_201 = arith.constant 0 : i32
        %dma_start3A_202 = arith.constant 0 : i32
        %dma_start3A_203 = tpu.memref_slice %arg10[%dma_start3A_201, %dma_start3A_202] : memref<10240x48xf32, #tpu.memory_space<vmem_shared>> -> memref<10240x48xf32, #tpu.memory_space<vmem_shared>>
        %dma_start3A_204 = tpu.memref_slice %arg12[%dma_start3A_195] : memref<5x!tpu.dma_semaphore, #tpu.memory_space<semaphore_mem>> -> memref<1x!tpu.dma_semaphore, #tpu.memory_space<semaphore_mem>>
        %dma_start3A_205 = tpu.memref_squeeze %dma_start3A_204 : memref<1x!tpu.dma_semaphore, #tpu.memory_space<semaphore_mem>> -> memref<!tpu.dma_semaphore, #tpu.memory_space<semaphore_mem>>
        tpu.enqueue_indirect_dma source(%dma_start3A_199 : memref<128x48xf32, #tpu.memory_space<vmem>>) target(%dma_start3A_203 : memref<10240x48xf32, #tpu.memory_space<vmem_shared>>) offsets(%dma_start3A_200 : memref<128xi32, #tpu.memory_space<vmem>>) semaphore(%dma_start3A_205 : memref<!tpu.dma_semaphore, #tpu.memory_space<semaphore_mem>>) {add = true}
      } else {
      }
      %mul3A_154 = arith.constant 5 : i32
      %mul3A_155 = arith.muli %scan3A_68, %mul3A_154 : i32
      %add3A_156 = arith.constant 4 : i32
      %add3A_157 = arith.addi %mul3A_155, %add3A_156 : i32
      %ge3A_158 = arith.constant 3 : i32
      %ge3A_159 = arith.cmpi sge, %add3A_157, %ge3A_158 : i32
      %le3A_160 = arith.constant 80 : i32
      %le3A_161 = arith.cmpi sle, %add3A_157, %le3A_160 : i32
      %and3A_162 = arith.andi %ge3A_159, %le3A_161 : i1
      %convert_element_type3A_163 = arith.extui %and3A_162 : i1 to i32
      %cond3A_164 = arith.constant 0 : i32
      %cond3A_165 = arith.cmpi ne, %convert_element_type3A_163, %cond3A_164 : i32
      scf.if %cond3A_165 {
        %sub3A = arith.constant 3 : i32
        %sub3A_176 = arith.subi %add3A_157, %sub3A : i32
        %mul3A_177 = arith.constant 128 : i32
        %mul3A_178 = arith.muli %sub3A_176, %mul3A_177 : i32
        %multiple_of3A_179 = tpu.assume_multiple %mul3A_178, 16 : i32
        %dma_wait3A_180 = arith.constant 1 : i32
        %dma_wait3A_181 = arith.constant 1 : i32
        %dma_wait3A_182 = arith.constant 0 : i32
        %dma_wait3A_183 = arith.constant 0 : i32
        %dma_wait3A_184 = tpu.memref_slice %arg7[%dma_wait3A_180, %dma_wait3A_182, %dma_wait3A_183] : memref<5x128x48xf32, #tpu.memory_space<vmem>> -> memref<1x128x48xf32, #tpu.memory_space<vmem>>
        %dma_wait3A_185 = tpu.memref_squeeze %dma_wait3A_184 : memref<1x128x48xf32, #tpu.memory_space<vmem>> -> memref<128x48xf32, #tpu.memory_space<vmem>>
        %dma_wait3A_186 = tpu.memref_slice %arg6[%multiple_of3A_179] : memref<10000xi32, #tpu.memory_space<vmem>> -> memref<128xi32, #tpu.memory_space<vmem>>
        %dma_wait3A_187 = arith.constant 0 : i32
        %dma_wait3A_188 = arith.constant 0 : i32
        %dma_wait3A_189 = tpu.memref_slice %arg10[%dma_wait3A_187, %dma_wait3A_188] : memref<10240x48xf32, #tpu.memory_space<vmem_shared>> -> memref<10240x48xf32, #tpu.memory_space<vmem_shared>>
        %dma_wait3A_190 = tpu.memref_slice %arg12[%dma_wait3A_181] : memref<5x!tpu.dma_semaphore, #tpu.memory_space<semaphore_mem>> -> memref<1x!tpu.dma_semaphore, #tpu.memory_space<semaphore_mem>>
        %dma_wait3A_191 = tpu.memref_squeeze %dma_wait3A_190 : memref<1x!tpu.dma_semaphore, #tpu.memory_space<semaphore_mem>> -> memref<!tpu.dma_semaphore, #tpu.memory_space<semaphore_mem>>
        tpu.wait_indirect_dma semaphore(%dma_wait3A_191 : memref<!tpu.dma_semaphore, #tpu.memory_space<semaphore_mem>>) src(%dma_wait3A_185 : memref<128x48xf32, #tpu.memory_space<vmem>>) dst(%dma_wait3A_189 : memref<10240x48xf32, #tpu.memory_space<vmem_shared>>)
      } else {
      }
      %le3A_166 = arith.constant 75 : i32
      %le3A_167 = arith.cmpi sle, %add3A_157, %le3A_166 : i32
      %convert_element_type3A_168 = arith.extui %le3A_167 : i1 to i32
      %cond3A_169 = arith.constant 0 : i32
      %cond3A_170 = arith.cmpi ne, %convert_element_type3A_168, %cond3A_169 : i32
      scf.if %cond3A_170 {
        %add3A_176 = arith.constant 2 : i32
        %add3A_177 = arith.addi %add3A_157, %add3A_176 : i32
        %mul3A_178 = arith.constant 128 : i32
        %mul3A_179 = arith.muli %add3A_177, %mul3A_178 : i32
        %multiple_of3A_180 = tpu.assume_multiple %mul3A_179, 16 : i32
        %dma_start3A_181 = arith.constant 1 : i32
        %dma_start3A_182 = arith.constant 1 : i32
        %dma_start3A_183 = arith.constant 0 : i32
        %dma_start3A_184 = arith.constant 0 : i32
        %dma_start3A_185 = tpu.memref_slice %arg7[%dma_start3A_181, %dma_start3A_183, %dma_start3A_184] : memref<5x128x48xf32, #tpu.memory_space<vmem>> -> memref<1x128x48xf32, #tpu.memory_space<vmem>>
        %dma_start3A_186 = tpu.memref_squeeze %dma_start3A_185 : memref<1x128x48xf32, #tpu.memory_space<vmem>> -> memref<128x48xf32, #tpu.memory_space<vmem>>
        %dma_start3A_187 = tpu.memref_slice %arg5[%multiple_of3A_180] : memref<10000xi32, #tpu.memory_space<vmem>> -> memref<128xi32, #tpu.memory_space<vmem>>
        %dma_start3A_188 = arith.constant 0 : i32
        %dma_start3A_189 = arith.constant 0 : i32
        %dma_start3A_190 = tpu.memref_slice %arg2[%dma_start3A_188, %dma_start3A_189] : memref<10240x48xf32, #tpu.memory_space<hbm>> -> memref<10240x48xf32, #tpu.memory_space<hbm>>
        %dma_start3A_191 = tpu.memref_slice %arg11[%dma_start3A_182] : memref<5x!tpu.dma_semaphore, #tpu.memory_space<semaphore_mem>> -> memref<1x!tpu.dma_semaphore, #tpu.memory_space<semaphore_mem>>
        %dma_start3A_192 = tpu.memref_squeeze %dma_start3A_191 : memref<1x!tpu.dma_semaphore, #tpu.memory_space<semaphore_mem>> -> memref<!tpu.dma_semaphore, #tpu.memory_space<semaphore_mem>>
        tpu.enqueue_indirect_dma source(%dma_start3A_190 : memref<10240x48xf32, #tpu.memory_space<hbm>>) target(%dma_start3A_186 : memref<128x48xf32, #tpu.memory_space<vmem>>) offsets(%dma_start3A_187 : memref<128xi32, #tpu.memory_space<vmem>>) semaphore(%dma_start3A_192 : memref<!tpu.dma_semaphore, #tpu.memory_space<semaphore_mem>>)
      } else {
      }
      %le3A_171 = arith.constant 77 : i32
      %le3A_172 = arith.cmpi sle, %add3A_157, %le3A_171 : i32
      %convert_element_type3A_173 = arith.extui %le3A_172 : i1 to i32
      %cond3A_174 = arith.constant 0 : i32
      %cond3A_175 = arith.cmpi ne, %convert_element_type3A_173, %cond3A_174 : i32
      scf.if %cond3A_175 {
        %mul3A_176 = arith.constant 128 : i32
        %mul3A_177 = arith.muli %add3A_157, %mul3A_176 : i32
        %multiple_of3A_178 = tpu.assume_multiple %mul3A_177, 16 : i32
        %dma_wait3A_179 = arith.constant 4 : i32
        %dma_wait3A_180 = arith.constant 4 : i32
        %dma_wait3A_181 = arith.constant 0 : i32
        %dma_wait3A_182 = arith.constant 0 : i32
        %dma_wait3A_183 = tpu.memref_slice %arg7[%dma_wait3A_179, %dma_wait3A_181, %dma_wait3A_182] : memref<5x128x48xf32, #tpu.memory_space<vmem>> -> memref<1x128x48xf32, #tpu.memory_space<vmem>>
        %dma_wait3A_184 = tpu.memref_squeeze %dma_wait3A_183 : memref<1x128x48xf32, #tpu.memory_space<vmem>> -> memref<128x48xf32, #tpu.memory_space<vmem>>
        %dma_wait3A_185 = tpu.memref_slice %arg5[%multiple_of3A_178] : memref<10000xi32, #tpu.memory_space<vmem>> -> memref<128xi32, #tpu.memory_space<vmem>>
        %dma_wait3A_186 = arith.constant 0 : i32
        %dma_wait3A_187 = arith.constant 0 : i32
        %dma_wait3A_188 = tpu.memref_slice %arg2[%dma_wait3A_186, %dma_wait3A_187] : memref<10240x48xf32, #tpu.memory_space<hbm>> -> memref<10240x48xf32, #tpu.memory_space<hbm>>
        %dma_wait3A_189 = tpu.memref_slice %arg11[%dma_wait3A_180] : memref<5x!tpu.dma_semaphore, #tpu.memory_space<semaphore_mem>> -> memref<1x!tpu.dma_semaphore, #tpu.memory_space<semaphore_mem>>
        %dma_wait3A_190 = tpu.memref_squeeze %dma_wait3A_189 : memref<1x!tpu.dma_semaphore, #tpu.memory_space<semaphore_mem>> -> memref<!tpu.dma_semaphore, #tpu.memory_space<semaphore_mem>>
        tpu.wait_indirect_dma semaphore(%dma_wait3A_190 : memref<!tpu.dma_semaphore, #tpu.memory_space<semaphore_mem>>) src(%dma_wait3A_188 : memref<10240x48xf32, #tpu.memory_space<hbm>>) dst(%dma_wait3A_184 : memref<128x48xf32, #tpu.memory_space<vmem>>)
        %mul3A_191 = arith.constant 128 : i32
        %mul3A_192 = arith.muli %add3A_157, %mul3A_191 : i32
        %multiple_of3A_193 = tpu.assume_multiple %mul3A_192, 16 : i32
        %dma_start3A_194 = arith.constant 4 : i32
        %dma_start3A_195 = arith.constant 4 : i32
        %dma_start3A_196 = arith.constant 0 : i32
        %dma_start3A_197 = arith.constant 0 : i32
        %dma_start3A_198 = tpu.memref_slice %arg7[%dma_start3A_194, %dma_start3A_196, %dma_start3A_197] : memref<5x128x48xf32, #tpu.memory_space<vmem>> -> memref<1x128x48xf32, #tpu.memory_space<vmem>>
        %dma_start3A_199 = tpu.memref_squeeze %dma_start3A_198 : memref<1x128x48xf32, #tpu.memory_space<vmem>> -> memref<128x48xf32, #tpu.memory_space<vmem>>
        %dma_start3A_200 = tpu.memref_slice %arg6[%multiple_of3A_193] : memref<10000xi32, #tpu.memory_space<vmem>> -> memref<128xi32, #tpu.memory_space<vmem>>
        %dma_start3A_201 = arith.constant 0 : i32
        %dma_start3A_202 = arith.constant 0 : i32
        %dma_start3A_203 = tpu.memref_slice %arg10[%dma_start3A_201, %dma_start3A_202] : memref<10240x48xf32, #tpu.memory_space<vmem_shared>> -> memref<10240x48xf32, #tpu.memory_space<vmem_shared>>
        %dma_start3A_204 = tpu.memref_slice %arg12[%dma_start3A_195] : memref<5x!tpu.dma_semaphore, #tpu.memory_space<semaphore_mem>> -> memref<1x!tpu.dma_semaphore, #tpu.memory_space<semaphore_mem>>
        %dma_start3A_205 = tpu.memref_squeeze %dma_start3A_204 : memref<1x!tpu.dma_semaphore, #tpu.memory_space<semaphore_mem>> -> memref<!tpu.dma_semaphore, #tpu.memory_space<semaphore_mem>>
        tpu.enqueue_indirect_dma source(%dma_start3A_199 : memref<128x48xf32, #tpu.memory_space<vmem>>) target(%dma_start3A_203 : memref<10240x48xf32, #tpu.memory_space<vmem_shared>>) offsets(%dma_start3A_200 : memref<128xi32, #tpu.memory_space<vmem>>) semaphore(%dma_start3A_205 : memref<!tpu.dma_semaphore, #tpu.memory_space<semaphore_mem>>) {add = true}
      } else {
      }
    }
    %scan3A_45 = arith.constant 17 : i32
    %multiple_of3A_46 = arith.constant 9984 : i32
    %multiple_of3A_47 = tpu.assume_multiple %multiple_of3A_46, 16 : i32
    %dma_start3A_48 = arith.constant 0 : i32
    %dma_start3A_49 = tpu.memref_slice %arg5[%multiple_of3A_47] : memref<10000xi32, #tpu.memory_space<vmem>> -> memref<16xi32, #tpu.memory_space<vmem>>
    %dma_start3A_50 = arith.constant 0 : i32
    %dma_start3A_51 = arith.constant 0 : i32
    %dma_start3A_52 = tpu.memref_slice %arg2[%dma_start3A_50, %dma_start3A_51] : memref<10240x48xf32, #tpu.memory_space<hbm>> -> memref<10240x48xf32, #tpu.memory_space<hbm>>
    %dma_start3A_53 = tpu.memref_slice %arg11[%dma_start3A_48] : memref<5x!tpu.dma_semaphore, #tpu.memory_space<semaphore_mem>> -> memref<1x!tpu.dma_semaphore, #tpu.memory_space<semaphore_mem>>
    %dma_start3A_54 = tpu.memref_squeeze %dma_start3A_53 : memref<1x!tpu.dma_semaphore, #tpu.memory_space<semaphore_mem>> -> memref<!tpu.dma_semaphore, #tpu.memory_space<semaphore_mem>>
    tpu.enqueue_indirect_dma source(%dma_start3A_52 : memref<10240x48xf32, #tpu.memory_space<hbm>>) target(%arg8 : memref<16x48xf32, #tpu.memory_space<vmem>>) offsets(%dma_start3A_49 : memref<16xi32, #tpu.memory_space<vmem>>) semaphore(%dma_start3A_54 : memref<!tpu.dma_semaphore, #tpu.memory_space<semaphore_mem>>)
    %dma_wait3A = arith.constant 0 : i32
    %dma_wait3A_55 = tpu.memref_slice %arg5[%multiple_of3A_47] : memref<10000xi32, #tpu.memory_space<vmem>> -> memref<16xi32, #tpu.memory_space<vmem>>
    %dma_wait3A_56 = arith.constant 0 : i32
    %dma_wait3A_57 = arith.constant 0 : i32
    %dma_wait3A_58 = tpu.memref_slice %arg2[%dma_wait3A_56, %dma_wait3A_57] : memref<10240x48xf32, #tpu.memory_space<hbm>> -> memref<10240x48xf32, #tpu.memory_space<hbm>>
    %dma_wait3A_59 = tpu.memref_slice %arg11[%dma_wait3A] : memref<5x!tpu.dma_semaphore, #tpu.memory_space<semaphore_mem>> -> memref<1x!tpu.dma_semaphore, #tpu.memory_space<semaphore_mem>>
    %dma_wait3A_60 = tpu.memref_squeeze %dma_wait3A_59 : memref<1x!tpu.dma_semaphore, #tpu.memory_space<semaphore_mem>> -> memref<!tpu.dma_semaphore, #tpu.memory_space<semaphore_mem>>
    tpu.wait_indirect_dma semaphore(%dma_wait3A_60 : memref<!tpu.dma_semaphore, #tpu.memory_space<semaphore_mem>>) src(%dma_wait3A_58 : memref<10240x48xf32, #tpu.memory_space<hbm>>) dst(%arg8 : memref<16x48xf32, #tpu.memory_space<vmem>>)
    %multiple_of3A_61 = arith.constant 9984 : i32
    %multiple_of3A_62 = tpu.assume_multiple %multiple_of3A_61, 16 : i32
    "tpu.region"() ({
      %run_scoped3A_68 = tpu.sem_alloc : memref<!tpu.dma_semaphore, #tpu.memory_space<semaphore_mem>>
      %dma_start3A_69 = tpu.memref_slice %arg6[%multiple_of3A_62] : memref<10000xi32, #tpu.memory_space<vmem>> -> memref<16xi32, #tpu.memory_space<vmem>>
      %dma_start3A_70 = arith.constant 0 : i32
      %dma_start3A_71 = arith.constant 0 : i32
      %dma_start3A_72 = tpu.memref_slice %arg10[%dma_start3A_70, %dma_start3A_71] : memref<10240x48xf32, #tpu.memory_space<vmem_shared>> -> memref<10240x48xf32, #tpu.memory_space<vmem_shared>>
      tpu.enqueue_indirect_dma source(%arg8 : memref<16x48xf32, #tpu.memory_space<vmem>>) target(%dma_start3A_72 : memref<10240x48xf32, #tpu.memory_space<vmem_shared>>) offsets(%dma_start3A_69 : memref<16xi32, #tpu.memory_space<vmem>>) semaphore(%run_scoped3A_68 : memref<!tpu.dma_semaphore, #tpu.memory_space<semaphore_mem>>) {add = true}
      %dma_wait3A_73 = tpu.memref_slice %arg6[%multiple_of3A_62] : memref<10000xi32, #tpu.memory_space<vmem>> -> memref<16xi32, #tpu.memory_space<vmem>>
      %dma_wait3A_74 = arith.constant 0 : i32
      %dma_wait3A_75 = arith.constant 0 : i32
      %dma_wait3A_76 = tpu.memref_slice %arg10[%dma_wait3A_74, %dma_wait3A_75] : memref<10240x48xf32, #tpu.memory_space<vmem_shared>> -> memref<10240x48xf32, #tpu.memory_space<vmem_shared>>
      tpu.wait_indirect_dma semaphore(%run_scoped3A_68 : memref<!tpu.dma_semaphore, #tpu.memory_space<semaphore_mem>>) src(%arg8 : memref<16x48xf32, #tpu.memory_space<vmem>>) dst(%dma_wait3A_76 : memref<10240x48xf32, #tpu.memory_space<vmem_shared>>)
      tpu.yield
    }) : () -> ()
    %barrier3A_63 = arith.constant 0 : index
    tpu.barrier barrier_id(%barrier3A_63)
    %mul3A_64 = arith.constant 640 : i32
    %mul3A_65 = arith.muli %arg1, %mul3A_64 : i32
    %mul3A_66 = arith.constant 640 : i32
    %mul3A_67 = arith.muli %arg1, %mul3A_66 : i32
    "tpu.region"() ({
      %run_scoped3A_68 = tpu.sem_alloc : memref<!tpu.dma_semaphore, #tpu.memory_space<semaphore_mem>>
      %dma_start3A_69 = arith.constant 0 : i32
      %dma_start3A_70 = tpu.memref_slice %arg4[%arg0, %mul3A_67, %dma_start3A_69] : memref<2x10240x48xf32, #tpu.memory_space<hbm>> -> memref<1x640x48xf32, #tpu.memory_space<hbm>>
      %dma_start3A_71 = tpu.memref_squeeze %dma_start3A_70 : memref<1x640x48xf32, #tpu.memory_space<hbm>> -> memref<640x48xf32, #tpu.memory_space<hbm>>
      %dma_start3A_72 = arith.constant 0 : i32
      %dma_start3A_73 = tpu.memref_slice %arg10[%mul3A_65, %dma_start3A_72] : memref<10240x48xf32, #tpu.memory_space<vmem_shared>> -> memref<640x48xf32, #tpu.memory_space<vmem_shared>>
      tpu.enqueue_dma source(%dma_start3A_73 : memref<640x48xf32, #tpu.memory_space<vmem_shared>>) target(%dma_start3A_71 : memref<640x48xf32, #tpu.memory_space<hbm>>) target_semaphore(%run_scoped3A_68 : memref<!tpu.dma_semaphore, #tpu.memory_space<semaphore_mem>>)
      %dma_wait3A_74 = arith.constant 0 : i32
      %dma_wait3A_75 = tpu.memref_slice %arg4[%arg0, %mul3A_67, %dma_wait3A_74] : memref<2x10240x48xf32, #tpu.memory_space<hbm>> -> memref<1x640x48xf32, #tpu.memory_space<hbm>>
      %dma_wait3A_76 = tpu.memref_squeeze %dma_wait3A_75 : memref<1x640x48xf32, #tpu.memory_space<hbm>> -> memref<640x48xf32, #tpu.memory_space<hbm>>
      %dma_wait3A_77 = arith.constant 0 : i32
      %dma_wait3A_78 = tpu.memref_slice %arg10[%mul3A_65, %dma_wait3A_77] : memref<10240x48xf32, #tpu.memory_space<vmem_shared>> -> memref<640x48xf32, #tpu.memory_space<vmem_shared>>
      tpu.wait_dma2 semaphore(%run_scoped3A_68 : memref<!tpu.dma_semaphore, #tpu.memory_space<semaphore_mem>>) src(%dma_wait3A_78 : memref<640x48xf32, #tpu.memory_space<vmem_shared>>) dst(%dma_wait3A_76 : memref<640x48xf32, #tpu.memory_space<hbm>>)
      tpu.yield
    }) : () -> ()
    return
  }
}

module attributes {stable_mosaic.version = 14 : i64} {
  func.func @_prep_body(%arg0: memref<10240x128xf32, #tpu.memory_space<vmem>>, %arg1: memref<128x128xf32, #tpu.memory_space<vmem>>, %arg2: memref<128x40xf32, #tpu.memory_space<vmem>>, %arg3: memref<32x10240xf32, #tpu.memory_space<vmem>>, %arg4: memref<10240x48xf32, #tpu.memory_space<vmem>>, %arg5: memref<10240x1xf32, #tpu.memory_space<vmem>>) attributes {dimension_semantics = [], scalar_prefetch = 0 : i64, scratch_operands = 0 : i64, tpu.core_type = #tpu.core_type<tc>} {
    %get3A = arith.constant 0 : index
    %get3A_0 = arith.constant 0 : index
    %get3A_1 = vector.load %arg1[%get3A, %get3A_0] : memref<128x128xf32, #tpu.memory_space<vmem>>, vector<128x128xf32>
    %get3A_2 = arith.constant 0 : index
    %get3A_3 = arith.constant 0 : index
    %get3A_4 = vector.load %arg2[%get3A_2, %get3A_3] : memref<128x40xf32, #tpu.memory_space<vmem>>, vector<128x40xf32>
    %dot_general3A = arith.constant dense<0.000000e+00> : vector<128x40xf32>
    %dot_general3A_5 = tpu.matmul %get3A_1, %get3A_4, %dot_general3A {dimension_numbers = #tpu.dot_dimension_numbers<[1], [0], [0], [1], [0, 0, 1, 1], [], []>, transpose_lhs_hint = false} : vector<128x128xf32>, vector<128x40xf32>, vector<128x40xf32> -> vector<128x40xf32>
    %get3A_6 = arith.constant 0 : index
    %get3A_7 = arith.constant 0 : index
    %get3A_8 = vector.load %arg0[%get3A_6, %get3A_7] : memref<10240x128xf32, #tpu.memory_space<vmem>>, vector<10240x128xf32>
    %dot_general3A_9 = arith.constant dense<0.000000e+00> : vector<10240x40xf32>
    %dot_general3A_10 = tpu.matmul %get3A_8, %dot_general3A_5, %dot_general3A_9 {dimension_numbers = #tpu.dot_dimension_numbers<[1], [0], [0], [1], [0, 0, 1, 1], [], []>, transpose_lhs_hint = false} : vector<10240x128xf32>, vector<128x40xf32>, vector<10240x40xf32> -> vector<10240x40xf32>
    %get3A_11 = arith.constant 0 : index
    %get3A_12 = arith.constant 0 : index
    %get3A_13 = vector.load %arg3[%get3A_11, %get3A_12] : memref<32x10240xf32, #tpu.memory_space<vmem>>, vector<32x10240xf32>
    %reduce_sum3A = arith.constant dense<0.000000e+00> : vector<10240xf32>
    %reduce_sum3A_14 = vector.multi_reduction <add>, %get3A_13, %reduce_sum3A [0] : vector<32x10240xf32> to vector<10240xf32>
    %add3A = arith.constant 1.000000e+00 : f32
    %add3A_15 = vector.broadcast %add3A : f32 to vector<10240xf32>
    %add3A_16 = arith.addf %reduce_sum3A_14, %add3A_15 : vector<10240xf32>
    %rsqrt3A = math.rsqrt %add3A_16 : vector<10240xf32>
    %broadcast_in_dim3A = vector.shape_cast %rsqrt3A : vector<10240xf32> to vector<10240x1xf32>
    %mul3A = vector.broadcast %broadcast_in_dim3A : vector<10240x1xf32> to vector<10240x40xf32>
    %mul3A_17 = arith.mulf %dot_general3A_10, %mul3A : vector<10240x40xf32>
    %broadcast_in_dim3A_18 = arith.constant 0.000000e+00 : f32
    %broadcast_in_dim3A_19 = vector.broadcast %broadcast_in_dim3A_18 : f32 to vector<10240x8xf32>
    %concatenate3A = tpu.concatenate %mul3A_17, %broadcast_in_dim3A_19 in 1 : vector<10240x40xf32>, vector<10240x8xf32> -> vector<10240x48xf32>
    %swap3A = arith.constant 0 : index
    %swap3A_20 = arith.constant 0 : index
    %swap3A_21 = vector.load %arg4[%swap3A, %swap3A_20] : memref<10240x48xf32, #tpu.memory_space<vmem>>, vector<10240x48xf32>
    tpu.vector_store %arg4[%swap3A, %swap3A_20], %concatenate3A {strides = array<i32>} : memref<10240x48xf32, #tpu.memory_space<vmem>>, vector<10240x48xf32>,
    %broadcast_in_dim3A_22 = vector.shape_cast %rsqrt3A : vector<10240xf32> to vector<10240x1xf32>
    %swap3A_23 = arith.constant 0 : index
    %swap3A_24 = arith.constant 0 : index
    %swap3A_25 = vector.load %arg5[%swap3A_23, %swap3A_24] : memref<10240x1xf32, #tpu.memory_space<vmem>>, vector<10240x1xf32>
    tpu.vector_store %arg5[%swap3A_23, %swap3A_24], %broadcast_in_dim3A_22 {strides = array<i32>} : memref<10240x1xf32, #tpu.memory_space<vmem>>, vector<10240x1xf32>,
    return
  }
}

module attributes {stable_mosaic.version = 14 : i64} {
  func.func @_mid_body(%arg0: memref<2x10240x48xf32, #tpu.memory_space<vmem>>, %arg1: memref<10240x1xf32, #tpu.memory_space<vmem>>, %arg2: memref<128x40xf32, #tpu.memory_space<vmem>>, %arg3: memref<1x128xf32, #tpu.memory_space<vmem>>, %arg4: memref<10240x48xf32, #tpu.memory_space<vmem>>) attributes {dimension_semantics = [], scalar_prefetch = 0 : i64, scratch_operands = 0 : i64, tpu.core_type = #tpu.core_type<tc>} {
    %get3A = arith.constant 0 : index
    %get3A_0 = arith.constant 0 : index
    %get3A_1 = vector.load %arg1[%get3A, %get3A_0] : memref<10240x1xf32, #tpu.memory_space<vmem>>, vector<10240x1xf32>
    %get3A_2 = arith.constant 0 : index
    %get3A_3 = arith.constant 0 : index
    %get3A_4 = arith.constant 0 : index
    %get3A_5 = vector.load %arg0[%get3A_2, %get3A_3, %get3A_4] : memref<2x10240x48xf32, #tpu.memory_space<vmem>>, vector<1x10240x48xf32>
    %get3A_6 = vector.shape_cast %get3A_5 : vector<1x10240x48xf32> to vector<10240x48xf32>
    %get3A_7 = arith.constant 1 : index
    %get3A_8 = arith.constant 0 : index
    %get3A_9 = arith.constant 0 : index
    %get3A_10 = vector.load %arg0[%get3A_7, %get3A_8, %get3A_9] : memref<2x10240x48xf32, #tpu.memory_space<vmem>>, vector<1x10240x48xf32>
    %get3A_11 = vector.shape_cast %get3A_10 : vector<1x10240x48xf32> to vector<10240x48xf32>
    %add3A = arith.addf %get3A_6, %get3A_11 : vector<10240x48xf32>
    %mul3A = vector.broadcast %get3A_1 : vector<10240x1xf32> to vector<10240x48xf32>
    %mul3A_12 = arith.mulf %mul3A, %add3A : vector<10240x48xf32>
    %get3A_13 = arith.constant 0 : index
    %get3A_14 = arith.constant 0 : index
    %get3A_15 = vector.load %arg3[%get3A_13, %get3A_14] : memref<1x128xf32, #tpu.memory_space<vmem>>, vector<1x128xf32>
    %get3A_16 = arith.constant 0 : index
    %get3A_17 = arith.constant 0 : index
    %get3A_18 = vector.load %arg2[%get3A_16, %get3A_17] : memref<128x40xf32, #tpu.memory_space<vmem>>, vector<128x40xf32>
    %dot_general3A = arith.constant dense<0.000000e+00> : vector<1x40xf32>
    %dot_general3A_19 = tpu.matmul %get3A_15, %get3A_18, %dot_general3A {dimension_numbers = #tpu.dot_dimension_numbers<[1], [0], [0], [1], [0, 0, 1, 1], [], []>, transpose_lhs_hint = false} : vector<1x128xf32>, vector<128x40xf32>, vector<1x40xf32> -> vector<1x40xf32>
    %broadcast_in_dim3A = arith.constant 0.000000e+00 : f32
    %broadcast_in_dim3A_20 = vector.broadcast %broadcast_in_dim3A : f32 to vector<1x8xf32>
    %concatenate3A = tpu.concatenate %dot_general3A_19, %broadcast_in_dim3A_20 in 1 : vector<1x40xf32>, vector<1x8xf32> -> vector<1x48xf32>
    %get3A_21 = arith.constant 0 : index
    %get3A_22 = arith.constant 0 : index
    %get3A_23 = vector.load %arg1[%get3A_21, %get3A_22] : memref<10240x1xf32, #tpu.memory_space<vmem>>, vector<10240x1xf32>
    %add3A_24 = vector.broadcast %concatenate3A : vector<1x48xf32> to vector<10240x48xf32>
    %add3A_25 = arith.addf %mul3A_12, %add3A_24 : vector<10240x48xf32>
    %mul3A_26 = vector.broadcast %get3A_23 : vector<10240x1xf32> to vector<10240x48xf32>
    %mul3A_27 = arith.mulf %mul3A_26, %add3A_25 : vector<10240x48xf32>
    %swap3A = arith.constant 0 : index
    %swap3A_28 = arith.constant 0 : index
    %swap3A_29 = vector.load %arg4[%swap3A, %swap3A_28] : memref<10240x48xf32, #tpu.memory_space<vmem>>, vector<10240x48xf32>
    tpu.vector_store %arg4[%swap3A, %swap3A_28], %mul3A_27 {strides = array<i32>} : memref<10240x48xf32, #tpu.memory_space<vmem>>, vector<10240x48xf32>,
    return
  }
}

module attributes {stable_mosaic.version = 14 : i64} {
  func.func @_final_body(%arg0: memref<2x10240x48xf32, #tpu.memory_space<vmem>>, %arg1: memref<10240x1xf32, #tpu.memory_space<vmem>>, %arg2: memref<1x48xf32, #tpu.memory_space<vmem>>, %arg3: memref<10240x48xf32, #tpu.memory_space<vmem>>) attributes {dimension_semantics = [], scalar_prefetch = 0 : i64, scratch_operands = 0 : i64, tpu.core_type = #tpu.core_type<tc>} {
    %get3A = arith.constant 0 : index
    %get3A_0 = arith.constant 0 : index
    %get3A_1 = vector.load %arg1[%get3A, %get3A_0] : memref<10240x1xf32, #tpu.memory_space<vmem>>, vector<10240x1xf32>
    %get3A_2 = arith.constant 0 : index
    %get3A_3 = arith.constant 0 : index
    %get3A_4 = arith.constant 0 : index
    %get3A_5 = vector.load %arg0[%get3A_2, %get3A_3, %get3A_4] : memref<2x10240x48xf32, #tpu.memory_space<vmem>>, vector<1x10240x48xf32>
    %get3A_6 = vector.shape_cast %get3A_5 : vector<1x10240x48xf32> to vector<10240x48xf32>
    %get3A_7 = arith.constant 1 : index
    %get3A_8 = arith.constant 0 : index
    %get3A_9 = arith.constant 0 : index
    %get3A_10 = vector.load %arg0[%get3A_7, %get3A_8, %get3A_9] : memref<2x10240x48xf32, #tpu.memory_space<vmem>>, vector<1x10240x48xf32>
    %get3A_11 = vector.shape_cast %get3A_10 : vector<1x10240x48xf32> to vector<10240x48xf32>
    %add3A = arith.addf %get3A_6, %get3A_11 : vector<10240x48xf32>
    %mul3A = vector.broadcast %get3A_1 : vector<10240x1xf32> to vector<10240x48xf32>
    %mul3A_12 = arith.mulf %mul3A, %add3A : vector<10240x48xf32>
    %get3A_13 = arith.constant 0 : index
    %get3A_14 = arith.constant 0 : index
    %get3A_15 = vector.load %arg2[%get3A_13, %get3A_14] : memref<1x48xf32, #tpu.memory_space<vmem>>, vector<1x48xf32>
    %add3A_16 = vector.broadcast %get3A_15 : vector<1x48xf32> to vector<10240x48xf32>
    %add3A_17 = arith.addf %mul3A_12, %add3A_16 : vector<10240x48xf32>
    %iota3A = tpu.iota {dimensions = array<i32: 1>} : vector<10240x48xi32>
    %lt3A = arith.constant 40 : i32
    %lt3A_18 = vector.broadcast %lt3A : i32 to vector<10240x48xi32>
    %lt3A_19 = arith.cmpi slt, %iota3A, %lt3A_18 : vector<10240x48xi32>
    %jit3A = arith.constant -1.000000e+30 : f32
    %broadcast_in_dim3A = vector.broadcast %jit3A : f32 to vector<10240x48xf32>
    %select_n3A = arith.select %lt3A_19, %add3A_17, %broadcast_in_dim3A : vector<10240x48xi1>, vector<10240x48xf32>
    %reduce_max3A = arith.constant dense<0xFF800000> : vector<10240xf32>
    %reduce_max3A_20 = vector.multi_reduction <maximumf>, %select_n3A, %reduce_max3A [1] : vector<10240x48xf32> to vector<10240xf32>
    %broadcast_in_dim3A_21 = vector.shape_cast %reduce_max3A_20 : vector<10240xf32> to vector<10240x1xf32>
    %sub3A = vector.broadcast %broadcast_in_dim3A_21 : vector<10240x1xf32> to vector<10240x48xf32>
    %sub3A_22 = arith.subf %select_n3A, %sub3A : vector<10240x48xf32>
    %exp3A = math.exp %sub3A_22 : vector<10240x48xf32>
    %jit3A_23 = arith.constant 0.000000e+00 : f32
    %broadcast_in_dim3A_24 = vector.broadcast %jit3A_23 : f32 to vector<10240x48xf32>
    %select_n3A_25 = arith.select %lt3A_19, %exp3A, %broadcast_in_dim3A_24 : vector<10240x48xi1>, vector<10240x48xf32>
    %reduce_sum3A = arith.constant dense<0.000000e+00> : vector<10240xf32>
    %reduce_sum3A_26 = vector.multi_reduction <add>, %select_n3A_25, %reduce_sum3A [1] : vector<10240x48xf32> to vector<10240xf32>
    %broadcast_in_dim3A_27 = vector.shape_cast %reduce_sum3A_26 : vector<10240xf32> to vector<10240x1xf32>
    %sub3A_28 = vector.broadcast %broadcast_in_dim3A_21 : vector<10240x1xf32> to vector<10240x48xf32>
    %sub3A_29 = arith.subf %select_n3A, %sub3A_28 : vector<10240x48xf32>
    %log3A = math.log %broadcast_in_dim3A_27 : vector<10240x1xf32>
    %sub3A_30 = vector.broadcast %log3A : vector<10240x1xf32> to vector<10240x48xf32>
    %sub3A_31 = arith.subf %sub3A_29, %sub3A_30 : vector<10240x48xf32>
    %swap3A = arith.constant 0 : index
    %swap3A_32 = arith.constant 0 : index
    %swap3A_33 = vector.load %arg3[%swap3A, %swap3A_32] : memref<10240x48xf32, #tpu.memory_space<vmem>>, vector<10240x48xf32>
    tpu.vector_store %arg3[%swap3A, %swap3A_32], %sub3A_31 {strides = array<i32>} : memref<10240x48xf32, #tpu.memory_space<vmem>>, vector<10240x48xf32>,
    return
  }
}

</mosaic_0001>

<sc_bundles>
// kernel: kernel.11.cloned.1.call-start
scs
__scs_entry_jumppad:
0x0: {  	(pc) =	sbr.rel $0x88, $3  }
0x1: {  	(tag) =	ssettag $0x0;
	lr =	simm.s32 $0x1  }
0x2: {  	[smem:$0x3F9B] =	sst lr;
	_ =	strace $0xD0000000  }
0x3: {  	_ = 	snop  }
0x4: {  	_ = 	snop  }
0x5: {  	_ = 	snop  }
0x6: {  	_ = 	snop  }
0x7: {  	_ = 	snop  }
__scs_overlays_trampoline_lowered:
0x8: {  	[smem:$0x3FAA] =	sst s0  }
0x9: {  	[smem:$0x3FAB] =	sst s1  }
0xa: {  	[smem:$0x3FAC] =	sst s2  }
0xb: {  	[smem:$0x3FAD] =	sst s3  }
0xc: {  	[smem:$0x3FAE] =	sst s4  }
0xd: {  	[smem:$0x3FAF] =	sst s5  }
0xe: {  	[smem:$0x3FB0] =	sst s6  }
0xf: {  	[smem:$0x3FB1] =	sst s7  }
0x10: {  	[smem:$0x3FB2] =	sst s8  }
0x11: {  	[smem:$0x3FB3] =	sst s9;
	s0 =	simm.s32 @!p0 $0x0  }
0x12: {  	s1 =	sld [smem:$0x3F99];
	s0 =	simm.s32 @p0 $0x1  }
0x13: {  	[smem:$0x3FB4] =	sst s0;
	s0 =	simm.s32 @!p1 $0x0  }
0x14: {  	s2 =	sld [smem:$0x3F98];
	s0 =	simm.s32 @p1 $0x1  }
0x15: {  	[smem:$0x3FB5] =	sst s0;
	s0 =	simm.s32 @!p2 $0x0  }
0x16: {  	s3 =	sld [smem:$0x3FDB];
	s0 =	simm.s32 @p2 $0x1  }
0x17: {  	s4 =	simm.s32 $0x1BF5;
	[smem:$0x3FB7] =	sst s0  }
0x18: {  	s0 =	sld [smem:$0x3F9A];
	_ =	swait.ge [sflag:s4], $0x0  }
0x19: {  	s7 =	sld [smem:$0x3F9B]  }
0x1a: {  	s8 =	sadd.s32 $0xFFFFE003, lr  }
0x1b: {  	s9 =	sadd.s32 $0xFFFFFEF7, lr;
	s5 =	simm.s32 $0xFFFFFFFF;
	p2 =	slt.u32 s8, $0xFFFFF086  }
0x1c: {  	p1 =	slt.u32 s9, $0xF7A;
	s5 =	simm.s32 @!p2 $0x0  }
0x1d: {  	s5 =	simm.s32 @p1 $0x1;
	p0 =	seq.s32 s7, s2  }
0x1e: {  	s7 =	smul.u32 @!p0 $0xF7A, s2;
	p2 =	seq.s32 @!p0 s5, $0x0  }
0x1f: {  	s9 =	smul.u32 $0xF7A, s1;
	s8 =	simm.s32 @!p0 $0x1BF5;
	p2 =	por !p2, p0  }
0x20: {  	[sflag:s8] =	ssyncset.s32 @!p0 $0xFFFFF086;
	s6 =	sadd.s32 @!p0 s3, s7;
	s7 =	simm.s32 @!p0 $0x108  }
0x21: {  	s3 =	sadd.s32 s3, s9;
	s6 =	sadd.s32 @!p0 $0x88, s6;
	s7 =	simm.s32 @p2 $0x1082  }
0x22: {  	[simem:s7], [sflag:s8] =	dma.local @!p0 [hbm:s6], $0xF7A  }
0x23: {  	s9 =	sor.u32 $0xD0000000, s2;
	s6 =	simm.s32 $0x108;
	_ =	swait.ge @!p0 [sflag:s8], $0x0  }
0x24: {  	s3 =	sadd.s32 $0x88, s3;
	s6 =	simm.s32 @!p1 $0x1082;
	[sflag:s4] =	ssyncset.s32 $0xFFFFF086  }
0x25: {  	[simem:s6], [sflag:s4] =	dma.local [hbm:s3], $0xF7A  }
0x26: {  	[smem:$0x3F9B] =	sst s1;
	(tag) =	ssettag s2;
	_ =	strace s9  }
0x27: {  	s1 =	sld [smem:$0x3FAB]  }
0x28: {  	s2 =	sld [smem:$0x3FAC]  }
0x29: {  	s4 =	sld [smem:$0x3FAE]  }
0x2a: {  	p0 =	seq.s32 s5, $0x0;
	s5 =	sld [smem:$0x3FAF]  }
0x2b: {  	s6 =	sld [smem:$0x3FB0]  }
0x2c: {  	s7 =	sld [smem:$0x3FB1]  }
0x2d: {  	s3 =	simm.s32 $0x108;
	s8 =	sld [smem:$0x3FB2]  }
0x2e: {  	s3 =	simm.s32 @!p0 $0x1082;
	s9 =	sld [smem:$0x3FB3]  }
0x2f: {  	lr =	sadd.s32 s0, s3;
	s0 =	sld [smem:$0x3FAA]  }
0x30: {  	s3 =	sld [smem:$0x3FAD]  }
0x31: {  	[smem:$0x3FB6] =	sst s10  }
0x32: {  	s10 =	sld [smem:$0x3FB4];
	_ =	sdelay $0x3  }
0x33: {  	p0 =	seq.s32 s10, $0x1;
	s10 =	sld [smem:$0x3FB6];
	_ =	sdelay $0x3  }
0x34: {  	[smem:$0x3FB6] =	sst s10  }
0x35: {  	s10 =	sld [smem:$0x3FB5];
	_ =	sdelay $0x3  }
0x36: {  	p1 =	seq.s32 s10, $0x1;
	s10 =	sld [smem:$0x3FB6];
	_ =	sdelay $0x3  }
0x37: {  	[smem:$0x3FB6] =	sst s10  }
0x38: {  	s10 =	sld [smem:$0x3FB7]  }
0x39: {  	_ = 	snop;
	(pc) =	sbr.ind lr, $3  }
0x3a: {  	_ = 	snop  }
0x3b: {  	_ = 	snop  }
0x3c: {  	p2 =	seq.s32 s10, $0x1;
	s10 =	sld [smem:$0x3FB6]  }
0x3d: {  	_ =	shalt  }
0x3e: {  	_ =	shalt  }
0x3f: {  	_ =	shalt  }
0x40: {  	_ =	shalt  }
0x41: {  	_ =	shalt  }
0x42: {  	_ =	shalt  }
0x43: {  	_ =	shalt  }
0x44: {  	_ =	shalt  }
0x45: {  	_ =	shalt  }
0x46: {  	_ =	shalt  }
0x47: {  	_ =	shalt  }
0x48: {  	_ =	shalt  }
0x49: {  	_ =	shalt  }
0x4a: {  	_ =	shalt  }
0x4b: {  	_ =	shalt  }
0x4c: {  	_ =	shalt  }
0x4d: {  	_ =	shalt  }
0x4e: {  	_ =	shalt  }
0x4f: {  	_ =	shalt  }
0x50: {  	_ =	shalt  }
0x51: {  	_ =	shalt  }
0x52: {  	_ =	shalt  }
0x53: {  	_ =	shalt  }
0x54: {  	_ =	shalt  }
0x55: {  	_ =	shalt  }
0x56: {  	_ =	shalt  }
0x57: {  	_ =	shalt  }
0x58: {  	_ =	shalt  }
0x59: {  	_ =	shalt  }
0x5a: {  	_ =	shalt  }
0x5b: {  	_ =	shalt  }
0x5c: {  	_ =	shalt  }
0x5d: {  	_ =	shalt  }
0x5e: {  	_ =	shalt  }
0x5f: {  	_ =	shalt  }
0x60: {  	_ =	shalt  }
0x61: {  	_ =	shalt  }
0x62: {  	_ =	shalt  }
0x63: {  	_ =	shalt  }
0x64: {  	_ =	shalt  }
0x65: {  	_ =	shalt  }
0x66: {  	_ =	shalt  }
0x67: {  	_ =	shalt  }
0x68: {  	_ =	shalt  }
0x69: {  	_ =	shalt  }
0x6a: {  	_ =	shalt  }
0x6b: {  	_ =	shalt  }
0x6c: {  	_ =	shalt  }
0x6d: {  	_ =	shalt  }
0x6e: {  	_ =	shalt  }
0x6f: {  	_ =	shalt  }
0x70: {  	_ =	shalt  }
0x71: {  	_ =	shalt  }
0x72: {  	_ =	shalt  }
0x73: {  	_ =	shalt  }
0x74: {  	_ =	shalt  }
0x75: {  	_ =	shalt  }
0x76: {  	_ =	shalt  }
0x77: {  	_ =	shalt  }
0x78: {  	_ =	shalt  }
0x79: {  	_ =	shalt  }
0x7a: {  	_ =	shalt  }
0x7b: {  	_ =	shalt  }
0x7c: {  	_ =	shalt  }
0x7d: {  	_ =	shalt  }
0x7e: {  	_ =	shalt  }
0x7f: {  	_ =	shalt  }
0x80: {  	_ =	shalt  }
0x81: {  	_ =	shalt  }
0x82: {  	_ =	shalt  }
0x83: {  	_ =	shalt  }
0x84: {  	_ =	shalt  }
0x85: {  	_ =	shalt  }
0x86: {  	_ =	shalt  }
0x87: {  	_ =	shalt  }
.Lfunc_end0:
.L_simem_size_0:
called_computation.1_lowered:
.L_overlay_start_0:
0x88: {  	s2 =	sld [smem:$0x3FD9]  }
0x89: {  	s3 =	sld [smem:$0x3FFE];
	_ =	sdelay $0x1  }
0x8a: {  	s1 =	srdreg.scid  }
0x8b: {  	s0 =	sand.u32 $0x1, s1  }
0x8c: {  	s16 =	sshll.u32 s0, $0xA;
	s2 =	sadd.s32 s3, s2  }
0x8d: {  	s2 =	sadd.s32 s2, s16  }
0x8e: {  	[smem:$0x3FC2] =	sst s2  }
0x8f: {  	_ = 	snop  }
0x90: {  	(tm) =	ssettm $0x1  }
0x91: {  	s17 =	sld [smem:$0x3FFB];
	_ =	sdelay $0x3  }
0x92: {  	_ =	strace s17  }
0x93: {  	s2 =	sld [smem:$0x3FFC];
	_ =	sdelay $0x3  }
0x94: {  	_ =	strace s2  }
0x95: {  	s2 =	sld [smem:$0x3FFD];
	_ =	sdelay $0x3  }
0x96: {  	_ =	strace s2  }
0x97: {  	_ =	strace $0x8FFFFFFF  }
0x98: {  	s18 =	sld [smem:$0x3FDB];
	_ =	sdelay $0x1  }
0x99: {  	s19 =	simm.s32 $_scs_section_size  }
0x9a: {  	s4 =	simm.s32 $_size__tile_overlayer_lowered;
	s5 =	simm.s32 $_tile_overlayer_lowered  }
0x9b: {  	s22 =	simm.s32 $0x1BFF;
	s21 =	sshll.u32 s5, $0x1;
	s2 =	sadd.s32 s19, s18  }
0x9c: {  	s6 =	simm.s32 $0x0;
	s20 =	sshll.u32 s4, $0x1;
	s4 =	sadd.s32 s21, s2  }
0x9d: {  	[timem:s6], [sflag:s22] =	dma.local [hbm:s4], s20  }
0x9e: {  	_ =	swait.ge [sflag:s22], s20  }
0x9f: {  	s3 =	ssub.s32 $0x0, s20;
	[sflag:s22] =	ssyncset.done $0x0  }
0xa0: {  	[sflag:s22] =	ssyncadd.s32 s3;
	_ =	sdelay $0x1  }
0xa1: {  	s23 =	simm.s32 $0x1B8B  }
0xa2: {  	_ =	swait.ge [sflag:s23], $0x1  }
0xa3: {  	[sflag:s23] =	ssyncset.done $0x0  }
0xa4: {  	s25 =	simm.s32 $0x1B8E;
	s24 =	sld [smem:$0x3FFE];
	[sflag:s23] =	ssyncadd.s32 $0xFFFFFFFF  }
0xa5: {  	s26 =	simm.s32 $execute0_lowered;
	[smem:$0x3FD2] =	sst s25  }
0xa6: {  	s4 =	sshll.u32 s26, $0x1;
	_ =	strace $0x80000049;
	[dreg:$0x1] =	wrdreg $0xFFFFFFFF  }
0xa7: {  	s28 =	simm.s32 $_size_execute0_lowered;
	s2 =	sadd.s32 s2, s4;
	[dreg:$0x0] =	wrdreg $0x0  }
0xa8: {  	s4 =	sshll.u32 s28, $0x1;
	[dreg:$0x2] =	wrdreg s2  }
0xa9: {  	[dreg:$0x3] =	wrdreg s4  }
0xaa: {  	[dreg:$0x4] =	wrdreg $0xC0  }
0xab: {  	_ =	task [dreg:s6], $0x5FFFF  }
0xac: {  	[dreg:$0x1] =	wrdreg $0xFFFFFFFF  }
0xad: {  	[dreg:$0x0] =	wrdreg $0x60  }
0xae: {  	[dreg:$0x2] =	wrdreg s24  }
0xaf: {  	[dreg:$0x3] =	wrdreg $0xE1200  }
0xb0: {  	[dreg:$0x4] =	wrdreg $0x9  }
0xb1: {  	_ =	task.clear_ibuf [dreg:s6], $0x5FFFF;
	_ =	strace $0x90000049  }
0xb2: {  	s29 =	simm.s32 $0x9;
	_ =	strace $0x8000004B  }
0xb3: {  	_ =	swait.ge [sflag:s29], $0x1  }
0xb4: {  	[sflag:s29] =	ssyncadd.s32 $0xFFFFFFFF  }
0xb5: {  	_ =	strace $0x9000004B  }
0xb6: {  	_ =	sfence  }
0xb7: {  	s30 =	sld [smem:$0x0];
	_ =	sdelay $0x2  }
0xb8: {  	s31 =	sshll.u32 s1, $0xD;
	s1 =	sshrl.u32 s1, $0x2  }
0xb9: {  	s3 =	sand.u32 $0x4000, s31;
	s1 =	sadd.s32 s1, s30  }
0xba: {  	s0 =	sor.u32 s3, s0;
	s1 =	sshll.u32 s1, $0x11  }
0xbb: {  	s0 =	sor.u32 s1, s0  }
0xbc: {  	s0 =	sadd.s32 $0x8F2B, s0  }
0xbd: {  	[sflag:s0] =	ssyncadd.remote.s32 $0x1  }
0xbe: {  	_ =	sfence.sel $0xFFFF  }
0xbf: {  	[dreg:$0x0] =	wrdreg $0xFFFFFFFF;
	(pc) =	sbr.abs _section_cstart, $3  }
0xc0: {  	[dreg:$0x1] =	wrdreg $0xFFFFFFFF  }
0xc1: {  	_ =	task.clear_ibuf [dreg:s6], $0x2FFFF;
	_ =	strace $0x9FFFFFFF  }
0xc2: {  	(tm) =	ssettm $0x7FFFFFFF  }
0xc3: {  	_ =	shalt  }
tec
execute0_lowered:
.L_overlay_start_1:
0x0: {  	(tag) =	ssettag $0x1  }
0x1: {  	s0 =	srdreg.scid;
	s5 =	rddreg [dreg:$0x0]  }
0x2: {  	s10 =	stileid.u32;
	s2 =	rddreg [dreg:$0x1]  }
0x3: {  	s3 =	simm.s32 $0x0;
	s15 =	simm.s32 $0xB;
	s28 =	simm.s32 $0x7E20  }
0x4: {  	s29 =	simm.s32 $0x2;
	s30 =	simm.s32 $0xA;
	s31 =	simm.s32 $0xAE20  }
0x5: {  	s16 =	simm.s32 $0x9620;
	s11 =	simm.s32 $0x7;
	s12 =	simm.s32 $0x5  }
0x6: {  	s13 =	simm.s32 $0xC920;
	s14 =	simm.s32 $0x0;
	s0 =	sand.u32 $0x1, s0  }
0x7: {  	s1 =	sshll.u32 s10, $0x1;
	s7 =	smul.u32 $0x7800, s10;
	[smem:$0x7FF] =	sst s3  }
0x8: {  	s4 =	sadd.s32 $0x15800, s5;
	s18 =	smul.u32 $0x1E000, s10;
	s26 =	sshll.u32 s10, $0x6  }
0x9: {  	s1 =	sor.u32 s0, s1;
	s6 =	smul.u32 $0x78000, s0;
	_ =	strace $0x8000004A  }
0xa: {  	s8 =	ssub.s32 $0x2, s0;
	p0 =	sne.s32 s0, $0x0;
	s1 =	smul.u32 $0x2710, s1  }
0xb: {  	s17 =	sor.u32 $0x1C0B, s26;
	s0 =	simm.s32 $0x6;
	s9 =	sshrl.u32 s8, $0x1  }
0xc: {  	s20 =	sshrl.u32 s7, $0x3;
	s9 =	ssub.s32 s8, s9;
	s1 =	sshrl.u32 s1, $0x3  }
0xd: {  	s6 =	sadd.s32 s7, s6;
	s22 =	smax.u32 s9, $0x1;
	s1 =	sadd.s32 s1, s5  }
0xe: {  	s6 =	sshrl.u32 s6, $0x3;
	[dreg:$0x7] =	wrdreg s22;
	s19 =	sadd.s32 $0x1E00, s1  }
0xf: {  	s5 =	sadd.s32 s6, s5;
	s1 =	sadd.s32 $0xBA40, s1;
	[dreg:$0x3] =	wrdreg s19  }
0x10: {  	s21 =	sshrl.u32 s18, $0x2;
	s5 =	sadd.s32 $0x24800, s5;
	[dreg:$0x4] =	wrdreg s1  }
0x11: {  	s7 =	sadd.s32 s7, s2;
	s1 =	sadd.s32 s4, s20;
	[dreg:$0x6] =	wrdreg s5  }
0x12: {  	s18 =	sshrl.u32 s7, $0x3;
	[dreg:$0x5] =	wrdreg s1;
	s1 =	sadd.s32 s21, s2  }
0x13: {  	s7 =	simm.s32 $0x4;
	s23 =	sadd.s32 $0x1800, s1;
	[dreg:$0x8] =	wrdreg s1  }
.Ltmp0:
0x14: {  	s24 =	sadd.s32 $0x3000, s1;
	[dreg:$0x9] =	wrdreg s23;
	(pc) =	sbr.rel .LBB2_1-.Ltmp0, $4  }
0x15: {  	s22 =	simm.s32 $0x10;
	s25 =	sadd.s32 $0x4800, s1;
	[dreg:$0xa] =	wrdreg s24  }
0x16: {  	s19 =	simm.s32 $0x80;
	s1 =	sadd.s32 $0x6000, s1;
	[dreg:$0xb] =	wrdreg s25  }
0x17: {  	s20 =	simm.s32 $0x4E20;
	s21 =	simm.s32 $0x6620;
	[dreg:$0xc] =	wrdreg s1  }
0x18: {  	v0 =	vimm.f32 $0.0e+00;
	s24 =	simm.s32 $0xC620;
	s25 =	simm.s32 $0x1;
	s1 =	simm.s32 $0x3  }
.LBB2_14:
0x19: {  	s5 =	simm.s32 $0x2700  }
0x1a: {  	[tilespmem:s24], [sflag:$0x1] =	stream.indirect.gather [hbm4b:s4+s22], $0x30, s5, s22, $0xb8;
	[tilespmem:$0x15920] =	vst v63  }
0x1b: {  	_ =	swait.ge [sflag:s25], $0x300  }
0x1c: {  	[sflag:s25] =	ssyncset.done $0x0  }
0x1d: {  	s10 =	simm.s32 $0x4E10;
	[sflag:s25] =	ssyncadd.s32 $0xFFFFFD00  }
0x1e: {  	[spmem:s2] =	stream.indirect.scatter.add.f32 [tilespmem:s24], [sflag:$0xB], $0x30, s10, s22, $0xb8;
	[tilespmem:$0x15920] =	vst v63  }
0x1f: {  	_ =	swait.ge [sflag:s15], $0x300  }
0x20: {  	[sflag:s15] =	ssyncset.done $0x0  }
0x21: {  	[sflag:s15] =	ssyncadd.s32 $0xFFFFFD00  }
0x22: {  	[bflag:$0x0] =	sbarrier.arrive $0xFFFF  }
0x23: {  	s23 =	rddreg [dreg:$0x6]  }
0x24: {  	[hbm:s23], [sflag:s17] =	dma.local [spmem:s18], $0xF00  }
0x25: {  	_ =	swait.ge [sflag:s15], $0xF00  }
0x26: {  	s14 =	sadd.s32 $0x1, s14;
	s26 =	rddreg [dreg:$0x7]  }
0x27: {  	p1 =	sne.s32 s14, s26  }
.Ltmp1:
0x28: {  	_ = 	snop;
	(pc) =	sbr.rel @!p1 .LBB2_15-.Ltmp1, $3  }
0x29: {  	_ =	sdelay $0x1  }
0x2a: {  	[sflag:s15] =	ssyncset.done $0x0  }
0x2b: {  	[sflag:s15] =	ssyncadd.s32 $0xFFFFF100  }
.LBB2_1:
0x2c: {  	s5 =	rddreg [dreg:$0x3]  }
0x2d: {  	[tilespmem:s3], [sflag:$0xB] =	stream.linear.gather [hbm4b:s5+s3], $0x2710, $0x38;
	[tilespmem:$0x15920] =	vst v63  }
0x2e: {  	_ =	swait.ge [sflag:s15], $0x2710  }
0x2f: {  	s6 =	simm.s32 $0x2710;
	[sflag:s15] =	ssyncset.done $0x0  }
.Ltmp2:
0x30: {  	s26 =	rddreg [dreg:$0x4];
	[sflag:s15] =	ssyncadd.s32 $0xFFFFD8F0;
	(pc) =	sbr.rel @p0 .LBB2_3-.Ltmp2, $4  }
0x31: {  	[tilespmem:s6], [sflag:$0xB] =	stream.linear.gather [hbm4b:s26+s3], $0x2710, $0x38;
	[tilespmem:$0x15920] =	vst v63  }
0x32: {  	_ =	swait.ge [sflag:s15], $0x2710  }
0x33: {  	[sflag:s15] =	ssyncset.done $0x0  }
0x34: {  	[sflag:s15] =	ssyncadd.s32 $0xFFFFD8F0  }
.Ltmp3:
0x35: {  	s5 =	rddreg [dreg:$0x5];
	(pc) =	sbr.rel .LBB2_6-.Ltmp3, $4  }
0x36: {  	[spmem:s18], [sflag:s17] =	dma.local [hbm:s5], $0xF00  }
0x37: {  	_ =	swait.ge [sflag:s15], $0xF00  }
0x38: {  	[sflag:s15] =	ssyncset.done $0x0  }
0x39: {  	[sflag:s15] =	ssyncadd.s32 $0xFFFFF100  }
.LBB2_3:
0x3a: {  	s5 =	smul.u32 $0xAAAB, s3;
	_ =	sdelay $0x1  }
0x3b: {  	s10 =	sshrl.u32 s5, $0x11  }
0x3c: {  	s23 =	simm.s32 $0x0;
	s5 =	simm.s32 $0x1;
	s26 =	smul.u32 $0x3, s10  }
.LBB2_4:
0x3d: {  	s6 =	smul.u32 $0xAAAB, s5  }
0x3e: {  	s8 =	smov.u32 s5;
	s10 =	smul.u32 $0xC0, s10;
	p1 =	sne.s32 s5, $0x17F  }
.Ltmp4:
0x3f: {  	s23 =	ssub.s32 s23, s26;
	(pc) =	sbr.rel @p1 .LBB2_4-.Ltmp4, $4  }
0x40: {  	s5 =	sadd.s32 $0x1, s5;
	s23 =	sand.u32 $0xFFFF, s23  }
0x41: {  	s26 =	sshrl.u32 s10, $0x2;
	s9 =	sshll.u32 s23, $0x4;
	s23 =	smov.u32 s8  }
0x42: {  	s10 =	sshrl.u32 s6, $0x11;
	s6 =	sadd.s32 s9, s26  }
0x43: {  	s26 =	smul.u32 $0x3, s10;
	[tilespmem:s6+$0xC920] =	vst v0  }
0x44: {  	_ = 	snop  }
0x45: {  	s6 =	smul.u32 $0xC0, s10;
	s5 =	ssub.s32 s23, s26  }
0x46: {  	s5 =	sand.u32 $0xFFFF, s5  }
0x47: {  	s6 =	sshrl.u32 s6, $0x2;
	s5 =	sshll.u32 s5, $0x4  }
0x48: {  	s5 =	sadd.s32 s5, s6  }
0x49: {  	s8 =	rddreg [dreg:$0x8];
	[tilespmem:s5+$0xC920] =	vst v0  }
0x4a: {  	[spmem:s8] =	stream.linear.scatter [tilespmem:s13], [sflag:$0xB], $0x1800, $0x38;
	[tilespmem:$0x15920] =	vst v63  }
0x4b: {  	_ =	swait.ge [sflag:s15], $0x1800  }
0x4c: {  	[sflag:s15] =	ssyncset.done $0x0  }
0x4d: {  	s9 =	rddreg [dreg:$0x9];
	[sflag:s15] =	ssyncadd.s32 $0xFFFFE800  }
0x4e: {  	[spmem:s9] =	stream.linear.scatter [tilespmem:s13], [sflag:$0xB], $0x1800, $0x38;
	[tilespmem:$0x15920] =	vst v63  }
0x4f: {  	_ =	swait.ge [sflag:s15], $0x1800  }
0x50: {  	[sflag:s15] =	ssyncset.done $0x0  }
0x51: {  	s10 =	rddreg [dreg:$0xa];
	[sflag:s15] =	ssyncadd.s32 $0xFFFFE800  }
0x52: {  	[spmem:s10] =	stream.linear.scatter [tilespmem:s13], [sflag:$0xB], $0x1800, $0x38;
	[tilespmem:$0x15920] =	vst v63  }
0x53: {  	_ =	swait.ge [sflag:s15], $0x1800  }
0x54: {  	[sflag:s15] =	ssyncset.done $0x0  }
0x55: {  	s23 =	rddreg [dreg:$0xb];
	[sflag:s15] =	ssyncadd.s32 $0xFFFFE800  }
0x56: {  	[spmem:s23] =	stream.linear.scatter [tilespmem:s13], [sflag:$0xB], $0x1800, $0x38;
	[tilespmem:$0x15920] =	vst v63  }
0x57: {  	_ =	swait.ge [sflag:s15], $0x1800  }
0x58: {  	[sflag:s15] =	ssyncset.done $0x0  }
0x59: {  	s26 =	rddreg [dreg:$0xc];
	[sflag:s15] =	ssyncadd.s32 $0xFFFFE800  }
0x5a: {  	[spmem:s26] =	stream.linear.scatter [tilespmem:s13], [sflag:$0xB], $0x1800, $0x38;
	[tilespmem:$0x15920] =	vst v63  }
0x5b: {  	_ =	swait.ge [sflag:s15], $0x1800  }
0x5c: {  	[sflag:s15] =	ssyncset.done $0x0  }
0x5d: {  	[sflag:s15] =	ssyncadd.s32 $0xFFFFE800  }
.LBB2_6:
0x5e: {  	s23 =	simm.s32 $0x0  }
0x5f: {  	[tilespmem:s20], [sflag:$0x1] =	stream.indirect.gather [hbm4b:s4+s19], $0x30, s23, s19, $0xb8;
	[tilespmem:$0x15920] =	vst v63  }
.Ltmp5:
0x60: {  	_ = 	snop;
	(pc) =	sbr.rel .LBB2_7-.Ltmp5, $4  }
0x61: {  	_ = 	snop  }
0x62: {  	[tilespmem:s21], [sflag:$0x2] =	stream.indirect.gather [hbm4b:s4+s19], $0x30, s19, s19, $0xb8;
	[tilespmem:$0x15920] =	vst v63  }
0x63: {  	[bflag:$0x0] =	sbarrier.arrive $0xFFFF  }
0x64: {  	s26 =	simm.s32 $0xFFFFFFFD;
	s10 =	simm.s32 $0x0  }
.LBB2_12:
0x65: {  	s6 =	sadd.s32 $0x200, s5  }
0x66: {  	[tilespmem:s31], [sflag:$0x5] =	stream.indirect.gather [hbm4b:s4+s19], $0x30, s6, s19, $0xb8;
	[tilespmem:$0x15920] =	vst v63  }
0x67: {  	_ =	swait.ge [sflag:s1], $0x1800  }
0x68: {  	[sflag:s1] =	ssyncset.done $0x0  }
0x69: {  	s9 =	sadd.s32 $0x2810, s5;
	[sflag:s1] =	ssyncadd.s32 $0xFFFFE800  }
0x6a: {  	[spmem:s2] =	stream.indirect.scatter.add.f32 [tilespmem:s28], [sflag:$0x8], $0x30, s9, s19, $0xb8;
	[tilespmem:$0x15920] =	vst v63  }
0x6b: {  	_ =	swait.ge [sflag:s0], $0x1800  }
0x6c: {  	[sflag:s0] =	ssyncset.done $0x0  }
0x6d: {  	s8 =	sadd.s32 $0x280, s5;
	[sflag:s0] =	ssyncadd.s32 $0xFFFFE800  }
0x6e: {  	[tilespmem:s20], [sflag:$0x1] =	stream.indirect.gather [hbm4b:s4+s19], $0x30, s8, s19, $0xb8;
	[tilespmem:$0x15920] =	vst v63  }
0x6f: {  	_ =	swait.ge [sflag:s7], $0x1800  }
0x70: {  	[sflag:s7] =	ssyncset.done $0x0  }
0x71: {  	s9 =	sadd.s32 $0x2890, s5;
	[sflag:s7] =	ssyncadd.s32 $0xFFFFE800  }
0x72: {  	[spmem:s2] =	stream.indirect.scatter.add.f32 [tilespmem:s16], [sflag:$0x9], $0x30, s9, s19, $0xb8;
	[tilespmem:$0x15920] =	vst v63  }
0x73: {  	_ =	swait.ge [sflag:s11], $0x1800  }
0x74: {  	[sflag:s11] =	ssyncset.done $0x0  }
0x75: {  	s8 =	sadd.s32 $0x300, s5;
	[sflag:s11] =	ssyncadd.s32 $0xFFFFE800  }
0x76: {  	[tilespmem:s21], [sflag:$0x2] =	stream.indirect.gather [hbm4b:s4+s19], $0x30, s8, s19, $0xb8;
	[tilespmem:$0x15920] =	vst v63  }
0x77: {  	_ =	swait.ge [sflag:s12], $0x1800  }
0x78: {  	[sflag:s12] =	ssyncset.done $0x0  }
0x79: {  	s9 =	sadd.s32 $0x2910, s5;
	[sflag:s12] =	ssyncadd.s32 $0xFFFFE800  }
0x7a: {  	[spmem:s2] =	stream.indirect.scatter.add.f32 [tilespmem:s31], [sflag:$0xA], $0x30, s9, s19, $0xb8;
	[tilespmem:$0x15920] =	vst v63  }
.LBB2_13:
0x7b: {  	s23 =	sadd.s32 $0xA00, s23  }
0x7c: {  	p1 =	sne.s32 s23, $0xAA00  }
.Ltmp6:
0x7d: {  	_ = 	snop;
	(pc) =	sbr.rel @!p1 .LBB2_14-.Ltmp6, $2  }
0x7e: {  	_ =	sdelay $0x2  }
0x7f: {  	s10 =	sadd.s32 $0x1, s10;
	s26 =	sadd.s32 $0x5, s26  }
.LBB2_7:
0x80: {  	p2 =	seq.s32 s23, $0xA000  }
.Ltmp7:
0x81: {  	p1 =	sgt.u32 s26, $0x4D;
	(pc) =	sbr.rel @p2 .LBB2_14-.Ltmp7, $4  }
0x82: {  	s5 =	simm.s32 @!p1 $0x8  }
0x83: {  	_ =	swait.ge @!p1 [sflag:s5], $0x1800  }
0x84: {  	[sflag:s5] =	ssyncset.done @!p1 $0x0  }
0x85: {  	[sflag:s5] =	ssyncadd.s32 @!p1 $0xFFFFE800  }
0x86: {  	s5 =	sshra.s32 s23, $0x2  }
0x87: {  	s6 =	sadd.s32 $0x100, s5  }
0x88: {  	[tilespmem:s28], [sflag:$0x3] =	stream.indirect.gather [hbm4b:s4+s19], $0x30, s6, s19, $0xb8;
	[tilespmem:$0x15920] =	vst v63  }
0x89: {  	s9 =	sadd.s32 $0x1, s26;
	_ =	swait.ge [sflag:s25], $0x1800  }
0x8a: {  	p2 =	sgt.u32 s9, $0x4D;
	[sflag:s25] =	ssyncset.done $0x0  }
0x8b: {  	s8 =	sadd.s32 $0x2710, s5;
	s6 =	simm.s32 @!p2 $0x9;
	[sflag:s25] =	ssyncadd.s32 $0xFFFFE800  }
0x8c: {  	[spmem:s2] =	stream.indirect.scatter.add.f32 [tilespmem:s20], [sflag:$0x6], $0x30, s8, s19, $0xb8;
	[tilespmem:$0x15920] =	vst v63  }
0x8d: {  	_ =	swait.ge @!p2 [sflag:s6], $0x1800  }
0x8e: {  	p1 =	sgt.u32 s10, $0xE;
	[sflag:s6] =	ssyncset.done @!p2 $0x0  }
0x8f: {  	[sflag:s6] =	ssyncadd.s32 @!p2 $0xFFFFE800;
	s6 =	sshra.s32 @!p1 s23, $0x2  }
0x90: {  	s9 =	simm.s32 @!p1 $0x9620;
	s8 =	simm.s32 @!p1 $0x80;
	s6 =	sadd.s32 @!p1 $0x180, s6  }
0x91: {  	[tilespmem:s9], [sflag:$0x4] =	stream.indirect.gather @!p1 [hbm4b:s4+s8], $0x30, s6, s8, $0xb8;
	[tilespmem:$0x15920] =	vst v63  }
0x92: {  	s9 =	sadd.s32 $0x2, s26  }
0x93: {  	p2 =	sgt.u32 s9, $0x4D  }
.Ltmp8:
0x94: {  	_ = 	snop;
	(pc) =	sbr.rel @p2 .LBB2_11-.Ltmp8, $4  }
0x95: {  	_ =	swait.ge [sflag:s29], $0x1800  }
0x96: {  	[sflag:s29] =	ssyncset.done $0x0  }
0x97: {  	s8 =	sadd.s32 $0x2790, s5;
	[sflag:s29] =	ssyncadd.s32 $0xFFFFE800  }
0x98: {  	[spmem:s2] =	stream.indirect.scatter.add.f32 [tilespmem:s21], [sflag:$0x7], $0x30, s8, s19, $0xb8;
	[tilespmem:$0x15920] =	vst v63  }
0x99: {  	p1 =	slt.u32 s10, $0xF  }
.Ltmp9:
0x9a: {  	_ = 	snop;
	(pc) =	sbr.rel @p1 .LBB2_12-.Ltmp9, $4  }
.Ltmp10:
0x9b: {  	_ = 	snop;
	(pc) =	sbr.rel @!p1 .LBB2_10-.Ltmp10, $4  }
0x9c: {  	_ =	swait.ge [sflag:s30], $0x1800  }
0x9d: {  	[sflag:s30] =	ssyncset.done $0x0  }
0x9e: {  	[sflag:s30] =	ssyncadd.s32 $0xFFFFE800  }
0x9f: {  	_ = 	snop  }
.LBB2_11:
.Ltmp11:
0xa0: {  	(pc) =	sbr.rel @!p1 .LBB2_12-.Ltmp11, $1  }
0xa1: {  	_ =	sdelay $0x3  }
.LBB2_10:
0xa2: {  	_ =	swait.ge [sflag:s1], $0x1800  }
0xa3: {  	[sflag:s1] =	ssyncset.done $0x0  }
0xa4: {  	s5 =	sadd.s32 $0x2810, s5;
	[sflag:s1] =	ssyncadd.s32 $0xFFFFE800  }
0xa5: {  	[spmem:s2] =	stream.indirect.scatter.add.f32 [tilespmem:s28], [sflag:$0x8], $0x30, s5, s19, $0xb8;
	[tilespmem:$0x15920] =	vst v63  }
0xa6: {  	_ =	swait.ge [sflag:s0], $0x1800  }
.Ltmp12:
0xa7: {  	[sflag:s0] =	ssyncset.done $0x0;
	(pc) =	sbr.rel .LBB2_13-.Ltmp12, $4  }
0xa8: {  	[sflag:s0] =	ssyncadd.s32 $0xFFFFE800  }
0xa9: {  	_ =	swait.ge [sflag:s11], $0x1800  }
0xaa: {  	[sflag:s11] =	ssyncset.done $0x0  }
0xab: {  	[sflag:s11] =	ssyncadd.s32 $0xFFFFE800  }
.LBB2_15:
0xac: {  	_ =	sfence.sel $0x180000  }
0xad: {  	[bflag:$0x0] =	sbarrier.arrive $0xFFFF  }
0xae: {  	_ =	strace $0x9000004A  }
0xaf: {  	s0 =	stileid.u32;
	[bflag:$0x2] =	sbarrier.arrive $0xFFFF  }
0xb0: {  	p0 =	sne.s32 s0, $0x0;
	s0 =	rddreg [dreg:$0x2]  }
0xb1: {  	s0 =	sadd.s32 @!p0 $0x100000, s0  }
0xb2: {  	[sflag:s0] =	ssyncadd.tile.s32 @!p0 $0x1;
	_ =	shalt  }
.Lfunc_end2:
_tile_overlayer_lowered:
.L_overlay_start_2:
0xb3: {  	(tag) =	ssettag $0x2  }
0xb4: {  	s0 =	rddreg [dreg:$0x0];
	s2 =	stileid.u32  }
0xb5: {  	s1 =	rddreg [dreg:$0x1];
	p0 =	sne.s32 s2, $0x0  }
0xb6: {  	s3 =	rddreg [dreg:$0x2];
	[bflag:$0x3] =	sbarrier.arrive $0xFFFF;
	s2 =	simm.s32 @!p0 $0x1C0B  }
0xb7: {  	[timem:s3], [sflag:s2] =	dma.local @!p0 [hbm:s0], s1  }
0xb8: {  	s0 =	simm.s32 @!p0 $0xB  }
0xb9: {  	_ =	swait.ge @!p0 [sflag:s0], s1  }
0xba: {  	s1 =	ssub.s32 @!p0 $0x0, s1;
	[sflag:s0] =	ssyncset.done @!p0 $0x0  }
0xbb: {  	[sflag:s0] =	ssyncadd.s32 @!p0 s1  }
0xbc: {  	[bflag:$0x3] =	sbarrier.arrive $0xFFFF  }
0xbd: {  	_ =	shalt  }

// kernel: kernel.14.cloned.1.call-start
scs
__scs_entry_jumppad:
0x0: {  	(pc) =	sbr.rel $0x88, $3  }
0x1: {  	(tag) =	ssettag $0x0;
	lr =	simm.s32 $0x1  }
0x2: {  	[smem:$0x3F9B] =	sst lr;
	_ =	strace $0xD0000000  }
0x3: {  	_ = 	snop  }
0x4: {  	_ = 	snop  }
0x5: {  	_ = 	snop  }
0x6: {  	_ = 	snop  }
0x7: {  	_ = 	snop  }
__scs_overlays_trampoline_lowered:
0x8: {  	[smem:$0x3FAA] =	sst s0  }
0x9: {  	[smem:$0x3FAB] =	sst s1  }
0xa: {  	[smem:$0x3FAC] =	sst s2  }
0xb: {  	[smem:$0x3FAD] =	sst s3  }
0xc: {  	[smem:$0x3FAE] =	sst s4  }
0xd: {  	[smem:$0x3FAF] =	sst s5  }
0xe: {  	[smem:$0x3FB0] =	sst s6  }
0xf: {  	[smem:$0x3FB1] =	sst s7  }
0x10: {  	[smem:$0x3FB2] =	sst s8  }
0x11: {  	[smem:$0x3FB3] =	sst s9;
	s0 =	simm.s32 @!p0 $0x0  }
0x12: {  	s1 =	sld [smem:$0x3F99];
	s0 =	simm.s32 @p0 $0x1  }
0x13: {  	[smem:$0x3FB4] =	sst s0;
	s0 =	simm.s32 @!p1 $0x0  }
0x14: {  	s2 =	sld [smem:$0x3F98];
	s0 =	simm.s32 @p1 $0x1  }
0x15: {  	[smem:$0x3FB5] =	sst s0;
	s0 =	simm.s32 @!p2 $0x0  }
0x16: {  	s3 =	sld [smem:$0x3FDB];
	s0 =	simm.s32 @p2 $0x1  }
0x17: {  	s4 =	simm.s32 $0x1BF5;
	[smem:$0x3FB7] =	sst s0  }
0x18: {  	s0 =	sld [smem:$0x3F9A];
	_ =	swait.ge [sflag:s4], $0x0  }
0x19: {  	s7 =	sld [smem:$0x3F9B]  }
0x1a: {  	s8 =	sadd.s32 $0xFFFFE003, lr  }
0x1b: {  	s9 =	sadd.s32 $0xFFFFFEF7, lr;
	s5 =	simm.s32 $0xFFFFFFFF;
	p2 =	slt.u32 s8, $0xFFFFF086  }
0x1c: {  	p1 =	slt.u32 s9, $0xF7A;
	s5 =	simm.s32 @!p2 $0x0  }
0x1d: {  	s5 =	simm.s32 @p1 $0x1;
	p0 =	seq.s32 s7, s2  }
0x1e: {  	s7 =	smul.u32 @!p0 $0xF7A, s2;
	p2 =	seq.s32 @!p0 s5, $0x0  }
0x1f: {  	s9 =	smul.u32 $0xF7A, s1;
	s8 =	simm.s32 @!p0 $0x1BF5;
	p2 =	por !p2, p0  }
0x20: {  	[sflag:s8] =	ssyncset.s32 @!p0 $0xFFFFF086;
	s6 =	sadd.s32 @!p0 s3, s7;
	s7 =	simm.s32 @!p0 $0x108  }
0x21: {  	s3 =	sadd.s32 s3, s9;
	s6 =	sadd.s32 @!p0 $0x88, s6;
	s7 =	simm.s32 @p2 $0x1082  }
0x22: {  	[simem:s7], [sflag:s8] =	dma.local @!p0 [hbm:s6], $0xF7A  }
0x23: {  	s9 =	sor.u32 $0xD0000000, s2;
	s6 =	simm.s32 $0x108;
	_ =	swait.ge @!p0 [sflag:s8], $0x0  }
0x24: {  	s3 =	sadd.s32 $0x88, s3;
	s6 =	simm.s32 @!p1 $0x1082;
	[sflag:s4] =	ssyncset.s32 $0xFFFFF086  }
0x25: {  	[simem:s6], [sflag:s4] =	dma.local [hbm:s3], $0xF7A  }
0x26: {  	[smem:$0x3F9B] =	sst s1;
	(tag) =	ssettag s2;
	_ =	strace s9  }
0x27: {  	s1 =	sld [smem:$0x3FAB]  }
0x28: {  	s2 =	sld [smem:$0x3FAC]  }
0x29: {  	s4 =	sld [smem:$0x3FAE]  }
0x2a: {  	p0 =	seq.s32 s5, $0x0;
	s5 =	sld [smem:$0x3FAF]  }
0x2b: {  	s6 =	sld [smem:$0x3FB0]  }
0x2c: {  	s7 =	sld [smem:$0x3FB1]  }
0x2d: {  	s3 =	simm.s32 $0x108;
	s8 =	sld [smem:$0x3FB2]  }
0x2e: {  	s3 =	simm.s32 @!p0 $0x1082;
	s9 =	sld [smem:$0x3FB3]  }
0x2f: {  	lr =	sadd.s32 s0, s3;
	s0 =	sld [smem:$0x3FAA]  }
0x30: {  	s3 =	sld [smem:$0x3FAD]  }
0x31: {  	[smem:$0x3FB6] =	sst s10  }
0x32: {  	s10 =	sld [smem:$0x3FB4];
	_ =	sdelay $0x3  }
0x33: {  	p0 =	seq.s32 s10, $0x1;
	s10 =	sld [smem:$0x3FB6];
	_ =	sdelay $0x3  }
0x34: {  	[smem:$0x3FB6] =	sst s10  }
0x35: {  	s10 =	sld [smem:$0x3FB5];
	_ =	sdelay $0x3  }
0x36: {  	p1 =	seq.s32 s10, $0x1;
	s10 =	sld [smem:$0x3FB6];
	_ =	sdelay $0x3  }
0x37: {  	[smem:$0x3FB6] =	sst s10  }
0x38: {  	s10 =	sld [smem:$0x3FB7]  }
0x39: {  	_ = 	snop;
	(pc) =	sbr.ind lr, $3  }
0x3a: {  	_ = 	snop  }
0x3b: {  	_ = 	snop  }
0x3c: {  	p2 =	seq.s32 s10, $0x1;
	s10 =	sld [smem:$0x3FB6]  }
0x3d: {  	_ =	shalt  }
0x3e: {  	_ =	shalt  }
0x3f: {  	_ =	shalt  }
0x40: {  	_ =	shalt  }
0x41: {  	_ =	shalt  }
0x42: {  	_ =	shalt  }
0x43: {  	_ =	shalt  }
0x44: {  	_ =	shalt  }
0x45: {  	_ =	shalt  }
0x46: {  	_ =	shalt  }
0x47: {  	_ =	shalt  }
0x48: {  	_ =	shalt  }
0x49: {  	_ =	shalt  }
0x4a: {  	_ =	shalt  }
0x4b: {  	_ =	shalt  }
0x4c: {  	_ =	shalt  }
0x4d: {  	_ =	shalt  }
0x4e: {  	_ =	shalt  }
0x4f: {  	_ =	shalt  }
0x50: {  	_ =	shalt  }
0x51: {  	_ =	shalt  }
0x52: {  	_ =	shalt  }
0x53: {  	_ =	shalt  }
0x54: {  	_ =	shalt  }
0x55: {  	_ =	shalt  }
0x56: {  	_ =	shalt  }
0x57: {  	_ =	shalt  }
0x58: {  	_ =	shalt  }
0x59: {  	_ =	shalt  }
0x5a: {  	_ =	shalt  }
0x5b: {  	_ =	shalt  }
0x5c: {  	_ =	shalt  }
0x5d: {  	_ =	shalt  }
0x5e: {  	_ =	shalt  }
0x5f: {  	_ =	shalt  }
0x60: {  	_ =	shalt  }
0x61: {  	_ =	shalt  }
0x62: {  	_ =	shalt  }
0x63: {  	_ =	shalt  }
0x64: {  	_ =	shalt  }
0x65: {  	_ =	shalt  }
0x66: {  	_ =	shalt  }
0x67: {  	_ =	shalt  }
0x68: {  	_ =	shalt  }
0x69: {  	_ =	shalt  }
0x6a: {  	_ =	shalt  }
0x6b: {  	_ =	shalt  }
0x6c: {  	_ =	shalt  }
0x6d: {  	_ =	shalt  }
0x6e: {  	_ =	shalt  }
0x6f: {  	_ =	shalt  }
0x70: {  	_ =	shalt  }
0x71: {  	_ =	shalt  }
0x72: {  	_ =	shalt  }
0x73: {  	_ =	shalt  }
0x74: {  	_ =	shalt  }
0x75: {  	_ =	shalt  }
0x76: {  	_ =	shalt  }
0x77: {  	_ =	shalt  }
0x78: {  	_ =	shalt  }
0x79: {  	_ =	shalt  }
0x7a: {  	_ =	shalt  }
0x7b: {  	_ =	shalt  }
0x7c: {  	_ =	shalt  }
0x7d: {  	_ =	shalt  }
0x7e: {  	_ =	shalt  }
0x7f: {  	_ =	shalt  }
0x80: {  	_ =	shalt  }
0x81: {  	_ =	shalt  }
0x82: {  	_ =	shalt  }
0x83: {  	_ =	shalt  }
0x84: {  	_ =	shalt  }
0x85: {  	_ =	shalt  }
0x86: {  	_ =	shalt  }
0x87: {  	_ =	shalt  }
.Lfunc_end0:
.L_simem_size_0:
called_computation.2_lowered:
.L_overlay_start_0:
0x88: {  	s2 =	sld [smem:$0x3FD9]  }
0x89: {  	s3 =	sld [smem:$0x3FFE];
	_ =	sdelay $0x1  }
0x8a: {  	s1 =	srdreg.scid  }
0x8b: {  	s0 =	sand.u32 $0x1, s1  }
0x8c: {  	s16 =	sshll.u32 s0, $0xA;
	s2 =	sadd.s32 s3, s2  }
0x8d: {  	s2 =	sadd.s32 s2, s16  }
0x8e: {  	[smem:$0x3FC2] =	sst s2  }
0x8f: {  	_ = 	snop  }
0x90: {  	(tm) =	ssettm $0x1  }
0x91: {  	s17 =	sld [smem:$0x3FFB];
	_ =	sdelay $0x3  }
0x92: {  	_ =	strace s17  }
0x93: {  	s2 =	sld [smem:$0x3FFC];
	_ =	sdelay $0x3  }
0x94: {  	_ =	strace s2  }
0x95: {  	s2 =	sld [smem:$0x3FFD];
	_ =	sdelay $0x3  }
0x96: {  	_ =	strace s2  }
0x97: {  	_ =	strace $0x8FFFFFFF  }
0x98: {  	s18 =	sld [smem:$0x3FDB];
	_ =	sdelay $0x1  }
0x99: {  	s19 =	simm.s32 $_scs_section_size  }
0x9a: {  	s4 =	simm.s32 $_size__tile_overlayer_lowered;
	s5 =	simm.s32 $_tile_overlayer_lowered  }
0x9b: {  	s22 =	simm.s32 $0x1BFF;
	s21 =	sshll.u32 s5, $0x1;
	s2 =	sadd.s32 s19, s18  }
0x9c: {  	s6 =	simm.s32 $0x0;
	s20 =	sshll.u32 s4, $0x1;
	s4 =	sadd.s32 s21, s2  }
0x9d: {  	[timem:s6], [sflag:s22] =	dma.local [hbm:s4], s20  }
0x9e: {  	_ =	swait.ge [sflag:s22], s20  }
0x9f: {  	s3 =	ssub.s32 $0x0, s20;
	[sflag:s22] =	ssyncset.done $0x0  }
0xa0: {  	[sflag:s22] =	ssyncadd.s32 s3;
	_ =	sdelay $0x1  }
0xa1: {  	s23 =	simm.s32 $0x1B8B  }
0xa2: {  	_ =	swait.ge [sflag:s23], $0x1  }
0xa3: {  	[sflag:s23] =	ssyncset.done $0x0  }
0xa4: {  	s25 =	simm.s32 $0x1B8E;
	s24 =	sld [smem:$0x3FFE];
	[sflag:s23] =	ssyncadd.s32 $0xFFFFFFFF  }
0xa5: {  	s26 =	simm.s32 $execute0_lowered;
	[smem:$0x3FD2] =	sst s25  }
0xa6: {  	s4 =	sshll.u32 s26, $0x1;
	_ =	strace $0x8000004C;
	[dreg:$0x1] =	wrdreg $0xFFFFFFFF  }
0xa7: {  	s28 =	simm.s32 $_size_execute0_lowered;
	s2 =	sadd.s32 s2, s4;
	[dreg:$0x0] =	wrdreg $0x0  }
0xa8: {  	s4 =	sshll.u32 s28, $0x1;
	[dreg:$0x2] =	wrdreg s2  }
0xa9: {  	[dreg:$0x3] =	wrdreg s4  }
0xaa: {  	[dreg:$0x4] =	wrdreg $0xC0  }
0xab: {  	_ =	task [dreg:s6], $0x5FFFF  }
0xac: {  	[dreg:$0x1] =	wrdreg $0xFFFFFFFF  }
0xad: {  	[dreg:$0x0] =	wrdreg $0x60  }
0xae: {  	[dreg:$0x2] =	wrdreg s24  }
0xaf: {  	[dreg:$0x3] =	wrdreg $0xE1200  }
0xb0: {  	[dreg:$0x4] =	wrdreg $0x9  }
0xb1: {  	_ =	task.clear_ibuf [dreg:s6], $0x5FFFF;
	_ =	strace $0x9000004C  }
0xb2: {  	s29 =	simm.s32 $0x9;
	_ =	strace $0x8000004E  }
0xb3: {  	_ =	swait.ge [sflag:s29], $0x1  }
0xb4: {  	[sflag:s29] =	ssyncadd.s32 $0xFFFFFFFF  }
0xb5: {  	_ =	strace $0x9000004E  }
0xb6: {  	_ =	sfence  }
0xb7: {  	s30 =	sld [smem:$0x0];
	_ =	sdelay $0x2  }
0xb8: {  	s31 =	sshll.u32 s1, $0xD;
	s1 =	sshrl.u32 s1, $0x2  }
0xb9: {  	s3 =	sand.u32 $0x4000, s31;
	s1 =	sadd.s32 s1, s30  }
0xba: {  	s0 =	sor.u32 s3, s0;
	s1 =	sshll.u32 s1, $0x11  }
0xbb: {  	s0 =	sor.u32 s1, s0  }
0xbc: {  	s0 =	sadd.s32 $0x8F2B, s0  }
0xbd: {  	[sflag:s0] =	ssyncadd.remote.s32 $0x1  }
0xbe: {  	_ =	sfence.sel $0xFFFF  }
0xbf: {  	[dreg:$0x0] =	wrdreg $0xFFFFFFFF;
	(pc) =	sbr.abs _section_cstart, $3  }
0xc0: {  	[dreg:$0x1] =	wrdreg $0xFFFFFFFF  }
0xc1: {  	_ =	task.clear_ibuf [dreg:s6], $0x2FFFF;
	_ =	strace $0x9FFFFFFF  }
0xc2: {  	(tm) =	ssettm $0x7FFFFFFF  }
0xc3: {  	_ =	shalt  }
tec
execute0_lowered:
.L_overlay_start_1:
0x0: {  	(tag) =	ssettag $0x1  }
0x1: {  	s0 =	srdreg.scid;
	s5 =	rddreg [dreg:$0x0]  }
0x2: {  	s10 =	stileid.u32;
	s2 =	rddreg [dreg:$0x1]  }
0x3: {  	s3 =	simm.s32 $0x0;
	s15 =	simm.s32 $0xB;
	s28 =	simm.s32 $0x7E20  }
0x4: {  	s29 =	simm.s32 $0x2;
	s30 =	simm.s32 $0xA;
	s31 =	simm.s32 $0xAE20  }
0x5: {  	s16 =	simm.s32 $0x9620;
	s11 =	simm.s32 $0x7;
	s12 =	simm.s32 $0x5  }
0x6: {  	s13 =	simm.s32 $0xC920;
	s14 =	simm.s32 $0x0;
	s0 =	sand.u32 $0x1, s0  }
0x7: {  	s1 =	sshll.u32 s10, $0x1;
	s7 =	smul.u32 $0x7800, s10;
	[smem:$0x7FF] =	sst s3  }
0x8: {  	s4 =	sadd.s32 $0x15800, s5;
	s18 =	smul.u32 $0x1E000, s10;
	s26 =	sshll.u32 s10, $0x6  }
0x9: {  	s1 =	sor.u32 s0, s1;
	s6 =	smul.u32 $0x78000, s0;
	_ =	strace $0x8000004D  }
0xa: {  	s8 =	ssub.s32 $0x2, s0;
	p0 =	sne.s32 s0, $0x0;
	s1 =	smul.u32 $0x2710, s1  }
0xb: {  	s17 =	sor.u32 $0x1C0B, s26;
	s0 =	simm.s32 $0x6;
	s9 =	sshrl.u32 s8, $0x1  }
0xc: {  	s20 =	sshrl.u32 s7, $0x3;
	s9 =	ssub.s32 s8, s9;
	s1 =	sshrl.u32 s1, $0x3  }
0xd: {  	s6 =	sadd.s32 s7, s6;
	s22 =	smax.u32 s9, $0x1;
	s1 =	sadd.s32 s1, s5  }
0xe: {  	s6 =	sshrl.u32 s6, $0x3;
	[dreg:$0x7] =	wrdreg s22;
	s19 =	sadd.s32 $0x1E00, s1  }
0xf: {  	s5 =	sadd.s32 s6, s5;
	s1 =	sadd.s32 $0xBA40, s1;
	[dreg:$0x3] =	wrdreg s19  }
0x10: {  	s21 =	sshrl.u32 s18, $0x2;
	s5 =	sadd.s32 $0x24800, s5;
	[dreg:$0x4] =	wrdreg s1  }
0x11: {  	s7 =	sadd.s32 s7, s2;
	s1 =	sadd.s32 s4, s20;
	[dreg:$0x6] =	wrdreg s5  }
0x12: {  	s18 =	sshrl.u32 s7, $0x3;
	[dreg:$0x5] =	wrdreg s1;
	s1 =	sadd.s32 s21, s2  }
0x13: {  	s7 =	simm.s32 $0x4;
	s23 =	sadd.s32 $0x1800, s1;
	[dreg:$0x8] =	wrdreg s1  }
.Ltmp0:
0x14: {  	s24 =	sadd.s32 $0x3000, s1;
	[dreg:$0x9] =	wrdreg s23;
	(pc) =	sbr.rel .LBB2_1-.Ltmp0, $4  }
0x15: {  	s22 =	simm.s32 $0x10;
	s25 =	sadd.s32 $0x4800, s1;
	[dreg:$0xa] =	wrdreg s24  }
0x16: {  	s19 =	simm.s32 $0x80;
	s1 =	sadd.s32 $0x6000, s1;
	[dreg:$0xb] =	wrdreg s25  }
0x17: {  	s20 =	simm.s32 $0x4E20;
	s21 =	simm.s32 $0x6620;
	[dreg:$0xc] =	wrdreg s1  }
0x18: {  	v0 =	vimm.f32 $0.0e+00;
	s24 =	simm.s32 $0xC620;
	s25 =	simm.s32 $0x1;
	s1 =	simm.s32 $0x3  }
.LBB2_14:
0x19: {  	s5 =	simm.s32 $0x2700  }
0x1a: {  	[tilespmem:s24], [sflag:$0x1] =	stream.indirect.gather [hbm4b:s4+s22], $0x30, s5, s22, $0xb8;
	[tilespmem:$0x15920] =	vst v63  }
0x1b: {  	_ =	swait.ge [sflag:s25], $0x300  }
0x1c: {  	[sflag:s25] =	ssyncset.done $0x0  }
0x1d: {  	s10 =	simm.s32 $0x4E10;
	[sflag:s25] =	ssyncadd.s32 $0xFFFFFD00  }
0x1e: {  	[spmem:s2] =	stream.indirect.scatter.add.f32 [tilespmem:s24], [sflag:$0xB], $0x30, s10, s22, $0xb8;
	[tilespmem:$0x15920] =	vst v63  }
0x1f: {  	_ =	swait.ge [sflag:s15], $0x300  }
0x20: {  	[sflag:s15] =	ssyncset.done $0x0  }
0x21: {  	[sflag:s15] =	ssyncadd.s32 $0xFFFFFD00  }
0x22: {  	[bflag:$0x0] =	sbarrier.arrive $0xFFFF  }
0x23: {  	s23 =	rddreg [dreg:$0x6]  }
0x24: {  	[hbm:s23], [sflag:s17] =	dma.local [spmem:s18], $0xF00  }
0x25: {  	_ =	swait.ge [sflag:s15], $0xF00  }
0x26: {  	s14 =	sadd.s32 $0x1, s14;
	s26 =	rddreg [dreg:$0x7]  }
0x27: {  	p1 =	sne.s32 s14, s26  }
.Ltmp1:
0x28: {  	_ = 	snop;
	(pc) =	sbr.rel @!p1 .LBB2_15-.Ltmp1, $3  }
0x29: {  	_ =	sdelay $0x1  }
0x2a: {  	[sflag:s15] =	ssyncset.done $0x0  }
0x2b: {  	[sflag:s15] =	ssyncadd.s32 $0xFFFFF100  }
.LBB2_1:
0x2c: {  	s5 =	rddreg [dreg:$0x3]  }
0x2d: {  	[tilespmem:s3], [sflag:$0xB] =	stream.linear.gather [hbm4b:s5+s3], $0x2710, $0x38;
	[tilespmem:$0x15920] =	vst v63  }
0x2e: {  	_ =	swait.ge [sflag:s15], $0x2710  }
0x2f: {  	s6 =	simm.s32 $0x2710;
	[sflag:s15] =	ssyncset.done $0x0  }
.Ltmp2:
0x30: {  	s26 =	rddreg [dreg:$0x4];
	[sflag:s15] =	ssyncadd.s32 $0xFFFFD8F0;
	(pc) =	sbr.rel @p0 .LBB2_3-.Ltmp2, $4  }
0x31: {  	[tilespmem:s6], [sflag:$0xB] =	stream.linear.gather [hbm4b:s26+s3], $0x2710, $0x38;
	[tilespmem:$0x15920] =	vst v63  }
0x32: {  	_ =	swait.ge [sflag:s15], $0x2710  }
0x33: {  	[sflag:s15] =	ssyncset.done $0x0  }
0x34: {  	[sflag:s15] =	ssyncadd.s32 $0xFFFFD8F0  }
.Ltmp3:
0x35: {  	s5 =	rddreg [dreg:$0x5];
	(pc) =	sbr.rel .LBB2_6-.Ltmp3, $4  }
0x36: {  	[spmem:s18], [sflag:s17] =	dma.local [hbm:s5], $0xF00  }
0x37: {  	_ =	swait.ge [sflag:s15], $0xF00  }
0x38: {  	[sflag:s15] =	ssyncset.done $0x0  }
0x39: {  	[sflag:s15] =	ssyncadd.s32 $0xFFFFF100  }
.LBB2_3:
0x3a: {  	s5 =	smul.u32 $0xAAAB, s3;
	_ =	sdelay $0x1  }
0x3b: {  	s10 =	sshrl.u32 s5, $0x11  }
0x3c: {  	s23 =	simm.s32 $0x0;
	s5 =	simm.s32 $0x1;
	s26 =	smul.u32 $0x3, s10  }
.LBB2_4:
0x3d: {  	s6 =	smul.u32 $0xAAAB, s5  }
0x3e: {  	s8 =	smov.u32 s5;
	s10 =	smul.u32 $0xC0, s10;
	p1 =	sne.s32 s5, $0x17F  }
.Ltmp4:
0x3f: {  	s23 =	ssub.s32 s23, s26;
	(pc) =	sbr.rel @p1 .LBB2_4-.Ltmp4, $4  }
0x40: {  	s5 =	sadd.s32 $0x1, s5;
	s23 =	sand.u32 $0xFFFF, s23  }
0x41: {  	s26 =	sshrl.u32 s10, $0x2;
	s9 =	sshll.u32 s23, $0x4;
	s23 =	smov.u32 s8  }
0x42: {  	s10 =	sshrl.u32 s6, $0x11;
	s6 =	sadd.s32 s9, s26  }
0x43: {  	s26 =	smul.u32 $0x3, s10;
	[tilespmem:s6+$0xC920] =	vst v0  }
0x44: {  	_ = 	snop  }
0x45: {  	s6 =	smul.u32 $0xC0, s10;
	s5 =	ssub.s32 s23, s26  }
0x46: {  	s5 =	sand.u32 $0xFFFF, s5  }
0x47: {  	s6 =	sshrl.u32 s6, $0x2;
	s5 =	sshll.u32 s5, $0x4  }
0x48: {  	s5 =	sadd.s32 s5, s6  }
0x49: {  	s8 =	rddreg [dreg:$0x8];
	[tilespmem:s5+$0xC920] =	vst v0  }
0x4a: {  	[spmem:s8] =	stream.linear.scatter [tilespmem:s13], [sflag:$0xB], $0x1800, $0x38;
	[tilespmem:$0x15920] =	vst v63  }
0x4b: {  	_ =	swait.ge [sflag:s15], $0x1800  }
0x4c: {  	[sflag:s15] =	ssyncset.done $0x0  }
0x4d: {  	s9 =	rddreg [dreg:$0x9];
	[sflag:s15] =	ssyncadd.s32 $0xFFFFE800  }
0x4e: {  	[spmem:s9] =	stream.linear.scatter [tilespmem:s13], [sflag:$0xB], $0x1800, $0x38;
	[tilespmem:$0x15920] =	vst v63  }
0x4f: {  	_ =	swait.ge [sflag:s15], $0x1800  }
0x50: {  	[sflag:s15] =	ssyncset.done $0x0  }
0x51: {  	s10 =	rddreg [dreg:$0xa];
	[sflag:s15] =	ssyncadd.s32 $0xFFFFE800  }
0x52: {  	[spmem:s10] =	stream.linear.scatter [tilespmem:s13], [sflag:$0xB], $0x1800, $0x38;
	[tilespmem:$0x15920] =	vst v63  }
0x53: {  	_ =	swait.ge [sflag:s15], $0x1800  }
0x54: {  	[sflag:s15] =	ssyncset.done $0x0  }
0x55: {  	s23 =	rddreg [dreg:$0xb];
	[sflag:s15] =	ssyncadd.s32 $0xFFFFE800  }
0x56: {  	[spmem:s23] =	stream.linear.scatter [tilespmem:s13], [sflag:$0xB], $0x1800, $0x38;
	[tilespmem:$0x15920] =	vst v63  }
0x57: {  	_ =	swait.ge [sflag:s15], $0x1800  }
0x58: {  	[sflag:s15] =	ssyncset.done $0x0  }
0x59: {  	s26 =	rddreg [dreg:$0xc];
	[sflag:s15] =	ssyncadd.s32 $0xFFFFE800  }
0x5a: {  	[spmem:s26] =	stream.linear.scatter [tilespmem:s13], [sflag:$0xB], $0x1800, $0x38;
	[tilespmem:$0x15920] =	vst v63  }
0x5b: {  	_ =	swait.ge [sflag:s15], $0x1800  }
0x5c: {  	[sflag:s15] =	ssyncset.done $0x0  }
0x5d: {  	[sflag:s15] =	ssyncadd.s32 $0xFFFFE800  }
.LBB2_6:
0x5e: {  	s23 =	simm.s32 $0x0  }
0x5f: {  	[tilespmem:s20], [sflag:$0x1] =	stream.indirect.gather [hbm4b:s4+s19], $0x30, s23, s19, $0xb8;
	[tilespmem:$0x15920] =	vst v63  }
.Ltmp5:
0x60: {  	_ = 	snop;
	(pc) =	sbr.rel .LBB2_7-.Ltmp5, $4  }
0x61: {  	_ = 	snop  }
0x62: {  	[tilespmem:s21], [sflag:$0x2] =	stream.indirect.gather [hbm4b:s4+s19], $0x30, s19, s19, $0xb8;
	[tilespmem:$0x15920] =	vst v63  }
0x63: {  	[bflag:$0x0] =	sbarrier.arrive $0xFFFF  }
0x64: {  	s26 =	simm.s32 $0xFFFFFFFD;
	s10 =	simm.s32 $0x0  }
.LBB2_12:
0x65: {  	s6 =	sadd.s32 $0x200, s5  }
0x66: {  	[tilespmem:s31], [sflag:$0x5] =	stream.indirect.gather [hbm4b:s4+s19], $0x30, s6, s19, $0xb8;
	[tilespmem:$0x15920] =	vst v63  }
0x67: {  	_ =	swait.ge [sflag:s1], $0x1800  }
0x68: {  	[sflag:s1] =	ssyncset.done $0x0  }
0x69: {  	s9 =	sadd.s32 $0x2810, s5;
	[sflag:s1] =	ssyncadd.s32 $0xFFFFE800  }
0x6a: {  	[spmem:s2] =	stream.indirect.scatter.add.f32 [tilespmem:s28], [sflag:$0x8], $0x30, s9, s19, $0xb8;
	[tilespmem:$0x15920] =	vst v63  }
0x6b: {  	_ =	swait.ge [sflag:s0], $0x1800  }
0x6c: {  	[sflag:s0] =	ssyncset.done $0x0  }
0x6d: {  	s8 =	sadd.s32 $0x280, s5;
	[sflag:s0] =	ssyncadd.s32 $0xFFFFE800  }
0x6e: {  	[tilespmem:s20], [sflag:$0x1] =	stream.indirect.gather [hbm4b:s4+s19], $0x30, s8, s19, $0xb8;
	[tilespmem:$0x15920] =	vst v63  }
0x6f: {  	_ =	swait.ge [sflag:s7], $0x1800  }
0x70: {  	[sflag:s7] =	ssyncset.done $0x0  }
0x71: {  	s9 =	sadd.s32 $0x2890, s5;
	[sflag:s7] =	ssyncadd.s32 $0xFFFFE800  }
0x72: {  	[spmem:s2] =	stream.indirect.scatter.add.f32 [tilespmem:s16], [sflag:$0x9], $0x30, s9, s19, $0xb8;
	[tilespmem:$0x15920] =	vst v63  }
0x73: {  	_ =	swait.ge [sflag:s11], $0x1800  }
0x74: {  	[sflag:s11] =	ssyncset.done $0x0  }
0x75: {  	s8 =	sadd.s32 $0x300, s5;
	[sflag:s11] =	ssyncadd.s32 $0xFFFFE800  }
0x76: {  	[tilespmem:s21], [sflag:$0x2] =	stream.indirect.gather [hbm4b:s4+s19], $0x30, s8, s19, $0xb8;
	[tilespmem:$0x15920] =	vst v63  }
0x77: {  	_ =	swait.ge [sflag:s12], $0x1800  }
0x78: {  	[sflag:s12] =	ssyncset.done $0x0  }
0x79: {  	s9 =	sadd.s32 $0x2910, s5;
	[sflag:s12] =	ssyncadd.s32 $0xFFFFE800  }
0x7a: {  	[spmem:s2] =	stream.indirect.scatter.add.f32 [tilespmem:s31], [sflag:$0xA], $0x30, s9, s19, $0xb8;
	[tilespmem:$0x15920] =	vst v63  }
.LBB2_13:
0x7b: {  	s23 =	sadd.s32 $0xA00, s23  }
0x7c: {  	p1 =	sne.s32 s23, $0xAA00  }
.Ltmp6:
0x7d: {  	_ = 	snop;
	(pc) =	sbr.rel @!p1 .LBB2_14-.Ltmp6, $2  }
0x7e: {  	_ =	sdelay $0x2  }
0x7f: {  	s10 =	sadd.s32 $0x1, s10;
	s26 =	sadd.s32 $0x5, s26  }
.LBB2_7:
0x80: {  	p2 =	seq.s32 s23, $0xA000  }
.Ltmp7:
0x81: {  	p1 =	sgt.u32 s26, $0x4D;
	(pc) =	sbr.rel @p2 .LBB2_14-.Ltmp7, $4  }
0x82: {  	s5 =	simm.s32 @!p1 $0x8  }
0x83: {  	_ =	swait.ge @!p1 [sflag:s5], $0x1800  }
0x84: {  	[sflag:s5] =	ssyncset.done @!p1 $0x0  }
0x85: {  	[sflag:s5] =	ssyncadd.s32 @!p1 $0xFFFFE800  }
0x86: {  	s5 =	sshra.s32 s23, $0x2  }
0x87: {  	s6 =	sadd.s32 $0x100, s5  }
0x88: {  	[tilespmem:s28], [sflag:$0x3] =	stream.indirect.gather [hbm4b:s4+s19], $0x30, s6, s19, $0xb8;
	[tilespmem:$0x15920] =	vst v63  }
0x89: {  	s9 =	sadd.s32 $0x1, s26;
	_ =	swait.ge [sflag:s25], $0x1800  }
0x8a: {  	p2 =	sgt.u32 s9, $0x4D;
	[sflag:s25] =	ssyncset.done $0x0  }
0x8b: {  	s8 =	sadd.s32 $0x2710, s5;
	s6 =	simm.s32 @!p2 $0x9;
	[sflag:s25] =	ssyncadd.s32 $0xFFFFE800  }
0x8c: {  	[spmem:s2] =	stream.indirect.scatter.add.f32 [tilespmem:s20], [sflag:$0x6], $0x30, s8, s19, $0xb8;
	[tilespmem:$0x15920] =	vst v63  }
0x8d: {  	_ =	swait.ge @!p2 [sflag:s6], $0x1800  }
0x8e: {  	p1 =	sgt.u32 s10, $0xE;
	[sflag:s6] =	ssyncset.done @!p2 $0x0  }
0x8f: {  	[sflag:s6] =	ssyncadd.s32 @!p2 $0xFFFFE800;
	s6 =	sshra.s32 @!p1 s23, $0x2  }
0x90: {  	s9 =	simm.s32 @!p1 $0x9620;
	s8 =	simm.s32 @!p1 $0x80;
	s6 =	sadd.s32 @!p1 $0x180, s6  }
0x91: {  	[tilespmem:s9], [sflag:$0x4] =	stream.indirect.gather @!p1 [hbm4b:s4+s8], $0x30, s6, s8, $0xb8;
	[tilespmem:$0x15920] =	vst v63  }
0x92: {  	s9 =	sadd.s32 $0x2, s26  }
0x93: {  	p2 =	sgt.u32 s9, $0x4D  }
.Ltmp8:
0x94: {  	_ = 	snop;
	(pc) =	sbr.rel @p2 .LBB2_11-.Ltmp8, $4  }
0x95: {  	_ =	swait.ge [sflag:s29], $0x1800  }
0x96: {  	[sflag:s29] =	ssyncset.done $0x0  }
0x97: {  	s8 =	sadd.s32 $0x2790, s5;
	[sflag:s29] =	ssyncadd.s32 $0xFFFFE800  }
0x98: {  	[spmem:s2] =	stream.indirect.scatter.add.f32 [tilespmem:s21], [sflag:$0x7], $0x30, s8, s19, $0xb8;
	[tilespmem:$0x15920] =	vst v63  }
0x99: {  	p1 =	slt.u32 s10, $0xF  }
.Ltmp9:
0x9a: {  	_ = 	snop;
	(pc) =	sbr.rel @p1 .LBB2_12-.Ltmp9, $4  }
.Ltmp10:
0x9b: {  	_ = 	snop;
	(pc) =	sbr.rel @!p1 .LBB2_10-.Ltmp10, $4  }
0x9c: {  	_ =	swait.ge [sflag:s30], $0x1800  }
0x9d: {  	[sflag:s30] =	ssyncset.done $0x0  }
0x9e: {  	[sflag:s30] =	ssyncadd.s32 $0xFFFFE800  }
0x9f: {  	_ = 	snop  }
.LBB2_11:
.Ltmp11:
0xa0: {  	(pc) =	sbr.rel @!p1 .LBB2_12-.Ltmp11, $1  }
0xa1: {  	_ =	sdelay $0x3  }
.LBB2_10:
0xa2: {  	_ =	swait.ge [sflag:s1], $0x1800  }
0xa3: {  	[sflag:s1] =	ssyncset.done $0x0  }
0xa4: {  	s5 =	sadd.s32 $0x2810, s5;
	[sflag:s1] =	ssyncadd.s32 $0xFFFFE800  }
0xa5: {  	[spmem:s2] =	stream.indirect.scatter.add.f32 [tilespmem:s28], [sflag:$0x8], $0x30, s5, s19, $0xb8;
	[tilespmem:$0x15920] =	vst v63  }
0xa6: {  	_ =	swait.ge [sflag:s0], $0x1800  }
.Ltmp12:
0xa7: {  	[sflag:s0] =	ssyncset.done $0x0;
	(pc) =	sbr.rel .LBB2_13-.Ltmp12, $4  }
0xa8: {  	[sflag:s0] =	ssyncadd.s32 $0xFFFFE800  }
0xa9: {  	_ =	swait.ge [sflag:s11], $0x1800  }
0xaa: {  	[sflag:s11] =	ssyncset.done $0x0  }
0xab: {  	[sflag:s11] =	ssyncadd.s32 $0xFFFFE800  }
.LBB2_15:
0xac: {  	_ =	sfence.sel $0x180000  }
0xad: {  	[bflag:$0x0] =	sbarrier.arrive $0xFFFF  }
0xae: {  	_ =	strace $0x9000004D  }
0xaf: {  	s0 =	stileid.u32;
	[bflag:$0x2] =	sbarrier.arrive $0xFFFF  }
0xb0: {  	p0 =	sne.s32 s0, $0x0;
	s0 =	rddreg [dreg:$0x2]  }
0xb1: {  	s0 =	sadd.s32 @!p0 $0x100000, s0  }
0xb2: {  	[sflag:s0] =	ssyncadd.tile.s32 @!p0 $0x1;
	_ =	shalt  }
.Lfunc_end2:
_tile_overlayer_lowered:
.L_overlay_start_2:
0xb3: {  	(tag) =	ssettag $0x2  }
0xb4: {  	s0 =	rddreg [dreg:$0x0];
	s2 =	stileid.u32  }
0xb5: {  	s1 =	rddreg [dreg:$0x1];
	p0 =	sne.s32 s2, $0x0  }
0xb6: {  	s3 =	rddreg [dreg:$0x2];
	[bflag:$0x3] =	sbarrier.arrive $0xFFFF;
	s2 =	simm.s32 @!p0 $0x1C0B  }
0xb7: {  	[timem:s3], [sflag:s2] =	dma.local @!p0 [hbm:s0], s1  }
0xb8: {  	s0 =	simm.s32 @!p0 $0xB  }
0xb9: {  	_ =	swait.ge @!p0 [sflag:s0], s1  }
0xba: {  	s1 =	ssub.s32 @!p0 $0x0, s1;
	[sflag:s0] =	ssyncset.done @!p0 $0x0  }
0xbb: {  	[sflag:s0] =	ssyncadd.s32 @!p0 s1  }
0xbc: {  	[bflag:$0x3] =	sbarrier.arrive $0xFFFF  }
0xbd: {  	_ =	shalt  }

// kernel: kernel.8.cloned.1.call-start
scs
__scs_entry_jumppad:
0x0: {  	(pc) =	sbr.rel $0x88, $3  }
0x1: {  	(tag) =	ssettag $0x0;
	lr =	simm.s32 $0x1  }
0x2: {  	[smem:$0x3F9B] =	sst lr;
	_ =	strace $0xD0000000  }
0x3: {  	_ = 	snop  }
0x4: {  	_ = 	snop  }
0x5: {  	_ = 	snop  }
0x6: {  	_ = 	snop  }
0x7: {  	_ = 	snop  }
__scs_overlays_trampoline_lowered:
0x8: {  	[smem:$0x3FAA] =	sst s0  }
0x9: {  	[smem:$0x3FAB] =	sst s1  }
0xa: {  	[smem:$0x3FAC] =	sst s2  }
0xb: {  	[smem:$0x3FAD] =	sst s3  }
0xc: {  	[smem:$0x3FAE] =	sst s4  }
0xd: {  	[smem:$0x3FAF] =	sst s5  }
0xe: {  	[smem:$0x3FB0] =	sst s6  }
0xf: {  	[smem:$0x3FB1] =	sst s7  }
0x10: {  	[smem:$0x3FB2] =	sst s8  }
0x11: {  	[smem:$0x3FB3] =	sst s9;
	s0 =	simm.s32 @!p0 $0x0  }
0x12: {  	s1 =	sld [smem:$0x3F99];
	s0 =	simm.s32 @p0 $0x1  }
0x13: {  	[smem:$0x3FB4] =	sst s0;
	s0 =	simm.s32 @!p1 $0x0  }
0x14: {  	s2 =	sld [smem:$0x3F98];
	s0 =	simm.s32 @p1 $0x1  }
0x15: {  	[smem:$0x3FB5] =	sst s0;
	s0 =	simm.s32 @!p2 $0x0  }
0x16: {  	s3 =	sld [smem:$0x3FDB];
	s0 =	simm.s32 @p2 $0x1  }
0x17: {  	s4 =	simm.s32 $0x1BF5;
	[smem:$0x3FB7] =	sst s0  }
0x18: {  	s0 =	sld [smem:$0x3F9A];
	_ =	swait.ge [sflag:s4], $0x0  }
0x19: {  	s7 =	sld [smem:$0x3F9B]  }
0x1a: {  	s8 =	sadd.s32 $0xFFFFE003, lr  }
0x1b: {  	s9 =	sadd.s32 $0xFFFFFEF7, lr;
	s5 =	simm.s32 $0xFFFFFFFF;
	p2 =	slt.u32 s8, $0xFFFFF086  }
0x1c: {  	p1 =	slt.u32 s9, $0xF7A;
	s5 =	simm.s32 @!p2 $0x0  }
0x1d: {  	s5 =	simm.s32 @p1 $0x1;
	p0 =	seq.s32 s7, s2  }
0x1e: {  	s7 =	smul.u32 @!p0 $0xF7A, s2;
	p2 =	seq.s32 @!p0 s5, $0x0  }
0x1f: {  	s9 =	smul.u32 $0xF7A, s1;
	s8 =	simm.s32 @!p0 $0x1BF5;
	p2 =	por !p2, p0  }
0x20: {  	[sflag:s8] =	ssyncset.s32 @!p0 $0xFFFFF086;
	s6 =	sadd.s32 @!p0 s3, s7;
	s7 =	simm.s32 @!p0 $0x108  }
0x21: {  	s3 =	sadd.s32 s3, s9;
	s6 =	sadd.s32 @!p0 $0x88, s6;
	s7 =	simm.s32 @p2 $0x1082  }
0x22: {  	[simem:s7], [sflag:s8] =	dma.local @!p0 [hbm:s6], $0xF7A  }
0x23: {  	s9 =	sor.u32 $0xD0000000, s2;
	s6 =	simm.s32 $0x108;
	_ =	swait.ge @!p0 [sflag:s8], $0x0  }
0x24: {  	s3 =	sadd.s32 $0x88, s3;
	s6 =	simm.s32 @!p1 $0x1082;
	[sflag:s4] =	ssyncset.s32 $0xFFFFF086  }
0x25: {  	[simem:s6], [sflag:s4] =	dma.local [hbm:s3], $0xF7A  }
0x26: {  	[smem:$0x3F9B] =	sst s1;
	(tag) =	ssettag s2;
	_ =	strace s9  }
0x27: {  	s1 =	sld [smem:$0x3FAB]  }
0x28: {  	s2 =	sld [smem:$0x3FAC]  }
0x29: {  	s4 =	sld [smem:$0x3FAE]  }
0x2a: {  	p0 =	seq.s32 s5, $0x0;
	s5 =	sld [smem:$0x3FAF]  }
0x2b: {  	s6 =	sld [smem:$0x3FB0]  }
0x2c: {  	s7 =	sld [smem:$0x3FB1]  }
0x2d: {  	s3 =	simm.s32 $0x108;
	s8 =	sld [smem:$0x3FB2]  }
0x2e: {  	s3 =	simm.s32 @!p0 $0x1082;
	s9 =	sld [smem:$0x3FB3]  }
0x2f: {  	lr =	sadd.s32 s0, s3;
	s0 =	sld [smem:$0x3FAA]  }
0x30: {  	s3 =	sld [smem:$0x3FAD]  }
0x31: {  	[smem:$0x3FB6] =	sst s10  }
0x32: {  	s10 =	sld [smem:$0x3FB4];
	_ =	sdelay $0x3  }
0x33: {  	p0 =	seq.s32 s10, $0x1;
	s10 =	sld [smem:$0x3FB6];
	_ =	sdelay $0x3  }
0x34: {  	[smem:$0x3FB6] =	sst s10  }
0x35: {  	s10 =	sld [smem:$0x3FB5];
	_ =	sdelay $0x3  }
0x36: {  	p1 =	seq.s32 s10, $0x1;
	s10 =	sld [smem:$0x3FB6];
	_ =	sdelay $0x3  }
0x37: {  	[smem:$0x3FB6] =	sst s10  }
0x38: {  	s10 =	sld [smem:$0x3FB7]  }
0x39: {  	_ = 	snop;
	(pc) =	sbr.ind lr, $3  }
0x3a: {  	_ = 	snop  }
0x3b: {  	_ = 	snop  }
0x3c: {  	p2 =	seq.s32 s10, $0x1;
	s10 =	sld [smem:$0x3FB6]  }
0x3d: {  	_ =	shalt  }
0x3e: {  	_ =	shalt  }
0x3f: {  	_ =	shalt  }
0x40: {  	_ =	shalt  }
0x41: {  	_ =	shalt  }
0x42: {  	_ =	shalt  }
0x43: {  	_ =	shalt  }
0x44: {  	_ =	shalt  }
0x45: {  	_ =	shalt  }
0x46: {  	_ =	shalt  }
0x47: {  	_ =	shalt  }
0x48: {  	_ =	shalt  }
0x49: {  	_ =	shalt  }
0x4a: {  	_ =	shalt  }
0x4b: {  	_ =	shalt  }
0x4c: {  	_ =	shalt  }
0x4d: {  	_ =	shalt  }
0x4e: {  	_ =	shalt  }
0x4f: {  	_ =	shalt  }
0x50: {  	_ =	shalt  }
0x51: {  	_ =	shalt  }
0x52: {  	_ =	shalt  }
0x53: {  	_ =	shalt  }
0x54: {  	_ =	shalt  }
0x55: {  	_ =	shalt  }
0x56: {  	_ =	shalt  }
0x57: {  	_ =	shalt  }
0x58: {  	_ =	shalt  }
0x59: {  	_ =	shalt  }
0x5a: {  	_ =	shalt  }
0x5b: {  	_ =	shalt  }
0x5c: {  	_ =	shalt  }
0x5d: {  	_ =	shalt  }
0x5e: {  	_ =	shalt  }
0x5f: {  	_ =	shalt  }
0x60: {  	_ =	shalt  }
0x61: {  	_ =	shalt  }
0x62: {  	_ =	shalt  }
0x63: {  	_ =	shalt  }
0x64: {  	_ =	shalt  }
0x65: {  	_ =	shalt  }
0x66: {  	_ =	shalt  }
0x67: {  	_ =	shalt  }
0x68: {  	_ =	shalt  }
0x69: {  	_ =	shalt  }
0x6a: {  	_ =	shalt  }
0x6b: {  	_ =	shalt  }
0x6c: {  	_ =	shalt  }
0x6d: {  	_ =	shalt  }
0x6e: {  	_ =	shalt  }
0x6f: {  	_ =	shalt  }
0x70: {  	_ =	shalt  }
0x71: {  	_ =	shalt  }
0x72: {  	_ =	shalt  }
0x73: {  	_ =	shalt  }
0x74: {  	_ =	shalt  }
0x75: {  	_ =	shalt  }
0x76: {  	_ =	shalt  }
0x77: {  	_ =	shalt  }
0x78: {  	_ =	shalt  }
0x79: {  	_ =	shalt  }
0x7a: {  	_ =	shalt  }
0x7b: {  	_ =	shalt  }
0x7c: {  	_ =	shalt  }
0x7d: {  	_ =	shalt  }
0x7e: {  	_ =	shalt  }
0x7f: {  	_ =	shalt  }
0x80: {  	_ =	shalt  }
0x81: {  	_ =	shalt  }
0x82: {  	_ =	shalt  }
0x83: {  	_ =	shalt  }
0x84: {  	_ =	shalt  }
0x85: {  	_ =	shalt  }
0x86: {  	_ =	shalt  }
0x87: {  	_ =	shalt  }
.Lfunc_end0:
.L_simem_size_0:
called_computation_lowered:
.L_overlay_start_0:
0x88: {  	s2 =	sld [smem:$0x3FD9]  }
0x89: {  	s3 =	sld [smem:$0x3FFE];
	_ =	sdelay $0x1  }
0x8a: {  	s1 =	srdreg.scid  }
0x8b: {  	s0 =	sand.u32 $0x1, s1  }
0x8c: {  	s17 =	sshll.u32 s0, $0xA;
	s2 =	sadd.s32 s3, s2  }
0x8d: {  	s2 =	sadd.s32 s2, s17  }
0x8e: {  	[smem:$0x3FC2] =	sst s2  }
0x8f: {  	_ = 	snop  }
0x90: {  	s2 =	sld [smem:$0x3FD0];
	(tm) =	ssettm $0x1  }
0x91: {  	s18 =	sld [smem:$0x3FFB];
	_ =	sdelay $0x3  }
0x92: {  	_ =	strace s18  }
0x93: {  	s3 =	sld [smem:$0x3FFC];
	_ =	sdelay $0x3  }
0x94: {  	_ =	strace s3  }
0x95: {  	s3 =	sld [smem:$0x3FFD];
	_ =	sdelay $0x3  }
0x96: {  	_ =	strace s3  }
0x97: {  	_ =	strace $0x8FFFFFFF  }
0x98: {  	s19 =	sld [smem:$0x3FDB];
	_ =	sdelay $0x1  }
0x99: {  	s4 =	simm.s32 $_scs_section_size  }
0x9a: {  	s5 =	simm.s32 $_size__tile_overlayer_lowered;
	s6 =	simm.s32 $_tile_overlayer_lowered  }
0x9b: {  	s22 =	simm.s32 $0x1BFF;
	s21 =	sshll.u32 s6, $0x1;
	s3 =	sadd.s32 s4, s19  }
0x9c: {  	s7 =	simm.s32 $0x0;
	s20 =	sshll.u32 s5, $0x1;
	s5 =	sadd.s32 s21, s3  }
0x9d: {  	[timem:s7], [sflag:s22] =	dma.local [hbm:s5], s20  }
0x9e: {  	_ =	swait.ge [sflag:s22], s20  }
0x9f: {  	s4 =	ssub.s32 $0x0, s20;
	[sflag:s22] =	ssyncset.done $0x0  }
0xa0: {  	[sflag:s22] =	ssyncadd.s32 s4;
	_ =	sdelay $0x1  }
0xa1: {  	s23 =	simm.s32 $0x1B8B  }
0xa2: {  	_ =	swait.ge [sflag:s23], $0x1  }
0xa3: {  	[sflag:s23] =	ssyncset.done $0x0  }
0xa4: {  	s25 =	simm.s32 $0x1B8E;
	s24 =	sld [smem:$0x3FFE];
	[sflag:s23] =	ssyncadd.s32 $0xFFFFFFFF  }
0xa5: {  	s26 =	simm.s32 $execute0_lowered;
	[smem:$0x3FD2] =	sst s25  }
0xa6: {  	s5 =	sshll.u32 s26, $0x1;
	_ =	strace $0x80000046;
	[dreg:$0x1] =	wrdreg $0xFFFFFFFF  }
0xa7: {  	s28 =	simm.s32 $_size_execute0_lowered;
	s3 =	sadd.s32 s3, s5;
	[dreg:$0x0] =	wrdreg $0x0  }
0xa8: {  	s5 =	sshll.u32 s28, $0x1;
	[dreg:$0x2] =	wrdreg s3  }
0xa9: {  	[dreg:$0x3] =	wrdreg s5  }
0xaa: {  	[dreg:$0x4] =	wrdreg $0xC0  }
0xab: {  	_ =	task [dreg:s7], $0x5FFFF  }
0xac: {  	[dreg:$0x1] =	wrdreg $0xFFFFFFFF  }
0xad: {  	[dreg:$0x0] =	wrdreg $0x60  }
0xae: {  	[dreg:$0x2] =	wrdreg s24  }
0xaf: {  	[dreg:$0x3] =	wrdreg s2  }
0xb0: {  	[dreg:$0x4] =	wrdreg $0x9  }
0xb1: {  	_ =	task.clear_ibuf [dreg:s7], $0x5FFFF;
	_ =	strace $0x90000046  }
0xb2: {  	s29 =	simm.s32 $0x9;
	_ =	strace $0x80000048  }
0xb3: {  	_ =	swait.ge [sflag:s29], $0x1  }
0xb4: {  	[sflag:s29] =	ssyncadd.s32 $0xFFFFFFFF  }
0xb5: {  	_ =	strace $0x90000048  }
0xb6: {  	_ =	sfence  }
0xb7: {  	s30 =	sld [smem:$0x0];
	_ =	sdelay $0x2  }
0xb8: {  	s31 =	sshll.u32 s1, $0xD;
	s1 =	sshrl.u32 s1, $0x2  }
0xb9: {  	s3 =	sand.u32 $0x4000, s31;
	s1 =	sadd.s32 s1, s30  }
0xba: {  	s0 =	sor.u32 s3, s0;
	s1 =	sshll.u32 s1, $0x11  }
0xbb: {  	s0 =	sor.u32 s1, s0  }
0xbc: {  	s0 =	sadd.s32 $0x8F2B, s0  }
0xbd: {  	[sflag:s0] =	ssyncadd.remote.s32 $0x1  }
0xbe: {  	_ =	sfence.sel $0xFFFF  }
0xbf: {  	[dreg:$0x0] =	wrdreg $0xFFFFFFFF;
	(pc) =	sbr.abs _section_cstart, $3  }
0xc0: {  	[dreg:$0x1] =	wrdreg $0xFFFFFFFF  }
0xc1: {  	_ =	task.clear_ibuf [dreg:s7], $0x2FFFF;
	_ =	strace $0x9FFFFFFF  }
0xc2: {  	(tm) =	ssettm $0x7FFFFFFF  }
0xc3: {  	_ =	shalt  }
tec
execute0_lowered:
.L_overlay_start_1:
0x0: {  	(tag) =	ssettag $0x1  }
0x1: {  	s1 =	srdreg.scid;
	s0 =	stileid.u32  }
0x2: {  	s4 =	sand.u32 $0x1, s1;
	s31 =	sshll.u32 s0, $0x1  }
0x3: {  	s3 =	rddreg [dreg:$0x0];
	s6 =	sor.u32 s4, s31  }
0x4: {  	s5 =	rddreg [dreg:$0x1];
	s2 =	simm.s32 $0x0;
	s7 =	smul.u32 $0x2710, s6  }
0x5: {  	[smem:$0x7FF] =	sst s2;
	s4 =	ssub.s32 $0x2, s4;
	s6 =	smul.u32 $0x500, s6  }
0x6: {  	s1 =	rddreg [dreg:$0x2];
	_ =	strace $0x80000047;
	s8 =	sshrl.u32 s4, $0x1  }
0x7: {  	s8 =	ssub.s32 s4, s8;
	s7 =	sshrl.u32 s7, $0x3;
	s4 =	sadd.s32 s5, s6  }
0x8: {  	s5 =	smax.u32 s8, $0x1;
	s6 =	simm.s32 $0x1;
	s3 =	sadd.s32 s3, s7  }
0x9: {  	v0 =	vimm.f32 $0.0e+00;
	v1 =	vimm.f32 $1.000000000e+00;
	s8 =	simm.s32 $0x0;
	s7 =	simm.s32 $0x2710;
	s3 =	sadd.s32 $0xBA40, s3  }
.LBB2_1:
0xa: {  	s9 =	simm.s32 $0x40;
	s10 =	simm.s32 $0x0  }
.LBB2_2:
0xb: {  	p0 =	sne.s32 s9, $0x9FC0;
	[tilespmem:s10+$0x2710] =	vst v0;
	s10 =	smov.u32 s9;
	s9 =	sadd.s32 $0x40, s9  }
.Ltmp0:
0xc: {  	(pc) =	sbr.rel @p0 .LBB2_2-.Ltmp0, $2  }
0xd: {  	_ =	sdelay $0x2  }
0xe: {  	s10 =	sshra.s32 s10, $0x2  }
0xf: {  	[tilespmem:s10+$0x2710] =	vst v0;
	s9 =	simm.s32 $0x0  }
0x10: {  	[tilespmem:s9], [sflag:$0x1] =	stream.linear.gather [hbm4b:s3+s9], $0x2710, $0x38;
	[tilespmem:$0x4F10] =	vst v63  }
0x11: {  	_ =	swait.ge [sflag:s6], $0x2710  }
0x12: {  	[sflag:s6] =	ssyncset.done $0x0  }
0x13: {  	s10 =	simm.s32 $0x0;
	s9 =	simm.s32 $0x40;
	[sflag:s6] =	ssyncadd.s32 $0xFFFFD8F0  }
.LBB2_4:
0x14: {  	p0 =	sne.s32 s9, $0x9C00;
	v2 =	vld [tilespmem:s10+$0x0];
	_ =	sdelay $0x3  }
.Ltmp1:
0x15: {  	(pc) =	sbr.rel @p0 .LBB2_4-.Ltmp1, $2  }
0x16: {  	_ =	sdelay $0x2  }
0x17: {  	s10 =	sshra.s32 s9, $0x2;
	s9 =	sadd.s32 $0x40, s9;
	[tilespmem:v2+s7+$0x0] =	vst.idx.add.f32.msk $0xffff, v1  }
0x18: {  	v2 =	vld [tilespmem:s10+$0x0];
	_ =	sdelay $0x5  }
0x19: {  	s8 =	sadd.s32 $0x1, s8  }
0x1a: {  	p0 =	sne.s32 s8, s5  }
.Ltmp2:
0x1b: {  	[tilespmem:v2+s7+$0x0] =	vst.idx.add.f32.msk $0xffff, v1;
	(pc) =	sbr.rel @p0 .LBB2_1-.Ltmp2, $4  }
0x1c: {  	[hbm4b:s4+s2] =	stream.linear.scatter [tilespmem:s7], [sflag:$0x1], $0x2800, $0x38;
	[tilespmem:$0x4F10] =	vst v63  }
0x1d: {  	_ =	swait.ge [sflag:s6], $0x2800  }
0x1e: {  	[sflag:s6] =	ssyncset.done $0x0  }
0x1f: {  	[sflag:s6] =	ssyncadd.s32 $0xFFFFD800  }
0x20: {  	_ =	sfence.sel $0x180000  }
0x21: {  	[bflag:$0x0] =	sbarrier.arrive $0xFFFF  }
0x22: {  	p0 =	sne.s32 s0, $0x0;
	_ =	strace $0x90000047  }
0x23: {  	s0 =	sadd.s32 @!p0 $0x100000, s1;
	[bflag:$0x2] =	sbarrier.arrive $0xFFFF  }
0x24: {  	[sflag:s0] =	ssyncadd.tile.s32 @!p0 $0x1;
	_ =	shalt  }
.Lfunc_end2:
_tile_overlayer_lowered:
.L_overlay_start_2:
0x25: {  	(tag) =	ssettag $0x2  }
0x26: {  	s0 =	rddreg [dreg:$0x0];
	s2 =	stileid.u32  }
0x27: {  	s1 =	rddreg [dreg:$0x1];
	p0 =	sne.s32 s2, $0x0  }
0x28: {  	s3 =	rddreg [dreg:$0x2];
	[bflag:$0x3] =	sbarrier.arrive $0xFFFF;
	s2 =	simm.s32 @!p0 $0x1C01  }
0x29: {  	[timem:s3], [sflag:s2] =	dma.local @!p0 [hbm:s0], s1  }
0x2a: {  	s0 =	simm.s32 @!p0 $0x1  }
0x2b: {  	_ =	swait.ge @!p0 [sflag:s0], s1  }
0x2c: {  	s1 =	ssub.s32 @!p0 $0x0, s1;
	[sflag:s0] =	ssyncset.done @!p0 $0x0  }
0x2d: {  	[sflag:s0] =	ssyncadd.s32 @!p0 s1  }
0x2e: {  	[bflag:$0x3] =	sbarrier.arrive $0xFFFF  }
0x2f: {  	_ =	shalt  }

</sc_bundles>
